<compile_context>
chip_gen: v7x
topology: tpu7x:2x2x1
jax: 0.10.2.dev20260603
libtpu: 0.0.44.dev20260713+nightly
codegen_flags: <defaults>
</compile_context>

<pallas_src>
import jax
import jax.numpy as jnp
from jax import lax
from jax.experimental import pallas as pl
from jax.experimental.pallas import tpu as pltpu
from jax.experimental.pallas import tpu_sc as plsc

_P = 4096
_T = 524288
_HID = 64
_NC = 2
_NS = 16
_NW = _NC * _NS
_SPW = _P // _NW
_CHUNK = 4096
_NCHUNKS = _T // _CHUNK
_ABUF = _SPW * _HID


def _bf16r(v):
    i = plsc.bitcast(v, jnp.int32)
    lsb = lax.shift_right_logical(i, 16) & jnp.int32(1)
    r = (i + jnp.int32(32767) + lsb) & jnp.int32(-65536)
    return plsc.bitcast(r, jnp.float32)


def _sc_body(xs_hbm, ys_hbm, zs_hbm, sid_hbm, prop_hbm, w1_hbm, b1_hbm,
             pmax_hbm, pmean_hbm, cnt_hbm,
             xsv, ysv, zsv, sidv, binsv, startv, accs, accm, cntv, invv, cntfv,
             propv, w1v, b1v, cfv, clv, idxv, sem):
    c = lax.axis_index("c")
    s = lax.axis_index("s")
    wid = c * _NS + s
    seg0 = wid * _SPW
    seg1 = seg0 + _SPW

    pltpu.sync_copy(w1_hbm, w1v)
    pltpu.sync_copy(b1_hbm, b1v)
    it16 = lax.iota(jnp.int32, 16)
    for i in range(_NCHUNKS // 16):
        idxv[pl.ds(i * 16, 16)] = (it16 + (i * 16)) * _CHUNK
    pltpu.async_copy(sid_hbm.at[idxv], cfv, sem).wait()
    for i in range(_NCHUNKS // 16):
        idxv[pl.ds(i * 16, 16)] = (it16 + (i * 16)) * _CHUNK + (_CHUNK - 1)
    pltpu.async_copy(sid_hbm.at[idxv], clv, sem).wait()
    pltpu.sync_copy(prop_hbm.at[pl.ds(seg0 * 6, _SPW * 6)],
                    propv.at[pl.ds(0, _SPW * 6)])

    w1r = [[_bf16r(w1v[pl.ds(64 * r + 16 * q, 16)]) for q in range(4)] for r in range(3)]
    b1q = [b1v[pl.ds(16 * q, 16)] for q in range(4)]

    zf = jnp.zeros((16,), jnp.float32)
    zi = jnp.zeros((16,), jnp.int32)

    @pl.loop(0, _SPW)
    def _(i):
        for q in range(4):
            accs[i, pl.ds(q * 16, 16)] = zf
            accm[i, pl.ds(q * 16, 16)] = zf

    for i in range(_SPW // 16):
        cntv[pl.ds(i * 16, 16)] = zi

    k_lo = jnp.int32(0)
    k_hi = jnp.int32(0)
    for i in range(_NCHUNKS // 16):
        vl = clv[pl.ds(i * 16, 16)]
        vf = cfv[pl.ds(i * 16, 16)]
        k_lo = k_lo + plsc.cumsum((vl < seg0).astype(jnp.int32))[15]
        k_hi = k_hi + plsc.cumsum((vf < seg1).astype(jnp.int32))[15]
    n_ch = jnp.maximum(k_hi - k_lo, 0)

    one16 = jnp.ones((16,), jnp.int32)

    @pl.loop(0, n_ch)
    def _(kk):
        k = k_lo + kk
        base = k * _CHUNK
        pltpu.sync_copy(xs_hbm.at[pl.ds(base, _CHUNK)], xsv.at[pl.ds(0, _CHUNK)])
        pltpu.sync_copy(ys_hbm.at[pl.ds(base, _CHUNK)], ysv.at[pl.ds(0, _CHUNK)])
        pltpu.sync_copy(zs_hbm.at[pl.ds(base, _CHUNK)], zsv.at[pl.ds(0, _CHUNK)])
        pltpu.sync_copy(sid_hbm.at[pl.ds(base, _CHUNK)], sidv)

        for i in range(144 // 16):
            binsv[pl.ds(i * 16, 16)] = zi

        @pl.loop(0, _CHUNK // 16)
        def _(i):
            v = sidv[pl.ds(i * 16, 16)]
            lsc = jnp.minimum(jnp.maximum(v - seg0, -1), _SPW) + 1
            plsc.addupdate_scatter(binsv, [lsc], one16)

        carry = jnp.int32(0)
        for i in range(144 // 16):
            cs = plsc.cumsum(binsv[pl.ds(i * 16, 16)]) + carry
            startv[pl.ds(i * 16, 16)] = cs
            carry = cs[15]

        for i in range(_SPW // 16):
            cntv[pl.ds(i * 16, 16)] = (
                cntv[pl.ds(i * 16, 16)] + binsv[pl.ds(i * 16 + 1, 16)])

        @pl.loop(0, _SPW)
        def _(sg):
            binw = binsv[pl.ds(sg, 16)]
            n = binw[1]

            @pl.when(n > 0)
            def _():
                sv = startv[pl.ds(sg, 16)]
                lo = sv[0]
                cxs = plsc.load_gather(propv, [zi + sg * 6])
                cys = plsc.load_gather(propv, [zi + sg * 6 + 1])
                czs = plsc.load_gather(propv, [zi + sg * 6 + 2])
                init = tuple(accs[sg, pl.ds(q * 16, 16)] for q in range(4)) + \
                       tuple(accm[sg, pl.ds(q * 16, 16)] for q in range(4))

                def pbody(j, cr):
                    rowv = zi + (lo + j)
                    px = plsc.load_gather(xsv, [rowv])
                    py = plsc.load_gather(ysv, [rowv])
                    pz = plsc.load_gather(zsv, [rowv])
                    rx = _bf16r(px - cxs)
                    ry = _bf16r(py - cys)
                    rz = _bf16r(pz - czs)
                    out = []
                    hs = []
                    for q in range(4):
                        h = jnp.maximum(
                            rx * w1r[0][q] + ry * w1r[1][q] + rz * w1r[2][q] + b1q[q],
                            0.0)
                        hs.append(h)
                        out.append(cr[q] + h)
                    for q in range(4):
                        out.append(jnp.maximum(cr[4 + q], hs[q]))
                    return tuple(out)

                fin = pl.loop(0, n, init_carry=init)(pbody)
                for q in range(4):
                    accs[sg, pl.ds(q * 16, 16)] = fin[q]
                    accm[sg, pl.ds(q * 16, 16)] = fin[4 + q]

    for i in range(_SPW // 16):
        nv = cntv[pl.ds(i * 16, 16)].astype(jnp.float32)
        cntfv[pl.ds(i * 16, 16)] = nv
        invv[pl.ds(i * 16, 16)] = 1.0 / jnp.maximum(nv, 1.0)

    @pl.loop(0, _SPW)
    def _(sg):
        iv = invv[pl.ds(sg, 16)][0]
        for q in range(4):
            accs[sg, pl.ds(q * 16, 16)] = accs[sg, pl.ds(q * 16, 16)] * iv

    pltpu.sync_copy(accm, pmax_hbm.at[pl.ds(seg0, _SPW)])
    pltpu.sync_copy(accs, pmean_hbm.at[pl.ds(seg0, _SPW)])
    pltpu.sync_copy(cntfv, cnt_hbm.at[pl.ds(seg0, _SPW)])


_sc_call = pl.kernel(
    _sc_body,
    out_type=(
        jax.ShapeDtypeStruct((_P, _HID), jnp.float32),
        jax.ShapeDtypeStruct((_P, _HID), jnp.float32),
        jax.ShapeDtypeStruct((_P,), jnp.float32),
    ),
    mesh=plsc.VectorSubcoreMesh(core_axis_name="c", subcore_axis_name="s"),
    compiler_params=pltpu.CompilerParams(needs_layout_passes=False),
    scratch_types=[
        pltpu.VMEM((_CHUNK + 16,), jnp.float32),
        pltpu.VMEM((_CHUNK + 16,), jnp.float32),
        pltpu.VMEM((_CHUNK + 16,), jnp.float32),
        pltpu.VMEM((_CHUNK,), jnp.int32),
        pltpu.VMEM((144,), jnp.int32),
        pltpu.VMEM((144,), jnp.int32),
        pltpu.VMEM((_SPW, _HID), jnp.float32),
        pltpu.VMEM((_SPW, _HID), jnp.float32),
        pltpu.VMEM((_SPW,), jnp.int32),
        pltpu.VMEM((_SPW + 16,), jnp.float32),
        pltpu.VMEM((_SPW,), jnp.float32),
        pltpu.VMEM((_SPW * 6 + 16,), jnp.float32) ,
        pltpu.VMEM((192,), jnp.float32),
        pltpu.VMEM((64,), jnp.float32),
        pltpu.VMEM((_NCHUNKS,), jnp.int32),
        pltpu.VMEM((_NCHUNKS,), jnp.int32),
        pltpu.VMEM((_NCHUNKS,), jnp.int32),
        pltpu.SemaphoreType.DMA,
    ],
)


_SPLIT_B = 32768


def _split_body(p_ref, x_ref, y_ref, z_ref):
    blkT = jnp.transpose(p_ref[...])
    x_ref[...] = blkT[0]
    y_ref[...] = blkT[1]
    z_ref[...] = blkT[2]


def _split_call(pts):
    return pl.pallas_call(
        _split_body,
        grid=(_T // _SPLIT_B,),
        in_specs=[pl.BlockSpec((_SPLIT_B, 3), lambda i: (i, 0))],
        out_specs=[pl.BlockSpec((_SPLIT_B,), lambda i: (i,))] * 3,
        out_shape=[jax.ShapeDtypeStruct((_T,), jnp.float32)] * 3,
    )(pts)


def _tc_body(pmax_ref, pmean_ref, cnt_ref, w2a_ref, w2b_ref, b2_ref,
             wcr_ref, bcr_ref, out_ref):
    feat = jnp.maximum(
        jnp.dot(pmax_ref[...], w2a_ref[...], preferred_element_type=jnp.float32)
        + jnp.dot(pmean_ref[...], w2b_ref[...], preferred_element_type=jnp.float32)
        + b2_ref[...],
        0.0)
    feat = jnp.where(cnt_ref[...] > 0.0, feat, 0.0)
    out_ref[...] = (
        jnp.dot(feat, wcr_ref[...], preferred_element_type=jnp.float32)
        + bcr_ref[...])


def _tc_call(pmax, pmean, cnt, w2a, w2b, b2, wcr, bcr):
    return pl.pallas_call(
        _tc_body,
        out_shape=jax.ShapeDtypeStruct((_P, 8), jnp.float32),
    )(pmax, pmean, cnt, w2a, w2b, b2, wcr, bcr)


def kernel(flat_points, proposals, segment_ids, W1, b1, W2, b2, Wc, bc, Wr, br):
    sid = segment_ids.astype(jnp.int32)
    xs, ys, zs = _split_call(flat_points)
    pmax, pmean, cnt = _sc_call(
        xs, ys, zs,
        sid,
        proposals.reshape(-1),
        W1.reshape(-1),
        b1,
    )
    wcr = jnp.zeros((2 * _HID, 8), jnp.float32)
    wcr = wcr.at[:, 0:1].set(Wc).at[:, 1:5].set(Wr)
    bcr = jnp.zeros((1, 8), jnp.float32)
    bcr = bcr.at[0, 0:1].set(bc).at[0, 1:5].set(br)
    out = _tc_call(pmax, pmean, cnt.reshape(_P, 1),
                   W2[:_HID], W2[_HID:], b2.reshape(1, 2 * _HID), wcr, bcr)
    return out[:, 0:1], out[:, 1:5]

# --- scband reference (transcript-rebuilt; emitter-appended) ---
"""Pipeline reference for scband-refinement-head-14826227106356 (READ-ONLY COPY).

The authoritative reference and input builder live on the scoring server;
editing this copy changes nothing except your own understanding.
"""

import jax, jax.numpy as jnp
import numpy as np

P = 4096
T = 524288
POINT_DIM = 3
HIDDEN = 64
OUT_DIM = 128


def setup_inputs(seed: int = 0) -> dict:
    key = jax.random.key(seed)
    ks = jax.random.split(key, 10)
    flat_points = jax.random.normal(ks[0], (T, POINT_DIM), dtype=jnp.float32)
    proposals = jax.random.normal(ks[1], (P, 6), dtype=jnp.float32)
    segment_ids = jnp.sort(jax.random.randint(ks[2], (T,), 0, P))
    W1 = jax.random.normal(ks[3], (POINT_DIM, HIDDEN), dtype=jnp.float32) * 0.1
    b1 = jnp.zeros((HIDDEN,), dtype=jnp.float32)
    W2 = jax.random.normal(ks[4], (2 * HIDDEN, OUT_DIM), dtype=jnp.float32) * 0.05
    b2 = jnp.zeros((OUT_DIM,), dtype=jnp.float32)
    Wc = jax.random.normal(ks[5], (OUT_DIM, 1), dtype=jnp.float32) * 0.05
    bc = jnp.zeros((1,), dtype=jnp.float32)
    Wr = jax.random.normal(ks[6], (OUT_DIM, 4), dtype=jnp.float32) * 0.05
    br = jnp.zeros((4,), dtype=jnp.float32)
    return {"flat_points": flat_points, "proposals": proposals, "segment_ids": segment_ids,
            "W1": W1, "b1": b1, "W2": W2, "b2": b2, "Wc": Wc, "bc": bc, "Wr": Wr, "br": br}


def reference(flat_points, proposals, segment_ids, W1, b1, W2, b2, Wc, bc, Wr, br):
    # MultiPositionExtractor: per-point features relative to proposal center,
    # pooled per proposal (max + mean), fused to out_dim.
    num_seg = proposals.shape[0]
    centers = proposals[:, :3]
    rel = flat_points - jnp.take(centers, segment_ids, axis=0)  # gather (SparseCore)
    h = jax.nn.relu(rel @ W1 + b1)  # [T, HIDDEN]
    ones = jnp.ones((flat_points.shape[0],), dtype=jnp.float32)
    counts = jax.ops.segment_sum(ones, segment_ids, num_segments=num_seg)  # [P]
    pooled_max = jax.ops.segment_max(h, segment_ids, num_segments=num_seg)
    pooled_max = jnp.where(counts[:, None] > 0, pooled_max, 0.0)
    pooled_sum = jax.ops.segment_sum(h, segment_ids, num_segments=num_seg)
    pooled_mean = pooled_sum / jnp.maximum(counts[:, None], 1.0)
    feat = jax.nn.relu(jnp.concatenate([pooled_max, pooled_mean], axis=-1) @ W2 + b2)  # [P, OUT_DIM]
    # torch reference: empty proposals get a zero feature vector before the heads
    feat = jnp.where(counts[:, None] > 0, feat, 0.0)
    cls_logits = feat @ Wc + bc  # [P, 1]
    reg_deltas = feat @ Wr + br  # [P, 4]
    return cls_logits, reg_deltas

if __name__ == "__main__":
    import jax
    _d = setup_inputs()
    print(jax.jit(kernel)(*tuple(_d.values())))

</pallas_src>

<mosaic_0001>
#map = affine_map<(d0, d1) -> (0)>
#map1 = affine_map<(d0, d1) -> (0, 0)>
module attributes {stable_mosaic.version = 14 : i64} {
  func.func @_sc_body(%arg0: i32, %arg1: i32, %arg2: memref<524288xf32, #tpu.memory_space<hbm>>, %arg3: memref<524288xf32, #tpu.memory_space<hbm>>, %arg4: memref<524288xf32, #tpu.memory_space<hbm>>, %arg5: memref<524288xi32, #tpu.memory_space<hbm>>, %arg6: memref<24576xf32, #tpu.memory_space<hbm>>, %arg7: memref<192xf32, #tpu.memory_space<hbm>>, %arg8: memref<64xf32, #tpu.memory_space<hbm>>, %arg9: memref<4096x64xf32, #tpu.memory_space<hbm>>, %arg10: memref<4096x64xf32, #tpu.memory_space<hbm>>, %arg11: memref<4096xf32, #tpu.memory_space<hbm>>, %arg12: memref<4112xf32, #tpu.memory_space<vmem>>, %arg13: memref<4112xf32, #tpu.memory_space<vmem>>, %arg14: memref<4112xf32, #tpu.memory_space<vmem>>, %arg15: memref<4096xi32, #tpu.memory_space<vmem>>, %arg16: memref<144xi32, #tpu.memory_space<vmem>>, %arg17: memref<144xi32, #tpu.memory_space<vmem>>, %arg18: memref<128x64xf32, #tpu.memory_space<vmem>>, %arg19: memref<128x64xf32, #tpu.memory_space<vmem>>, %arg20: memref<128xi32, #tpu.memory_space<vmem>>, %arg21: memref<144xf32, #tpu.memory_space<vmem>>, %arg22: memref<128xf32, #tpu.memory_space<vmem>>, %arg23: memref<784xf32, #tpu.memory_space<vmem>>, %arg24: memref<192xf32, #tpu.memory_space<vmem>>, %arg25: memref<64xf32, #tpu.memory_space<vmem>>, %arg26: memref<128xi32, #tpu.memory_space<vmem>>, %arg27: memref<128xi32, #tpu.memory_space<vmem>>, %arg28: memref<128xi32, #tpu.memory_space<vmem>>, %arg29: memref<!tpu.dma_semaphore, #tpu.memory_space<semaphore_mem>>) attributes {dimension_semantics = [#tpu.dimension_semantics<core_parallel>, #tpu.dimension_semantics<subcore_parallel>], iteration_bounds = array<i64: 2, 16>, scalar_prefetch = 0 : i64, scratch_operands = 18 : i64, tpu.core_type = #tpu.core_type<sc_vector_subcore>, window_params = [{transform_indices = #map}, {transform_indices = #map}, {transform_indices = #map}, {transform_indices = #map}, {transform_indices = #map}, {transform_indices = #map}, {transform_indices = #map}, {transform_indices = #map1}, {transform_indices = #map1}, {transform_indices = #map}]} {
    %mul3A = arith.constant 16 : i32
    %mul3A_0 = arith.muli %arg0, %mul3A : i32
    %add3A = arith.addi %mul3A_0, %arg1 : i32
    %mul3A_1 = arith.constant 128 : i32
    %mul3A_2 = arith.muli %add3A, %mul3A_1 : i32
    %add3A_3 = arith.constant 128 : i32
    %add3A_4 = arith.addi %mul3A_2, %add3A_3 : i32
    "tpu.region"() ({
      %run_scoped3A = tpu.sem_alloc : memref<!tpu.dma_semaphore, #tpu.memory_space<semaphore_mem>>
      tpu.enqueue_dma source(%arg7 : memref<192xf32, #tpu.memory_space<hbm>>) target(%arg24 : memref<192xf32, #tpu.memory_space<vmem>>) target_semaphore(%run_scoped3A : memref<!tpu.dma_semaphore, #tpu.memory_space<semaphore_mem>>)
      tpu.wait_dma2 semaphore(%run_scoped3A : memref<!tpu.dma_semaphore, #tpu.memory_space<semaphore_mem>>) src(%arg7 : memref<192xf32, #tpu.memory_space<hbm>>) dst(%arg24 : memref<192xf32, #tpu.memory_space<vmem>>)
      tpu.yield
    }) : () -> ()
    "tpu.region"() ({
      %run_scoped3A = tpu.sem_alloc : memref<!tpu.dma_semaphore, #tpu.memory_space<semaphore_mem>>
      tpu.enqueue_dma source(%arg8 : memref<64xf32, #tpu.memory_space<hbm>>) target(%arg25 : memref<64xf32, #tpu.memory_space<vmem>>) target_semaphore(%run_scoped3A : memref<!tpu.dma_semaphore, #tpu.memory_space<semaphore_mem>>)
      tpu.wait_dma2 semaphore(%run_scoped3A : memref<!tpu.dma_semaphore, #tpu.memory_space<semaphore_mem>>) src(%arg8 : memref<64xf32, #tpu.memory_space<hbm>>) dst(%arg25 : memref<64xf32, #tpu.memory_space<vmem>>)
      tpu.yield
    }) : () -> ()
    %iota3A = tpu.iota {dimensions = array<i32: 0>} : vector<16xi32>
    %add3A_5 = arith.constant 0 : i32
    %add3A_6 = vector.broadcast %add3A_5 : i32 to vector<16xi32>
    %add3A_7 = arith.addi %iota3A, %add3A_6 : vector<16xi32>
    %mul3A_8 = arith.constant 4096 : i32
    %mul3A_9 = vector.broadcast %mul3A_8 : i32 to vector<16xi32>
    %mul3A_10 = arith.muli %add3A_7, %mul3A_9 : vector<16xi32>
    %swap3A = arith.constant 0 : index
    %swap3A_11 = tpu.vector_load %arg28[%swap3A] {strides = array<i32>} : memref<128xi32, #tpu.memory_space<vmem>>, vector<16xi32>,
    tpu.vector_store %arg28[%swap3A], %mul3A_10 {strides = array<i32>} : memref<128xi32, #tpu.memory_space<vmem>>, vector<16xi32>,
    %add3A_12 = arith.constant 16 : i32
    %add3A_13 = vector.broadcast %add3A_12 : i32 to vector<16xi32>
    %add3A_14 = arith.addi %iota3A, %add3A_13 : vector<16xi32>
    %mul3A_15 = arith.constant 4096 : i32
    %mul3A_16 = vector.broadcast %mul3A_15 : i32 to vector<16xi32>
    %mul3A_17 = arith.muli %add3A_14, %mul3A_16 : vector<16xi32>
    %swap3A_18 = arith.constant 16 : index
    %swap3A_19 = tpu.vector_load %arg28[%swap3A_18] {strides = array<i32>} : memref<128xi32, #tpu.memory_space<vmem>>, vector<16xi32>,
    tpu.vector_store %arg28[%swap3A_18], %mul3A_17 {strides = array<i32>} : memref<128xi32, #tpu.memory_space<vmem>>, vector<16xi32>,
    %add3A_20 = arith.constant 32 : i32
    %add3A_21 = vector.broadcast %add3A_20 : i32 to vector<16xi32>
    %add3A_22 = arith.addi %iota3A, %add3A_21 : vector<16xi32>
    %mul3A_23 = arith.constant 4096 : i32
    %mul3A_24 = vector.broadcast %mul3A_23 : i32 to vector<16xi32>
    %mul3A_25 = arith.muli %add3A_22, %mul3A_24 : vector<16xi32>
    %swap3A_26 = arith.constant 32 : index
    %swap3A_27 = tpu.vector_load %arg28[%swap3A_26] {strides = array<i32>} : memref<128xi32, #tpu.memory_space<vmem>>, vector<16xi32>,
    tpu.vector_store %arg28[%swap3A_26], %mul3A_25 {strides = array<i32>} : memref<128xi32, #tpu.memory_space<vmem>>, vector<16xi32>,
    %add3A_28 = arith.constant 48 : i32
    %add3A_29 = vector.broadcast %add3A_28 : i32 to vector<16xi32>
    %add3A_30 = arith.addi %iota3A, %add3A_29 : vector<16xi32>
    %mul3A_31 = arith.constant 4096 : i32
    %mul3A_32 = vector.broadcast %mul3A_31 : i32 to vector<16xi32>
    %mul3A_33 = arith.muli %add3A_30, %mul3A_32 : vector<16xi32>
    %swap3A_34 = arith.constant 48 : index
    %swap3A_35 = tpu.vector_load %arg28[%swap3A_34] {strides = array<i32>} : memref<128xi32, #tpu.memory_space<vmem>>, vector<16xi32>,
    tpu.vector_store %arg28[%swap3A_34], %mul3A_33 {strides = array<i32>} : memref<128xi32, #tpu.memory_space<vmem>>, vector<16xi32>,
    %add3A_36 = arith.constant 64 : i32
    %add3A_37 = vector.broadcast %add3A_36 : i32 to vector<16xi32>
    %add3A_38 = arith.addi %iota3A, %add3A_37 : vector<16xi32>
    %mul3A_39 = arith.constant 4096 : i32
    %mul3A_40 = vector.broadcast %mul3A_39 : i32 to vector<16xi32>
    %mul3A_41 = arith.muli %add3A_38, %mul3A_40 : vector<16xi32>
    %swap3A_42 = arith.constant 64 : index
    %swap3A_43 = tpu.vector_load %arg28[%swap3A_42] {strides = array<i32>} : memref<128xi32, #tpu.memory_space<vmem>>, vector<16xi32>,
    tpu.vector_store %arg28[%swap3A_42], %mul3A_41 {strides = array<i32>} : memref<128xi32, #tpu.memory_space<vmem>>, vector<16xi32>,
    %add3A_44 = arith.constant 80 : i32
    %add3A_45 = vector.broadcast %add3A_44 : i32 to vector<16xi32>
    %add3A_46 = arith.addi %iota3A, %add3A_45 : vector<16xi32>
    %mul3A_47 = arith.constant 4096 : i32
    %mul3A_48 = vector.broadcast %mul3A_47 : i32 to vector<16xi32>
    %mul3A_49 = arith.muli %add3A_46, %mul3A_48 : vector<16xi32>
    %swap3A_50 = arith.constant 80 : index
    %swap3A_51 = tpu.vector_load %arg28[%swap3A_50] {strides = array<i32>} : memref<128xi32, #tpu.memory_space<vmem>>, vector<16xi32>,
    tpu.vector_store %arg28[%swap3A_50], %mul3A_49 {strides = array<i32>} : memref<128xi32, #tpu.memory_space<vmem>>, vector<16xi32>,
    %add3A_52 = arith.constant 96 : i32
    %add3A_53 = vector.broadcast %add3A_52 : i32 to vector<16xi32>
    %add3A_54 = arith.addi %iota3A, %add3A_53 : vector<16xi32>
    %mul3A_55 = arith.constant 4096 : i32
    %mul3A_56 = vector.broadcast %mul3A_55 : i32 to vector<16xi32>
    %mul3A_57 = arith.muli %add3A_54, %mul3A_56 : vector<16xi32>
    %swap3A_58 = arith.constant 96 : index
    %swap3A_59 = tpu.vector_load %arg28[%swap3A_58] {strides = array<i32>} : memref<128xi32, #tpu.memory_space<vmem>>, vector<16xi32>,
    tpu.vector_store %arg28[%swap3A_58], %mul3A_57 {strides = array<i32>} : memref<128xi32, #tpu.memory_space<vmem>>, vector<16xi32>,
    %add3A_60 = arith.constant 112 : i32
    %add3A_61 = vector.broadcast %add3A_60 : i32 to vector<16xi32>
    %add3A_62 = arith.addi %iota3A, %add3A_61 : vector<16xi32>
    %mul3A_63 = arith.constant 4096 : i32
    %mul3A_64 = vector.broadcast %mul3A_63 : i32 to vector<16xi32>
    %mul3A_65 = arith.muli %add3A_62, %mul3A_64 : vector<16xi32>
    %swap3A_66 = arith.constant 112 : index
    %swap3A_67 = tpu.vector_load %arg28[%swap3A_66] {strides = array<i32>} : memref<128xi32, #tpu.memory_space<vmem>>, vector<16xi32>,
    tpu.vector_store %arg28[%swap3A_66], %mul3A_65 {strides = array<i32>} : memref<128xi32, #tpu.memory_space<vmem>>, vector<16xi32>,
    %dma_start3A = arith.constant 0 : i32
    %dma_start3A_68 = tpu.memref_slice %arg5[%dma_start3A] : memref<524288xi32, #tpu.memory_space<hbm>> -> memref<524288xi32, #tpu.memory_space<hbm>>
    tpu.enqueue_indirect_dma source(%dma_start3A_68 : memref<524288xi32, #tpu.memory_space<hbm>>) target(%arg26 : memref<128xi32, #tpu.memory_space<vmem>>) offsets(%arg28 : memref<128xi32, #tpu.memory_space<vmem>>) semaphore(%arg29 : memref<!tpu.dma_semaphore, #tpu.memory_space<semaphore_mem>>)
    %dma_wait3A = arith.constant 0 : i32
    %dma_wait3A_69 = tpu.memref_slice %arg5[%dma_wait3A] : memref<524288xi32, #tpu.memory_space<hbm>> -> memref<524288xi32, #tpu.memory_space<hbm>>
    tpu.wait_indirect_dma semaphore(%arg29 : memref<!tpu.dma_semaphore, #tpu.memory_space<semaphore_mem>>) src(%dma_wait3A_69 : memref<524288xi32, #tpu.memory_space<hbm>>) dst(%arg26 : memref<128xi32, #tpu.memory_space<vmem>>)
    %add3A_70 = arith.constant 0 : i32
    %add3A_71 = vector.broadcast %add3A_70 : i32 to vector<16xi32>
    %add3A_72 = arith.addi %iota3A, %add3A_71 : vector<16xi32>
    %mul3A_73 = arith.constant 4096 : i32
    %mul3A_74 = vector.broadcast %mul3A_73 : i32 to vector<16xi32>
    %mul3A_75 = arith.muli %add3A_72, %mul3A_74 : vector<16xi32>
    %add3A_76 = arith.constant 4095 : i32
    %add3A_77 = vector.broadcast %add3A_76 : i32 to vector<16xi32>
    %add3A_78 = arith.addi %mul3A_75, %add3A_77 : vector<16xi32>
    %swap3A_79 = arith.constant 0 : index
    %swap3A_80 = tpu.vector_load %arg28[%swap3A_79] {strides = array<i32>} : memref<128xi32, #tpu.memory_space<vmem>>, vector<16xi32>,
    tpu.vector_store %arg28[%swap3A_79], %add3A_78 {strides = array<i32>} : memref<128xi32, #tpu.memory_space<vmem>>, vector<16xi32>,
    %add3A_81 = arith.constant 16 : i32
    %add3A_82 = vector.broadcast %add3A_81 : i32 to vector<16xi32>
    %add3A_83 = arith.addi %iota3A, %add3A_82 : vector<16xi32>
    %mul3A_84 = arith.constant 4096 : i32
    %mul3A_85 = vector.broadcast %mul3A_84 : i32 to vector<16xi32>
    %mul3A_86 = arith.muli %add3A_83, %mul3A_85 : vector<16xi32>
    %add3A_87 = arith.constant 4095 : i32
    %add3A_88 = vector.broadcast %add3A_87 : i32 to vector<16xi32>
    %add3A_89 = arith.addi %mul3A_86, %add3A_88 : vector<16xi32>
    %swap3A_90 = arith.constant 16 : index
    %swap3A_91 = tpu.vector_load %arg28[%swap3A_90] {strides = array<i32>} : memref<128xi32, #tpu.memory_space<vmem>>, vector<16xi32>,
    tpu.vector_store %arg28[%swap3A_90], %add3A_89 {strides = array<i32>} : memref<128xi32, #tpu.memory_space<vmem>>, vector<16xi32>,
    %add3A_92 = arith.constant 32 : i32
    %add3A_93 = vector.broadcast %add3A_92 : i32 to vector<16xi32>
    %add3A_94 = arith.addi %iota3A, %add3A_93 : vector<16xi32>
    %mul3A_95 = arith.constant 4096 : i32
    %mul3A_96 = vector.broadcast %mul3A_95 : i32 to vector<16xi32>
    %mul3A_97 = arith.muli %add3A_94, %mul3A_96 : vector<16xi32>
    %add3A_98 = arith.constant 4095 : i32
    %add3A_99 = vector.broadcast %add3A_98 : i32 to vector<16xi32>
    %add3A_100 = arith.addi %mul3A_97, %add3A_99 : vector<16xi32>
    %swap3A_101 = arith.constant 32 : index
    %swap3A_102 = tpu.vector_load %arg28[%swap3A_101] {strides = array<i32>} : memref<128xi32, #tpu.memory_space<vmem>>, vector<16xi32>,
    tpu.vector_store %arg28[%swap3A_101], %add3A_100 {strides = array<i32>} : memref<128xi32, #tpu.memory_space<vmem>>, vector<16xi32>,
    %add3A_103 = arith.constant 48 : i32
    %add3A_104 = vector.broadcast %add3A_103 : i32 to vector<16xi32>
    %add3A_105 = arith.addi %iota3A, %add3A_104 : vector<16xi32>
    %mul3A_106 = arith.constant 4096 : i32
    %mul3A_107 = vector.broadcast %mul3A_106 : i32 to vector<16xi32>
    %mul3A_108 = arith.muli %add3A_105, %mul3A_107 : vector<16xi32>
    %add3A_109 = arith.constant 4095 : i32
    %add3A_110 = vector.broadcast %add3A_109 : i32 to vector<16xi32>
    %add3A_111 = arith.addi %mul3A_108, %add3A_110 : vector<16xi32>
    %swap3A_112 = arith.constant 48 : index
    %swap3A_113 = tpu.vector_load %arg28[%swap3A_112] {strides = array<i32>} : memref<128xi32, #tpu.memory_space<vmem>>, vector<16xi32>,
    tpu.vector_store %arg28[%swap3A_112], %add3A_111 {strides = array<i32>} : memref<128xi32, #tpu.memory_space<vmem>>, vector<16xi32>,
    %add3A_114 = arith.constant 64 : i32
    %add3A_115 = vector.broadcast %add3A_114 : i32 to vector<16xi32>
    %add3A_116 = arith.addi %iota3A, %add3A_115 : vector<16xi32>
    %mul3A_117 = arith.constant 4096 : i32
    %mul3A_118 = vector.broadcast %mul3A_117 : i32 to vector<16xi32>
    %mul3A_119 = arith.muli %add3A_116, %mul3A_118 : vector<16xi32>
    %add3A_120 = arith.constant 4095 : i32
    %add3A_121 = vector.broadcast %add3A_120 : i32 to vector<16xi32>
    %add3A_122 = arith.addi %mul3A_119, %add3A_121 : vector<16xi32>
    %swap3A_123 = arith.constant 64 : index
    %swap3A_124 = tpu.vector_load %arg28[%swap3A_123] {strides = array<i32>} : memref<128xi32, #tpu.memory_space<vmem>>, vector<16xi32>,
    tpu.vector_store %arg28[%swap3A_123], %add3A_122 {strides = array<i32>} : memref<128xi32, #tpu.memory_space<vmem>>, vector<16xi32>,
    %add3A_125 = arith.constant 80 : i32
    %add3A_126 = vector.broadcast %add3A_125 : i32 to vector<16xi32>
    %add3A_127 = arith.addi %iota3A, %add3A_126 : vector<16xi32>
    %mul3A_128 = arith.constant 4096 : i32
    %mul3A_129 = vector.broadcast %mul3A_128 : i32 to vector<16xi32>
    %mul3A_130 = arith.muli %add3A_127, %mul3A_129 : vector<16xi32>
    %add3A_131 = arith.constant 4095 : i32
    %add3A_132 = vector.broadcast %add3A_131 : i32 to vector<16xi32>
    %add3A_133 = arith.addi %mul3A_130, %add3A_132 : vector<16xi32>
    %swap3A_134 = arith.constant 80 : index
    %swap3A_135 = tpu.vector_load %arg28[%swap3A_134] {strides = array<i32>} : memref<128xi32, #tpu.memory_space<vmem>>, vector<16xi32>,
    tpu.vector_store %arg28[%swap3A_134], %add3A_133 {strides = array<i32>} : memref<128xi32, #tpu.memory_space<vmem>>, vector<16xi32>,
    %add3A_136 = arith.constant 96 : i32
    %add3A_137 = vector.broadcast %add3A_136 : i32 to vector<16xi32>
    %add3A_138 = arith.addi %iota3A, %add3A_137 : vector<16xi32>
    %mul3A_139 = arith.constant 4096 : i32
    %mul3A_140 = vector.broadcast %mul3A_139 : i32 to vector<16xi32>
    %mul3A_141 = arith.muli %add3A_138, %mul3A_140 : vector<16xi32>
    %add3A_142 = arith.constant 4095 : i32
    %add3A_143 = vector.broadcast %add3A_142 : i32 to vector<16xi32>
    %add3A_144 = arith.addi %mul3A_141, %add3A_143 : vector<16xi32>
    %swap3A_145 = arith.constant 96 : index
    %swap3A_146 = tpu.vector_load %arg28[%swap3A_145] {strides = array<i32>} : memref<128xi32, #tpu.memory_space<vmem>>, vector<16xi32>,
    tpu.vector_store %arg28[%swap3A_145], %add3A_144 {strides = array<i32>} : memref<128xi32, #tpu.memory_space<vmem>>, vector<16xi32>,
    %add3A_147 = arith.constant 112 : i32
    %add3A_148 = vector.broadcast %add3A_147 : i32 to vector<16xi32>
    %add3A_149 = arith.addi %iota3A, %add3A_148 : vector<16xi32>
    %mul3A_150 = arith.constant 4096 : i32
    %mul3A_151 = vector.broadcast %mul3A_150 : i32 to vector<16xi32>
    %mul3A_152 = arith.muli %add3A_149, %mul3A_151 : vector<16xi32>
    %add3A_153 = arith.constant 4095 : i32
    %add3A_154 = vector.broadcast %add3A_153 : i32 to vector<16xi32>
    %add3A_155 = arith.addi %mul3A_152, %add3A_154 : vector<16xi32>
    %swap3A_156 = arith.constant 112 : index
    %swap3A_157 = tpu.vector_load %arg28[%swap3A_156] {strides = array<i32>} : memref<128xi32, #tpu.memory_space<vmem>>, vector<16xi32>,
    tpu.vector_store %arg28[%swap3A_156], %add3A_155 {strides = array<i32>} : memref<128xi32, #tpu.memory_space<vmem>>, vector<16xi32>,
    %dma_start3A_158 = arith.constant 0 : i32
    %dma_start3A_159 = tpu.memref_slice %arg5[%dma_start3A_158] : memref<524288xi32, #tpu.memory_space<hbm>> -> memref<524288xi32, #tpu.memory_space<hbm>>
    tpu.enqueue_indirect_dma source(%dma_start3A_159 : memref<524288xi32, #tpu.memory_space<hbm>>) target(%arg27 : memref<128xi32, #tpu.memory_space<vmem>>) offsets(%arg28 : memref<128xi32, #tpu.memory_space<vmem>>) semaphore(%arg29 : memref<!tpu.dma_semaphore, #tpu.memory_space<semaphore_mem>>)
    %dma_wait3A_160 = arith.constant 0 : i32
    %dma_wait3A_161 = tpu.memref_slice %arg5[%dma_wait3A_160] : memref<524288xi32, #tpu.memory_space<hbm>> -> memref<524288xi32, #tpu.memory_space<hbm>>
    tpu.wait_indirect_dma semaphore(%arg29 : memref<!tpu.dma_semaphore, #tpu.memory_space<semaphore_mem>>) src(%dma_wait3A_161 : memref<524288xi32, #tpu.memory_space<hbm>>) dst(%arg27 : memref<128xi32, #tpu.memory_space<vmem>>)
    %mul3A_162 = arith.constant 6 : i32
    %mul3A_163 = arith.muli %mul3A_2, %mul3A_162 : i32
    "tpu.region"() ({
      %run_scoped3A = tpu.sem_alloc : memref<!tpu.dma_semaphore, #tpu.memory_space<semaphore_mem>>
      %dma_start3A_697 = arith.constant 0 : i32
      %dma_start3A_698 = tpu.memref_slice %arg23[%dma_start3A_697] : memref<784xf32, #tpu.memory_space<vmem>> -> memref<768xf32, #tpu.memory_space<vmem>>
      %dma_start3A_699 = tpu.memref_slice %arg6[%mul3A_163] : memref<24576xf32, #tpu.memory_space<hbm>> -> memref<768xf32, #tpu.memory_space<hbm>>
      %dma_start3A_700 = arith.constant 0 : i32
      %dma_start3A_701 = tpu.memref_slice %arg23[%dma_start3A_700] : memref<784xf32, #tpu.memory_space<vmem>> -> memref<768xf32, #tpu.memory_space<vmem>>
      %dma_start3A_702 = tpu.memref_slice %arg6[%mul3A_163] : memref<24576xf32, #tpu.memory_space<hbm>> -> memref<768xf32, #tpu.memory_space<hbm>>
      tpu.enqueue_dma source(%dma_start3A_702 : memref<768xf32, #tpu.memory_space<hbm>>) target(%dma_start3A_701 : memref<768xf32, #tpu.memory_space<vmem>>) target_semaphore(%run_scoped3A : memref<!tpu.dma_semaphore, #tpu.memory_space<semaphore_mem>>)
      %dma_wait3A_703 = arith.constant 0 : i32
      %dma_wait3A_704 = tpu.memref_slice %arg23[%dma_wait3A_703] : memref<784xf32, #tpu.memory_space<vmem>> -> memref<768xf32, #tpu.memory_space<vmem>>
      %dma_wait3A_705 = tpu.memref_slice %arg6[%mul3A_163] : memref<24576xf32, #tpu.memory_space<hbm>> -> memref<768xf32, #tpu.memory_space<hbm>>
      %dma_wait3A_706 = arith.constant 0 : i32
      %dma_wait3A_707 = tpu.memref_slice %arg23[%dma_wait3A_706] : memref<784xf32, #tpu.memory_space<vmem>> -> memref<768xf32, #tpu.memory_space<vmem>>
      %dma_wait3A_708 = tpu.memref_slice %arg6[%mul3A_163] : memref<24576xf32, #tpu.memory_space<hbm>> -> memref<768xf32, #tpu.memory_space<hbm>>
      tpu.wait_dma2 semaphore(%run_scoped3A : memref<!tpu.dma_semaphore, #tpu.memory_space<semaphore_mem>>) src(%dma_wait3A_708 : memref<768xf32, #tpu.memory_space<hbm>>) dst(%dma_wait3A_707 : memref<768xf32, #tpu.memory_space<vmem>>)
      tpu.yield
    }) : () -> ()
    %get3A = arith.constant 0 : index
    %get3A_164 = tpu.vector_load %arg24[%get3A] {strides = array<i32>} : memref<192xf32, #tpu.memory_space<vmem>>, vector<16xf32>,
    %bitcast3A = vector.bitcast %get3A_164 : vector<16xf32> to vector<16xi32>
    %shift_right_logical3A = arith.constant 16 : i32
    %shift_right_logical3A_165 = vector.broadcast %shift_right_logical3A : i32 to vector<16xi32>
    %shift_right_logical3A_166 = arith.shrui %bitcast3A, %shift_right_logical3A_165 : vector<16xi32>
    %and3A = arith.constant 1 : i32
    %and3A_167 = vector.broadcast %and3A : i32 to vector<16xi32>
    %and3A_168 = arith.andi %shift_right_logical3A_166, %and3A_167 : vector<16xi32>
    %add3A_169 = arith.constant 32767 : i32
    %add3A_170 = vector.broadcast %add3A_169 : i32 to vector<16xi32>
    %add3A_171 = arith.addi %bitcast3A, %add3A_170 : vector<16xi32>
    %add3A_172 = arith.addi %add3A_171, %and3A_168 : vector<16xi32>
    %and3A_173 = arith.constant -65536 : i32
    %and3A_174 = vector.broadcast %and3A_173 : i32 to vector<16xi32>
    %and3A_175 = arith.andi %add3A_172, %and3A_174 : vector<16xi32>
    %bitcast3A_176 = vector.bitcast %and3A_175 : vector<16xi32> to vector<16xf32>
    %get3A_177 = arith.constant 16 : index
    %get3A_178 = tpu.vector_load %arg24[%get3A_177] {strides = array<i32>} : memref<192xf32, #tpu.memory_space<vmem>>, vector<16xf32>,
    %bitcast3A_179 = vector.bitcast %get3A_178 : vector<16xf32> to vector<16xi32>
    %shift_right_logical3A_180 = arith.constant 16 : i32
    %shift_right_logical3A_181 = vector.broadcast %shift_right_logical3A_180 : i32 to vector<16xi32>
    %shift_right_logical3A_182 = arith.shrui %bitcast3A_179, %shift_right_logical3A_181 : vector<16xi32>
    %and3A_183 = arith.constant 1 : i32
    %and3A_184 = vector.broadcast %and3A_183 : i32 to vector<16xi32>
    %and3A_185 = arith.andi %shift_right_logical3A_182, %and3A_184 : vector<16xi32>
    %add3A_186 = arith.constant 32767 : i32
    %add3A_187 = vector.broadcast %add3A_186 : i32 to vector<16xi32>
    %add3A_188 = arith.addi %bitcast3A_179, %add3A_187 : vector<16xi32>
    %add3A_189 = arith.addi %add3A_188, %and3A_185 : vector<16xi32>
    %and3A_190 = arith.constant -65536 : i32
    %and3A_191 = vector.broadcast %and3A_190 : i32 to vector<16xi32>
    %and3A_192 = arith.andi %add3A_189, %and3A_191 : vector<16xi32>
    %bitcast3A_193 = vector.bitcast %and3A_192 : vector<16xi32> to vector<16xf32>
    %get3A_194 = arith.constant 32 : index
    %get3A_195 = tpu.vector_load %arg24[%get3A_194] {strides = array<i32>} : memref<192xf32, #tpu.memory_space<vmem>>, vector<16xf32>,
    %bitcast3A_196 = vector.bitcast %get3A_195 : vector<16xf32> to vector<16xi32>
    %shift_right_logical3A_197 = arith.constant 16 : i32
    %shift_right_logical3A_198 = vector.broadcast %shift_right_logical3A_197 : i32 to vector<16xi32>
    %shift_right_logical3A_199 = arith.shrui %bitcast3A_196, %shift_right_logical3A_198 : vector<16xi32>
    %and3A_200 = arith.constant 1 : i32
    %and3A_201 = vector.broadcast %and3A_200 : i32 to vector<16xi32>
    %and3A_202 = arith.andi %shift_right_logical3A_199, %and3A_201 : vector<16xi32>
    %add3A_203 = arith.constant 32767 : i32
    %add3A_204 = vector.broadcast %add3A_203 : i32 to vector<16xi32>
    %add3A_205 = arith.addi %bitcast3A_196, %add3A_204 : vector<16xi32>
    %add3A_206 = arith.addi %add3A_205, %and3A_202 : vector<16xi32>
    %and3A_207 = arith.constant -65536 : i32
    %and3A_208 = vector.broadcast %and3A_207 : i32 to vector<16xi32>
    %and3A_209 = arith.andi %add3A_206, %and3A_208 : vector<16xi32>
    %bitcast3A_210 = vector.bitcast %and3A_209 : vector<16xi32> to vector<16xf32>
    %get3A_211 = arith.constant 48 : index
    %get3A_212 = tpu.vector_load %arg24[%get3A_211] {strides = array<i32>} : memref<192xf32, #tpu.memory_space<vmem>>, vector<16xf32>,
    %bitcast3A_213 = vector.bitcast %get3A_212 : vector<16xf32> to vector<16xi32>
    %shift_right_logical3A_214 = arith.constant 16 : i32
    %shift_right_logical3A_215 = vector.broadcast %shift_right_logical3A_214 : i32 to vector<16xi32>
    %shift_right_logical3A_216 = arith.shrui %bitcast3A_213, %shift_right_logical3A_215 : vector<16xi32>
    %and3A_217 = arith.constant 1 : i32
    %and3A_218 = vector.broadcast %and3A_217 : i32 to vector<16xi32>
    %and3A_219 = arith.andi %shift_right_logical3A_216, %and3A_218 : vector<16xi32>
    %add3A_220 = arith.constant 32767 : i32
    %add3A_221 = vector.broadcast %add3A_220 : i32 to vector<16xi32>
    %add3A_222 = arith.addi %bitcast3A_213, %add3A_221 : vector<16xi32>
    %add3A_223 = arith.addi %add3A_222, %and3A_219 : vector<16xi32>
    %and3A_224 = arith.constant -65536 : i32
    %and3A_225 = vector.broadcast %and3A_224 : i32 to vector<16xi32>
    %and3A_226 = arith.andi %add3A_223, %and3A_225 : vector<16xi32>
    %bitcast3A_227 = vector.bitcast %and3A_226 : vector<16xi32> to vector<16xf32>
    %get3A_228 = arith.constant 64 : index
    %get3A_229 = tpu.vector_load %arg24[%get3A_228] {strides = array<i32>} : memref<192xf32, #tpu.memory_space<vmem>>, vector<16xf32>,
    %bitcast3A_230 = vector.bitcast %get3A_229 : vector<16xf32> to vector<16xi32>
    %shift_right_logical3A_231 = arith.constant 16 : i32
    %shift_right_logical3A_232 = vector.broadcast %shift_right_logical3A_231 : i32 to vector<16xi32>
    %shift_right_logical3A_233 = arith.shrui %bitcast3A_230, %shift_right_logical3A_232 : vector<16xi32>
    %and3A_234 = arith.constant 1 : i32
    %and3A_235 = vector.broadcast %and3A_234 : i32 to vector<16xi32>
    %and3A_236 = arith.andi %shift_right_logical3A_233, %and3A_235 : vector<16xi32>
    %add3A_237 = arith.constant 32767 : i32
    %add3A_238 = vector.broadcast %add3A_237 : i32 to vector<16xi32>
    %add3A_239 = arith.addi %bitcast3A_230, %add3A_238 : vector<16xi32>
    %add3A_240 = arith.addi %add3A_239, %and3A_236 : vector<16xi32>
    %and3A_241 = arith.constant -65536 : i32
    %and3A_242 = vector.broadcast %and3A_241 : i32 to vector<16xi32>
    %and3A_243 = arith.andi %add3A_240, %and3A_242 : vector<16xi32>
    %bitcast3A_244 = vector.bitcast %and3A_243 : vector<16xi32> to vector<16xf32>
    %get3A_245 = arith.constant 80 : index
    %get3A_246 = tpu.vector_load %arg24[%get3A_245] {strides = array<i32>} : memref<192xf32, #tpu.memory_space<vmem>>, vector<16xf32>,
    %bitcast3A_247 = vector.bitcast %get3A_246 : vector<16xf32> to vector<16xi32>
    %shift_right_logical3A_248 = arith.constant 16 : i32
    %shift_right_logical3A_249 = vector.broadcast %shift_right_logical3A_248 : i32 to vector<16xi32>
    %shift_right_logical3A_250 = arith.shrui %bitcast3A_247, %shift_right_logical3A_249 : vector<16xi32>
    %and3A_251 = arith.constant 1 : i32
    %and3A_252 = vector.broadcast %and3A_251 : i32 to vector<16xi32>
    %and3A_253 = arith.andi %shift_right_logical3A_250, %and3A_252 : vector<16xi32>
    %add3A_254 = arith.constant 32767 : i32
    %add3A_255 = vector.broadcast %add3A_254 : i32 to vector<16xi32>
    %add3A_256 = arith.addi %bitcast3A_247, %add3A_255 : vector<16xi32>
    %add3A_257 = arith.addi %add3A_256, %and3A_253 : vector<16xi32>
    %and3A_258 = arith.constant -65536 : i32
    %and3A_259 = vector.broadcast %and3A_258 : i32 to vector<16xi32>
    %and3A_260 = arith.andi %add3A_257, %and3A_259 : vector<16xi32>
    %bitcast3A_261 = vector.bitcast %and3A_260 : vector<16xi32> to vector<16xf32>
    %get3A_262 = arith.constant 96 : index
    %get3A_263 = tpu.vector_load %arg24[%get3A_262] {strides = array<i32>} : memref<192xf32, #tpu.memory_space<vmem>>, vector<16xf32>,
    %bitcast3A_264 = vector.bitcast %get3A_263 : vector<16xf32> to vector<16xi32>
    %shift_right_logical3A_265 = arith.constant 16 : i32
    %shift_right_logical3A_266 = vector.broadcast %shift_right_logical3A_265 : i32 to vector<16xi32>
    %shift_right_logical3A_267 = arith.shrui %bitcast3A_264, %shift_right_logical3A_266 : vector<16xi32>
    %and3A_268 = arith.constant 1 : i32
    %and3A_269 = vector.broadcast %and3A_268 : i32 to vector<16xi32>
    %and3A_270 = arith.andi %shift_right_logical3A_267, %and3A_269 : vector<16xi32>
    %add3A_271 = arith.constant 32767 : i32
    %add3A_272 = vector.broadcast %add3A_271 : i32 to vector<16xi32>
    %add3A_273 = arith.addi %bitcast3A_264, %add3A_272 : vector<16xi32>
    %add3A_274 = arith.addi %add3A_273, %and3A_270 : vector<16xi32>
    %and3A_275 = arith.constant -65536 : i32
    %and3A_276 = vector.broadcast %and3A_275 : i32 to vector<16xi32>
    %and3A_277 = arith.andi %add3A_274, %and3A_276 : vector<16xi32>
    %bitcast3A_278 = vector.bitcast %and3A_277 : vector<16xi32> to vector<16xf32>
    %get3A_279 = arith.constant 112 : index
    %get3A_280 = tpu.vector_load %arg24[%get3A_279] {strides = array<i32>} : memref<192xf32, #tpu.memory_space<vmem>>, vector<16xf32>,
    %bitcast3A_281 = vector.bitcast %get3A_280 : vector<16xf32> to vector<16xi32>
    %shift_right_logical3A_282 = arith.constant 16 : i32
    %shift_right_logical3A_283 = vector.broadcast %shift_right_logical3A_282 : i32 to vector<16xi32>
    %shift_right_logical3A_284 = arith.shrui %bitcast3A_281, %shift_right_logical3A_283 : vector<16xi32>
    %and3A_285 = arith.constant 1 : i32
    %and3A_286 = vector.broadcast %and3A_285 : i32 to vector<16xi32>
    %and3A_287 = arith.andi %shift_right_logical3A_284, %and3A_286 : vector<16xi32>
    %add3A_288 = arith.constant 32767 : i32
    %add3A_289 = vector.broadcast %add3A_288 : i32 to vector<16xi32>
    %add3A_290 = arith.addi %bitcast3A_281, %add3A_289 : vector<16xi32>
    %add3A_291 = arith.addi %add3A_290, %and3A_287 : vector<16xi32>
    %and3A_292 = arith.constant -65536 : i32
    %and3A_293 = vector.broadcast %and3A_292 : i32 to vector<16xi32>
    %and3A_294 = arith.andi %add3A_291, %and3A_293 : vector<16xi32>
    %bitcast3A_295 = vector.bitcast %and3A_294 : vector<16xi32> to vector<16xf32>
    %get3A_296 = arith.constant 128 : index
    %get3A_297 = tpu.vector_load %arg24[%get3A_296] {strides = array<i32>} : memref<192xf32, #tpu.memory_space<vmem>>, vector<16xf32>,
    %bitcast3A_298 = vector.bitcast %get3A_297 : vector<16xf32> to vector<16xi32>
    %shift_right_logical3A_299 = arith.constant 16 : i32
    %shift_right_logical3A_300 = vector.broadcast %shift_right_logical3A_299 : i32 to vector<16xi32>
    %shift_right_logical3A_301 = arith.shrui %bitcast3A_298, %shift_right_logical3A_300 : vector<16xi32>
    %and3A_302 = arith.constant 1 : i32
    %and3A_303 = vector.broadcast %and3A_302 : i32 to vector<16xi32>
    %and3A_304 = arith.andi %shift_right_logical3A_301, %and3A_303 : vector<16xi32>
    %add3A_305 = arith.constant 32767 : i32
    %add3A_306 = vector.broadcast %add3A_305 : i32 to vector<16xi32>
    %add3A_307 = arith.addi %bitcast3A_298, %add3A_306 : vector<16xi32>
    %add3A_308 = arith.addi %add3A_307, %and3A_304 : vector<16xi32>
    %and3A_309 = arith.constant -65536 : i32
    %and3A_310 = vector.broadcast %and3A_309 : i32 to vector<16xi32>
    %and3A_311 = arith.andi %add3A_308, %and3A_310 : vector<16xi32>
    %bitcast3A_312 = vector.bitcast %and3A_311 : vector<16xi32> to vector<16xf32>
    %get3A_313 = arith.constant 144 : index
    %get3A_314 = tpu.vector_load %arg24[%get3A_313] {strides = array<i32>} : memref<192xf32, #tpu.memory_space<vmem>>, vector<16xf32>,
    %bitcast3A_315 = vector.bitcast %get3A_314 : vector<16xf32> to vector<16xi32>
    %shift_right_logical3A_316 = arith.constant 16 : i32
    %shift_right_logical3A_317 = vector.broadcast %shift_right_logical3A_316 : i32 to vector<16xi32>
    %shift_right_logical3A_318 = arith.shrui %bitcast3A_315, %shift_right_logical3A_317 : vector<16xi32>
    %and3A_319 = arith.constant 1 : i32
    %and3A_320 = vector.broadcast %and3A_319 : i32 to vector<16xi32>
    %and3A_321 = arith.andi %shift_right_logical3A_318, %and3A_320 : vector<16xi32>
    %add3A_322 = arith.constant 32767 : i32
    %add3A_323 = vector.broadcast %add3A_322 : i32 to vector<16xi32>
    %add3A_324 = arith.addi %bitcast3A_315, %add3A_323 : vector<16xi32>
    %add3A_325 = arith.addi %add3A_324, %and3A_321 : vector<16xi32>
    %and3A_326 = arith.constant -65536 : i32
    %and3A_327 = vector.broadcast %and3A_326 : i32 to vector<16xi32>
    %and3A_328 = arith.andi %add3A_325, %and3A_327 : vector<16xi32>
    %bitcast3A_329 = vector.bitcast %and3A_328 : vector<16xi32> to vector<16xf32>
    %get3A_330 = arith.constant 160 : index
    %get3A_331 = tpu.vector_load %arg24[%get3A_330] {strides = array<i32>} : memref<192xf32, #tpu.memory_space<vmem>>, vector<16xf32>,
    %bitcast3A_332 = vector.bitcast %get3A_331 : vector<16xf32> to vector<16xi32>
    %shift_right_logical3A_333 = arith.constant 16 : i32
    %shift_right_logical3A_334 = vector.broadcast %shift_right_logical3A_333 : i32 to vector<16xi32>
    %shift_right_logical3A_335 = arith.shrui %bitcast3A_332, %shift_right_logical3A_334 : vector<16xi32>
    %and3A_336 = arith.constant 1 : i32
    %and3A_337 = vector.broadcast %and3A_336 : i32 to vector<16xi32>
    %and3A_338 = arith.andi %shift_right_logical3A_335, %and3A_337 : vector<16xi32>
    %add3A_339 = arith.constant 32767 : i32
    %add3A_340 = vector.broadcast %add3A_339 : i32 to vector<16xi32>
    %add3A_341 = arith.addi %bitcast3A_332, %add3A_340 : vector<16xi32>
    %add3A_342 = arith.addi %add3A_341, %and3A_338 : vector<16xi32>
    %and3A_343 = arith.constant -65536 : i32
    %and3A_344 = vector.broadcast %and3A_343 : i32 to vector<16xi32>
    %and3A_345 = arith.andi %add3A_342, %and3A_344 : vector<16xi32>
    %bitcast3A_346 = vector.bitcast %and3A_345 : vector<16xi32> to vector<16xf32>
    %get3A_347 = arith.constant 176 : index
    %get3A_348 = tpu.vector_load %arg24[%get3A_347] {strides = array<i32>} : memref<192xf32, #tpu.memory_space<vmem>>, vector<16xf32>,
    %bitcast3A_349 = vector.bitcast %get3A_348 : vector<16xf32> to vector<16xi32>
    %shift_right_logical3A_350 = arith.constant 16 : i32
    %shift_right_logical3A_351 = vector.broadcast %shift_right_logical3A_350 : i32 to vector<16xi32>
    %shift_right_logical3A_352 = arith.shrui %bitcast3A_349, %shift_right_logical3A_351 : vector<16xi32>
    %and3A_353 = arith.constant 1 : i32
    %and3A_354 = vector.broadcast %and3A_353 : i32 to vector<16xi32>
    %and3A_355 = arith.andi %shift_right_logical3A_352, %and3A_354 : vector<16xi32>
    %add3A_356 = arith.constant 32767 : i32
    %add3A_357 = vector.broadcast %add3A_356 : i32 to vector<16xi32>
    %add3A_358 = arith.addi %bitcast3A_349, %add3A_357 : vector<16xi32>
    %add3A_359 = arith.addi %add3A_358, %and3A_355 : vector<16xi32>
    %and3A_360 = arith.constant -65536 : i32
    %and3A_361 = vector.broadcast %and3A_360 : i32 to vector<16xi32>
    %and3A_362 = arith.andi %add3A_359, %and3A_361 : vector<16xi32>
    %bitcast3A_363 = vector.bitcast %and3A_362 : vector<16xi32> to vector<16xf32>
    %get3A_364 = arith.constant 0 : index
    %get3A_365 = tpu.vector_load %arg25[%get3A_364] {strides = array<i32>} : memref<64xf32, #tpu.memory_space<vmem>>, vector<16xf32>,
    %get3A_366 = arith.constant 16 : index
    %get3A_367 = tpu.vector_load %arg25[%get3A_366] {strides = array<i32>} : memref<64xf32, #tpu.memory_space<vmem>>, vector<16xf32>,
    %get3A_368 = arith.constant 32 : index
    %get3A_369 = tpu.vector_load %arg25[%get3A_368] {strides = array<i32>} : memref<64xf32, #tpu.memory_space<vmem>>, vector<16xf32>,
    %get3A_370 = arith.constant 48 : index
    %get3A_371 = tpu.vector_load %arg25[%get3A_370] {strides = array<i32>} : memref<64xf32, #tpu.memory_space<vmem>>, vector<16xf32>,
    %broadcast_in_dim3A = arith.constant 0.000000e+00 : f32
    %broadcast_in_dim3A_372 = vector.broadcast %broadcast_in_dim3A : f32 to vector<16xf32>
    %broadcast_in_dim3A_373 = arith.constant 0 : i32
    %broadcast_in_dim3A_374 = vector.broadcast %broadcast_in_dim3A_373 : i32 to vector<16xi32>
    %scan3A = arith.constant 0 : i32
    %scan3A_375 = arith.constant 128 : i32
    %scan3A_376 = arith.addi %scan3A, %scan3A_375 : i32
    %scan3A_377 = arith.constant 1 : i32
    scf.for %scan3A_697 = %scan3A to %scan3A_376 step %scan3A_377  : i32 {
      %mul3A_698 = arith.constant 1 : i32
      %mul3A_699 = arith.muli %scan3A_697, %mul3A_698 : i32
      %add3A_700 = arith.constant 0 : i32
      %add3A_701 = arith.addi %add3A_700, %mul3A_699 : i32
      %swap3A_702 = arith.index_cast %add3A_701 : i32 to index
      %swap3A_703 = arith.constant 0 : index
      %swap3A_704 = tpu.vector_load %arg18[%swap3A_702, %swap3A_703] {strides = array<i32>} : memref<128x64xf32, #tpu.memory_space<vmem>>, vector<16xf32>,
      tpu.vector_store %arg18[%swap3A_702, %swap3A_703], %broadcast_in_dim3A_372 {strides = array<i32>} : memref<128x64xf32, #tpu.memory_space<vmem>>, vector<16xf32>,
      %swap3A_705 = arith.index_cast %add3A_701 : i32 to index
      %swap3A_706 = arith.constant 0 : index
      %swap3A_707 = tpu.vector_load %arg19[%swap3A_705, %swap3A_706] {strides = array<i32>} : memref<128x64xf32, #tpu.memory_space<vmem>>, vector<16xf32>,
      tpu.vector_store %arg19[%swap3A_705, %swap3A_706], %broadcast_in_dim3A_372 {strides = array<i32>} : memref<128x64xf32, #tpu.memory_space<vmem>>, vector<16xf32>,
      %swap3A_708 = arith.index_cast %add3A_701 : i32 to index
      %swap3A_709 = arith.constant 16 : index
      %swap3A_710 = tpu.vector_load %arg18[%swap3A_708, %swap3A_709] {strides = array<i32>} : memref<128x64xf32, #tpu.memory_space<vmem>>, vector<16xf32>,
      tpu.vector_store %arg18[%swap3A_708, %swap3A_709], %broadcast_in_dim3A_372 {strides = array<i32>} : memref<128x64xf32, #tpu.memory_space<vmem>>, vector<16xf32>,
      %swap3A_711 = arith.index_cast %add3A_701 : i32 to index
      %swap3A_712 = arith.constant 16 : index
      %swap3A_713 = tpu.vector_load %arg19[%swap3A_711, %swap3A_712] {strides = array<i32>} : memref<128x64xf32, #tpu.memory_space<vmem>>, vector<16xf32>,
      tpu.vector_store %arg19[%swap3A_711, %swap3A_712], %broadcast_in_dim3A_372 {strides = array<i32>} : memref<128x64xf32, #tpu.memory_space<vmem>>, vector<16xf32>,
      %swap3A_714 = arith.index_cast %add3A_701 : i32 to index
      %swap3A_715 = arith.constant 32 : index
      %swap3A_716 = tpu.vector_load %arg18[%swap3A_714, %swap3A_715] {strides = array<i32>} : memref<128x64xf32, #tpu.memory_space<vmem>>, vector<16xf32>,
      tpu.vector_store %arg18[%swap3A_714, %swap3A_715], %broadcast_in_dim3A_372 {strides = array<i32>} : memref<128x64xf32, #tpu.memory_space<vmem>>, vector<16xf32>,
      %swap3A_717 = arith.index_cast %add3A_701 : i32 to index
      %swap3A_718 = arith.constant 32 : index
      %swap3A_719 = tpu.vector_load %arg19[%swap3A_717, %swap3A_718] {strides = array<i32>} : memref<128x64xf32, #tpu.memory_space<vmem>>, vector<16xf32>,
      tpu.vector_store %arg19[%swap3A_717, %swap3A_718], %broadcast_in_dim3A_372 {strides = array<i32>} : memref<128x64xf32, #tpu.memory_space<vmem>>, vector<16xf32>,
      %swap3A_720 = arith.index_cast %add3A_701 : i32 to index
      %swap3A_721 = arith.constant 48 : index
      %swap3A_722 = tpu.vector_load %arg18[%swap3A_720, %swap3A_721] {strides = array<i32>} : memref<128x64xf32, #tpu.memory_space<vmem>>, vector<16xf32>,
      tpu.vector_store %arg18[%swap3A_720, %swap3A_721], %broadcast_in_dim3A_372 {strides = array<i32>} : memref<128x64xf32, #tpu.memory_space<vmem>>, vector<16xf32>,
      %swap3A_723 = arith.index_cast %add3A_701 : i32 to index
      %swap3A_724 = arith.constant 48 : index
      %swap3A_725 = tpu.vector_load %arg19[%swap3A_723, %swap3A_724] {strides = array<i32>} : memref<128x64xf32, #tpu.memory_space<vmem>>, vector<16xf32>,
      tpu.vector_store %arg19[%swap3A_723, %swap3A_724], %broadcast_in_dim3A_372 {strides = array<i32>} : memref<128x64xf32, #tpu.memory_space<vmem>>, vector<16xf32>,
    }
    %scan3A_378 = arith.constant 128 : i32
    %swap3A_379 = arith.constant 0 : index
    %swap3A_380 = tpu.vector_load %arg20[%swap3A_379] {strides = array<i32>} : memref<128xi32, #tpu.memory_space<vmem>>, vector<16xi32>,
    tpu.vector_store %arg20[%swap3A_379], %broadcast_in_dim3A_374 {strides = array<i32>} : memref<128xi32, #tpu.memory_space<vmem>>, vector<16xi32>,
    %swap3A_381 = arith.constant 16 : index
    %swap3A_382 = tpu.vector_load %arg20[%swap3A_381] {strides = array<i32>} : memref<128xi32, #tpu.memory_space<vmem>>, vector<16xi32>,
    tpu.vector_store %arg20[%swap3A_381], %broadcast_in_dim3A_374 {strides = array<i32>} : memref<128xi32, #tpu.memory_space<vmem>>, vector<16xi32>,
    %swap3A_383 = arith.constant 32 : index
    %swap3A_384 = tpu.vector_load %arg20[%swap3A_383] {strides = array<i32>} : memref<128xi32, #tpu.memory_space<vmem>>, vector<16xi32>,
    tpu.vector_store %arg20[%swap3A_383], %broadcast_in_dim3A_374 {strides = array<i32>} : memref<128xi32, #tpu.memory_space<vmem>>, vector<16xi32>,
    %swap3A_385 = arith.constant 48 : index
    %swap3A_386 = tpu.vector_load %arg20[%swap3A_385] {strides = array<i32>} : memref<128xi32, #tpu.memory_space<vmem>>, vector<16xi32>,
    tpu.vector_store %arg20[%swap3A_385], %broadcast_in_dim3A_374 {strides = array<i32>} : memref<128xi32, #tpu.memory_space<vmem>>, vector<16xi32>,
    %swap3A_387 = arith.constant 64 : index
    %swap3A_388 = tpu.vector_load %arg20[%swap3A_387] {strides = array<i32>} : memref<128xi32, #tpu.memory_space<vmem>>, vector<16xi32>,
    tpu.vector_store %arg20[%swap3A_387], %broadcast_in_dim3A_374 {strides = array<i32>} : memref<128xi32, #tpu.memory_space<vmem>>, vector<16xi32>,
    %swap3A_389 = arith.constant 80 : index
    %swap3A_390 = tpu.vector_load %arg20[%swap3A_389] {strides = array<i32>} : memref<128xi32, #tpu.memory_space<vmem>>, vector<16xi32>,
    tpu.vector_store %arg20[%swap3A_389], %broadcast_in_dim3A_374 {strides = array<i32>} : memref<128xi32, #tpu.memory_space<vmem>>, vector<16xi32>,
    %swap3A_391 = arith.constant 96 : index
    %swap3A_392 = tpu.vector_load %arg20[%swap3A_391] {strides = array<i32>} : memref<128xi32, #tpu.memory_space<vmem>>, vector<16xi32>,
    tpu.vector_store %arg20[%swap3A_391], %broadcast_in_dim3A_374 {strides = array<i32>} : memref<128xi32, #tpu.memory_space<vmem>>, vector<16xi32>,
    %swap3A_393 = arith.constant 112 : index
    %swap3A_394 = tpu.vector_load %arg20[%swap3A_393] {strides = array<i32>} : memref<128xi32, #tpu.memory_space<vmem>>, vector<16xi32>,
    tpu.vector_store %arg20[%swap3A_393], %broadcast_in_dim3A_374 {strides = array<i32>} : memref<128xi32, #tpu.memory_space<vmem>>, vector<16xi32>,
    %get3A_395 = arith.constant 0 : index
    %get3A_396 = tpu.vector_load %arg27[%get3A_395] {strides = array<i32>} : memref<128xi32, #tpu.memory_space<vmem>>, vector<16xi32>,
    %get3A_397 = arith.constant 0 : index
    %get3A_398 = tpu.vector_load %arg26[%get3A_397] {strides = array<i32>} : memref<128xi32, #tpu.memory_space<vmem>>, vector<16xi32>,
    %lt3A = vector.broadcast %mul3A_2 : i32 to vector<16xi32>
    %lt3A_399 = arith.cmpi slt, %get3A_396, %lt3A : vector<16xi32>
    %convert_element_type3A = arith.extui %lt3A_399 : vector<16xi1> to vector<16xi32>
    %broadcast_in_dim3A_400 = arith.constant true
    %broadcast_in_dim3A_401 = vector.broadcast %broadcast_in_dim3A_400 : i1 to vector<16xi1>
    %masked_cumsum3A = tpu.scan <sum>, %convert_element_type3A masked %broadcast_in_dim3A_401 : vector<16xi32>, vector<16xi1> -> vector<16xi32>
    %slice3A = vector.extract_strided_slice %masked_cumsum3A {offsets = [15], sizes = [1], strides = [1]} : vector<16xi32> to vector<1xi32>
    %squeeze3A = vector.extract %slice3A[0] : i32 from vector<1xi32>
    %add3A_402 = arith.constant 0 : i32
    %add3A_403 = arith.addi %add3A_402, %squeeze3A : i32
    %lt3A_404 = vector.broadcast %add3A_4 : i32 to vector<16xi32>
    %lt3A_405 = arith.cmpi slt, %get3A_398, %lt3A_404 : vector<16xi32>
    %convert_element_type3A_406 = arith.extui %lt3A_405 : vector<16xi1> to vector<16xi32>
    %broadcast_in_dim3A_407 = arith.constant true
    %broadcast_in_dim3A_408 = vector.broadcast %broadcast_in_dim3A_407 : i1 to vector<16xi1>
    %masked_cumsum3A_409 = tpu.scan <sum>, %convert_element_type3A_406 masked %broadcast_in_dim3A_408 : vector<16xi32>, vector<16xi1> -> vector<16xi32>
    %slice3A_410 = vector.extract_strided_slice %masked_cumsum3A_409 {offsets = [15], sizes = [1], strides = [1]} : vector<16xi32> to vector<1xi32>
    %squeeze3A_411 = vector.extract %slice3A_410[0] : i32 from vector<1xi32>
    %add3A_412 = arith.constant 0 : i32
    %add3A_413 = arith.addi %add3A_412, %squeeze3A_411 : i32
    %get3A_414 = arith.constant 16 : index
    %get3A_415 = tpu.vector_load %arg27[%get3A_414] {strides = array<i32>} : memref<128xi32, #tpu.memory_space<vmem>>, vector<16xi32>,
    %get3A_416 = arith.constant 16 : index
    %get3A_417 = tpu.vector_load %arg26[%get3A_416] {strides = array<i32>} : memref<128xi32, #tpu.memory_space<vmem>>, vector<16xi32>,
    %lt3A_418 = vector.broadcast %mul3A_2 : i32 to vector<16xi32>
    %lt3A_419 = arith.cmpi slt, %get3A_415, %lt3A_418 : vector<16xi32>
    %convert_element_type3A_420 = arith.extui %lt3A_419 : vector<16xi1> to vector<16xi32>
    %broadcast_in_dim3A_421 = arith.constant true
    %broadcast_in_dim3A_422 = vector.broadcast %broadcast_in_dim3A_421 : i1 to vector<16xi1>
    %masked_cumsum3A_423 = tpu.scan <sum>, %convert_element_type3A_420 masked %broadcast_in_dim3A_422 : vector<16xi32>, vector<16xi1> -> vector<16xi32>
    %slice3A_424 = vector.extract_strided_slice %masked_cumsum3A_423 {offsets = [15], sizes = [1], strides = [1]} : vector<16xi32> to vector<1xi32>
    %squeeze3A_425 = vector.extract %slice3A_424[0] : i32 from vector<1xi32>
    %add3A_426 = arith.addi %add3A_403, %squeeze3A_425 : i32
    %lt3A_427 = vector.broadcast %add3A_4 : i32 to vector<16xi32>
    %lt3A_428 = arith.cmpi slt, %get3A_417, %lt3A_427 : vector<16xi32>
    %convert_element_type3A_429 = arith.extui %lt3A_428 : vector<16xi1> to vector<16xi32>
    %broadcast_in_dim3A_430 = arith.constant true
    %broadcast_in_dim3A_431 = vector.broadcast %broadcast_in_dim3A_430 : i1 to vector<16xi1>
    %masked_cumsum3A_432 = tpu.scan <sum>, %convert_element_type3A_429 masked %broadcast_in_dim3A_431 : vector<16xi32>, vector<16xi1> -> vector<16xi32>
    %slice3A_433 = vector.extract_strided_slice %masked_cumsum3A_432 {offsets = [15], sizes = [1], strides = [1]} : vector<16xi32> to vector<1xi32>
    %squeeze3A_434 = vector.extract %slice3A_433[0] : i32 from vector<1xi32>
    %add3A_435 = arith.addi %add3A_413, %squeeze3A_434 : i32
    %get3A_436 = arith.constant 32 : index
    %get3A_437 = tpu.vector_load %arg27[%get3A_436] {strides = array<i32>} : memref<128xi32, #tpu.memory_space<vmem>>, vector<16xi32>,
    %get3A_438 = arith.constant 32 : index
    %get3A_439 = tpu.vector_load %arg26[%get3A_438] {strides = array<i32>} : memref<128xi32, #tpu.memory_space<vmem>>, vector<16xi32>,
    %lt3A_440 = vector.broadcast %mul3A_2 : i32 to vector<16xi32>
    %lt3A_441 = arith.cmpi slt, %get3A_437, %lt3A_440 : vector<16xi32>
    %convert_element_type3A_442 = arith.extui %lt3A_441 : vector<16xi1> to vector<16xi32>
    %broadcast_in_dim3A_443 = arith.constant true
    %broadcast_in_dim3A_444 = vector.broadcast %broadcast_in_dim3A_443 : i1 to vector<16xi1>
    %masked_cumsum3A_445 = tpu.scan <sum>, %convert_element_type3A_442 masked %broadcast_in_dim3A_444 : vector<16xi32>, vector<16xi1> -> vector<16xi32>
    %slice3A_446 = vector.extract_strided_slice %masked_cumsum3A_445 {offsets = [15], sizes = [1], strides = [1]} : vector<16xi32> to vector<1xi32>
    %squeeze3A_447 = vector.extract %slice3A_446[0] : i32 from vector<1xi32>
    %add3A_448 = arith.addi %add3A_426, %squeeze3A_447 : i32
    %lt3A_449 = vector.broadcast %add3A_4 : i32 to vector<16xi32>
    %lt3A_450 = arith.cmpi slt, %get3A_439, %lt3A_449 : vector<16xi32>
    %convert_element_type3A_451 = arith.extui %lt3A_450 : vector<16xi1> to vector<16xi32>
    %broadcast_in_dim3A_452 = arith.constant true
    %broadcast_in_dim3A_453 = vector.broadcast %broadcast_in_dim3A_452 : i1 to vector<16xi1>
    %masked_cumsum3A_454 = tpu.scan <sum>, %convert_element_type3A_451 masked %broadcast_in_dim3A_453 : vector<16xi32>, vector<16xi1> -> vector<16xi32>
    %slice3A_455 = vector.extract_strided_slice %masked_cumsum3A_454 {offsets = [15], sizes = [1], strides = [1]} : vector<16xi32> to vector<1xi32>
    %squeeze3A_456 = vector.extract %slice3A_455[0] : i32 from vector<1xi32>
    %add3A_457 = arith.addi %add3A_435, %squeeze3A_456 : i32
    %get3A_458 = arith.constant 48 : index
    %get3A_459 = tpu.vector_load %arg27[%get3A_458] {strides = array<i32>} : memref<128xi32, #tpu.memory_space<vmem>>, vector<16xi32>,
    %get3A_460 = arith.constant 48 : index
    %get3A_461 = tpu.vector_load %arg26[%get3A_460] {strides = array<i32>} : memref<128xi32, #tpu.memory_space<vmem>>, vector<16xi32>,
    %lt3A_462 = vector.broadcast %mul3A_2 : i32 to vector<16xi32>
    %lt3A_463 = arith.cmpi slt, %get3A_459, %lt3A_462 : vector<16xi32>
    %convert_element_type3A_464 = arith.extui %lt3A_463 : vector<16xi1> to vector<16xi32>
    %broadcast_in_dim3A_465 = arith.constant true
    %broadcast_in_dim3A_466 = vector.broadcast %broadcast_in_dim3A_465 : i1 to vector<16xi1>
    %masked_cumsum3A_467 = tpu.scan <sum>, %convert_element_type3A_464 masked %broadcast_in_dim3A_466 : vector<16xi32>, vector<16xi1> -> vector<16xi32>
    %slice3A_468 = vector.extract_strided_slice %masked_cumsum3A_467 {offsets = [15], sizes = [1], strides = [1]} : vector<16xi32> to vector<1xi32>
    %squeeze3A_469 = vector.extract %slice3A_468[0] : i32 from vector<1xi32>
    %add3A_470 = arith.addi %add3A_448, %squeeze3A_469 : i32
    %lt3A_471 = vector.broadcast %add3A_4 : i32 to vector<16xi32>
    %lt3A_472 = arith.cmpi slt, %get3A_461, %lt3A_471 : vector<16xi32>
    %convert_element_type3A_473 = arith.extui %lt3A_472 : vector<16xi1> to vector<16xi32>
    %broadcast_in_dim3A_474 = arith.constant true
    %broadcast_in_dim3A_475 = vector.broadcast %broadcast_in_dim3A_474 : i1 to vector<16xi1>
    %masked_cumsum3A_476 = tpu.scan <sum>, %convert_element_type3A_473 masked %broadcast_in_dim3A_475 : vector<16xi32>, vector<16xi1> -> vector<16xi32>
    %slice3A_477 = vector.extract_strided_slice %masked_cumsum3A_476 {offsets = [15], sizes = [1], strides = [1]} : vector<16xi32> to vector<1xi32>
    %squeeze3A_478 = vector.extract %slice3A_477[0] : i32 from vector<1xi32>
    %add3A_479 = arith.addi %add3A_457, %squeeze3A_478 : i32
    %get3A_480 = arith.constant 64 : index
    %get3A_481 = tpu.vector_load %arg27[%get3A_480] {strides = array<i32>} : memref<128xi32, #tpu.memory_space<vmem>>, vector<16xi32>,
    %get3A_482 = arith.constant 64 : index
    %get3A_483 = tpu.vector_load %arg26[%get3A_482] {strides = array<i32>} : memref<128xi32, #tpu.memory_space<vmem>>, vector<16xi32>,
    %lt3A_484 = vector.broadcast %mul3A_2 : i32 to vector<16xi32>
    %lt3A_485 = arith.cmpi slt, %get3A_481, %lt3A_484 : vector<16xi32>
    %convert_element_type3A_486 = arith.extui %lt3A_485 : vector<16xi1> to vector<16xi32>
    %broadcast_in_dim3A_487 = arith.constant true
    %broadcast_in_dim3A_488 = vector.broadcast %broadcast_in_dim3A_487 : i1 to vector<16xi1>
    %masked_cumsum3A_489 = tpu.scan <sum>, %convert_element_type3A_486 masked %broadcast_in_dim3A_488 : vector<16xi32>, vector<16xi1> -> vector<16xi32>
    %slice3A_490 = vector.extract_strided_slice %masked_cumsum3A_489 {offsets = [15], sizes = [1], strides = [1]} : vector<16xi32> to vector<1xi32>
    %squeeze3A_491 = vector.extract %slice3A_490[0] : i32 from vector<1xi32>
    %add3A_492 = arith.addi %add3A_470, %squeeze3A_491 : i32
    %lt3A_493 = vector.broadcast %add3A_4 : i32 to vector<16xi32>
    %lt3A_494 = arith.cmpi slt, %get3A_483, %lt3A_493 : vector<16xi32>
    %convert_element_type3A_495 = arith.extui %lt3A_494 : vector<16xi1> to vector<16xi32>
    %broadcast_in_dim3A_496 = arith.constant true
    %broadcast_in_dim3A_497 = vector.broadcast %broadcast_in_dim3A_496 : i1 to vector<16xi1>
    %masked_cumsum3A_498 = tpu.scan <sum>, %convert_element_type3A_495 masked %broadcast_in_dim3A_497 : vector<16xi32>, vector<16xi1> -> vector<16xi32>
    %slice3A_499 = vector.extract_strided_slice %masked_cumsum3A_498 {offsets = [15], sizes = [1], strides = [1]} : vector<16xi32> to vector<1xi32>
    %squeeze3A_500 = vector.extract %slice3A_499[0] : i32 from vector<1xi32>
    %add3A_501 = arith.addi %add3A_479, %squeeze3A_500 : i32
    %get3A_502 = arith.constant 80 : index
    %get3A_503 = tpu.vector_load %arg27[%get3A_502] {strides = array<i32>} : memref<128xi32, #tpu.memory_space<vmem>>, vector<16xi32>,
    %get3A_504 = arith.constant 80 : index
    %get3A_505 = tpu.vector_load %arg26[%get3A_504] {strides = array<i32>} : memref<128xi32, #tpu.memory_space<vmem>>, vector<16xi32>,
    %lt3A_506 = vector.broadcast %mul3A_2 : i32 to vector<16xi32>
    %lt3A_507 = arith.cmpi slt, %get3A_503, %lt3A_506 : vector<16xi32>
    %convert_element_type3A_508 = arith.extui %lt3A_507 : vector<16xi1> to vector<16xi32>
    %broadcast_in_dim3A_509 = arith.constant true
    %broadcast_in_dim3A_510 = vector.broadcast %broadcast_in_dim3A_509 : i1 to vector<16xi1>
    %masked_cumsum3A_511 = tpu.scan <sum>, %convert_element_type3A_508 masked %broadcast_in_dim3A_510 : vector<16xi32>, vector<16xi1> -> vector<16xi32>
    %slice3A_512 = vector.extract_strided_slice %masked_cumsum3A_511 {offsets = [15], sizes = [1], strides = [1]} : vector<16xi32> to vector<1xi32>
    %squeeze3A_513 = vector.extract %slice3A_512[0] : i32 from vector<1xi32>
    %add3A_514 = arith.addi %add3A_492, %squeeze3A_513 : i32
    %lt3A_515 = vector.broadcast %add3A_4 : i32 to vector<16xi32>
    %lt3A_516 = arith.cmpi slt, %get3A_505, %lt3A_515 : vector<16xi32>
    %convert_element_type3A_517 = arith.extui %lt3A_516 : vector<16xi1> to vector<16xi32>
    %broadcast_in_dim3A_518 = arith.constant true
    %broadcast_in_dim3A_519 = vector.broadcast %broadcast_in_dim3A_518 : i1 to vector<16xi1>
    %masked_cumsum3A_520 = tpu.scan <sum>, %convert_element_type3A_517 masked %broadcast_in_dim3A_519 : vector<16xi32>, vector<16xi1> -> vector<16xi32>
    %slice3A_521 = vector.extract_strided_slice %masked_cumsum3A_520 {offsets = [15], sizes = [1], strides = [1]} : vector<16xi32> to vector<1xi32>
    %squeeze3A_522 = vector.extract %slice3A_521[0] : i32 from vector<1xi32>
    %add3A_523 = arith.addi %add3A_501, %squeeze3A_522 : i32
    %get3A_524 = arith.constant 96 : index
    %get3A_525 = tpu.vector_load %arg27[%get3A_524] {strides = array<i32>} : memref<128xi32, #tpu.memory_space<vmem>>, vector<16xi32>,
    %get3A_526 = arith.constant 96 : index
    %get3A_527 = tpu.vector_load %arg26[%get3A_526] {strides = array<i32>} : memref<128xi32, #tpu.memory_space<vmem>>, vector<16xi32>,
    %lt3A_528 = vector.broadcast %mul3A_2 : i32 to vector<16xi32>
    %lt3A_529 = arith.cmpi slt, %get3A_525, %lt3A_528 : vector<16xi32>
    %convert_element_type3A_530 = arith.extui %lt3A_529 : vector<16xi1> to vector<16xi32>
    %broadcast_in_dim3A_531 = arith.constant true
    %broadcast_in_dim3A_532 = vector.broadcast %broadcast_in_dim3A_531 : i1 to vector<16xi1>
    %masked_cumsum3A_533 = tpu.scan <sum>, %convert_element_type3A_530 masked %broadcast_in_dim3A_532 : vector<16xi32>, vector<16xi1> -> vector<16xi32>
    %slice3A_534 = vector.extract_strided_slice %masked_cumsum3A_533 {offsets = [15], sizes = [1], strides = [1]} : vector<16xi32> to vector<1xi32>
    %squeeze3A_535 = vector.extract %slice3A_534[0] : i32 from vector<1xi32>
    %add3A_536 = arith.addi %add3A_514, %squeeze3A_535 : i32
    %lt3A_537 = vector.broadcast %add3A_4 : i32 to vector<16xi32>
    %lt3A_538 = arith.cmpi slt, %get3A_527, %lt3A_537 : vector<16xi32>
    %convert_element_type3A_539 = arith.extui %lt3A_538 : vector<16xi1> to vector<16xi32>
    %broadcast_in_dim3A_540 = arith.constant true
    %broadcast_in_dim3A_541 = vector.broadcast %broadcast_in_dim3A_540 : i1 to vector<16xi1>
    %masked_cumsum3A_542 = tpu.scan <sum>, %convert_element_type3A_539 masked %broadcast_in_dim3A_541 : vector<16xi32>, vector<16xi1> -> vector<16xi32>
    %slice3A_543 = vector.extract_strided_slice %masked_cumsum3A_542 {offsets = [15], sizes = [1], strides = [1]} : vector<16xi32> to vector<1xi32>
    %squeeze3A_544 = vector.extract %slice3A_543[0] : i32 from vector<1xi32>
    %add3A_545 = arith.addi %add3A_523, %squeeze3A_544 : i32
    %get3A_546 = arith.constant 112 : index
    %get3A_547 = tpu.vector_load %arg27[%get3A_546] {strides = array<i32>} : memref<128xi32, #tpu.memory_space<vmem>>, vector<16xi32>,
    %get3A_548 = arith.constant 112 : index
    %get3A_549 = tpu.vector_load %arg26[%get3A_548] {strides = array<i32>} : memref<128xi32, #tpu.memory_space<vmem>>, vector<16xi32>,
    %lt3A_550 = vector.broadcast %mul3A_2 : i32 to vector<16xi32>
    %lt3A_551 = arith.cmpi slt, %get3A_547, %lt3A_550 : vector<16xi32>
    %convert_element_type3A_552 = arith.extui %lt3A_551 : vector<16xi1> to vector<16xi32>
    %broadcast_in_dim3A_553 = arith.constant true
    %broadcast_in_dim3A_554 = vector.broadcast %broadcast_in_dim3A_553 : i1 to vector<16xi1>
    %masked_cumsum3A_555 = tpu.scan <sum>, %convert_element_type3A_552 masked %broadcast_in_dim3A_554 : vector<16xi32>, vector<16xi1> -> vector<16xi32>
    %slice3A_556 = vector.extract_strided_slice %masked_cumsum3A_555 {offsets = [15], sizes = [1], strides = [1]} : vector<16xi32> to vector<1xi32>
    %squeeze3A_557 = vector.extract %slice3A_556[0] : i32 from vector<1xi32>
    %add3A_558 = arith.addi %add3A_536, %squeeze3A_557 : i32
    %lt3A_559 = vector.broadcast %add3A_4 : i32 to vector<16xi32>
    %lt3A_560 = arith.cmpi slt, %get3A_549, %lt3A_559 : vector<16xi32>
    %convert_element_type3A_561 = arith.extui %lt3A_560 : vector<16xi1> to vector<16xi32>
    %broadcast_in_dim3A_562 = arith.constant true
    %broadcast_in_dim3A_563 = vector.broadcast %broadcast_in_dim3A_562 : i1 to vector<16xi1>
    %masked_cumsum3A_564 = tpu.scan <sum>, %convert_element_type3A_561 masked %broadcast_in_dim3A_563 : vector<16xi32>, vector<16xi1> -> vector<16xi32>
    %slice3A_565 = vector.extract_strided_slice %masked_cumsum3A_564 {offsets = [15], sizes = [1], strides = [1]} : vector<16xi32> to vector<1xi32>
    %squeeze3A_566 = vector.extract %slice3A_565[0] : i32 from vector<1xi32>
    %add3A_567 = arith.addi %add3A_545, %squeeze3A_566 : i32
    %sub3A = arith.subi %add3A_567, %add3A_558 : i32
    %max3A = arith.constant 0 : i32
    %max3A_568 = arith.maxsi %sub3A, %max3A : i32
    %broadcast_in_dim3A_569 = arith.constant 1 : i32
    %broadcast_in_dim3A_570 = vector.broadcast %broadcast_in_dim3A_569 : i32 to vector<16xi32>
    %sub3A_571 = arith.constant 0 : i32
    %sub3A_572 = arith.subi %max3A_568, %sub3A_571 : i32
    %sub3A_573 = arith.constant 1 : i32
    %sub3A_574 = arith.constant 1 : i32
    %sub3A_575 = arith.subi %sub3A_573, %sub3A_574 : i32
    %add3A_576 = arith.addi %sub3A_572, %sub3A_575 : i32
    %div3A = arith.constant 1 : i32
    %div3A_577 = arith.divsi %add3A_576, %div3A : i32
    %while3A = arith.constant 1 : i32
    %while3A_578 = arith.constant 0 : i32
    %while3A_579 = arith.constant 0 : i32
    %while3A_580 = arith.subi %div3A_577, %while3A_579 : i32
    %while3A_581 = arith.addi %while3A_579, %while3A_580 : i32
    %while3A_582 = arith.constant 1 : i32
    %while3A_583 = arith.divsi %while3A_580, %while3A_582 : i32
    %while3A_584 = arith.muli %while3A_583, %while3A_582 : i32
    %while3A_585 = arith.addi %while3A_579, %while3A_584 : i32
    %while3A_586 = arith.constant 1 : i32
    scf.for %while3A_697 = %while3A_579 to %while3A_585 step %while3A_586  : i32 {
      %mul3A_698 = arith.muli %while3A_697, %while3A : i32
      %add3A_699 = arith.addi %while3A_578, %mul3A_698 : i32
      %add3A_700 = arith.addi %add3A_558, %add3A_699 : i32
      %mul3A_701 = arith.constant 4096 : i32
      %mul3A_702 = arith.muli %add3A_700, %mul3A_701 : i32
      "tpu.region"() ({
        %run_scoped3A = tpu.sem_alloc : memref<!tpu.dma_semaphore, #tpu.memory_space<semaphore_mem>>
        %dma_start3A_887 = arith.constant 0 : i32
        %dma_start3A_888 = tpu.memref_slice %arg12[%dma_start3A_887] : memref<4112xf32, #tpu.memory_space<vmem>> -> memref<4096xf32, #tpu.memory_space<vmem>>
        %dma_start3A_889 = tpu.memref_slice %arg2[%mul3A_702] : memref<524288xf32, #tpu.memory_space<hbm>> -> memref<4096xf32, #tpu.memory_space<hbm>>
        %dma_start3A_890 = arith.constant 0 : i32
        %dma_start3A_891 = tpu.memref_slice %arg12[%dma_start3A_890] : memref<4112xf32, #tpu.memory_space<vmem>> -> memref<4096xf32, #tpu.memory_space<vmem>>
        %dma_start3A_892 = tpu.memref_slice %arg2[%mul3A_702] : memref<524288xf32, #tpu.memory_space<hbm>> -> memref<4096xf32, #tpu.memory_space<hbm>>
        tpu.enqueue_dma source(%dma_start3A_892 : memref<4096xf32, #tpu.memory_space<hbm>>) target(%dma_start3A_891 : memref<4096xf32, #tpu.memory_space<vmem>>) target_semaphore(%run_scoped3A : memref<!tpu.dma_semaphore, #tpu.memory_space<semaphore_mem>>)
        %dma_wait3A_893 = arith.constant 0 : i32
        %dma_wait3A_894 = tpu.memref_slice %arg12[%dma_wait3A_893] : memref<4112xf32, #tpu.memory_space<vmem>> -> memref<4096xf32, #tpu.memory_space<vmem>>
        %dma_wait3A_895 = tpu.memref_slice %arg2[%mul3A_702] : memref<524288xf32, #tpu.memory_space<hbm>> -> memref<4096xf32, #tpu.memory_space<hbm>>
        %dma_wait3A_896 = arith.constant 0 : i32
        %dma_wait3A_897 = tpu.memref_slice %arg12[%dma_wait3A_896] : memref<4112xf32, #tpu.memory_space<vmem>> -> memref<4096xf32, #tpu.memory_space<vmem>>
        %dma_wait3A_898 = tpu.memref_slice %arg2[%mul3A_702] : memref<524288xf32, #tpu.memory_space<hbm>> -> memref<4096xf32, #tpu.memory_space<hbm>>
        tpu.wait_dma2 semaphore(%run_scoped3A : memref<!tpu.dma_semaphore, #tpu.memory_space<semaphore_mem>>) src(%dma_wait3A_898 : memref<4096xf32, #tpu.memory_space<hbm>>) dst(%dma_wait3A_897 : memref<4096xf32, #tpu.memory_space<vmem>>)
        tpu.yield
      }) : () -> ()
      "tpu.region"() ({
        %run_scoped3A = tpu.sem_alloc : memref<!tpu.dma_semaphore, #tpu.memory_space<semaphore_mem>>
        %dma_start3A_887 = arith.constant 0 : i32
        %dma_start3A_888 = tpu.memref_slice %arg13[%dma_start3A_887] : memref<4112xf32, #tpu.memory_space<vmem>> -> memref<4096xf32, #tpu.memory_space<vmem>>
        %dma_start3A_889 = tpu.memref_slice %arg3[%mul3A_702] : memref<524288xf32, #tpu.memory_space<hbm>> -> memref<4096xf32, #tpu.memory_space<hbm>>
        %dma_start3A_890 = arith.constant 0 : i32
        %dma_start3A_891 = tpu.memref_slice %arg13[%dma_start3A_890] : memref<4112xf32, #tpu.memory_space<vmem>> -> memref<4096xf32, #tpu.memory_space<vmem>>
        %dma_start3A_892 = tpu.memref_slice %arg3[%mul3A_702] : memref<524288xf32, #tpu.memory_space<hbm>> -> memref<4096xf32, #tpu.memory_space<hbm>>
        tpu.enqueue_dma source(%dma_start3A_892 : memref<4096xf32, #tpu.memory_space<hbm>>) target(%dma_start3A_891 : memref<4096xf32, #tpu.memory_space<vmem>>) target_semaphore(%run_scoped3A : memref<!tpu.dma_semaphore, #tpu.memory_space<semaphore_mem>>)
        %dma_wait3A_893 = arith.constant 0 : i32
        %dma_wait3A_894 = tpu.memref_slice %arg13[%dma_wait3A_893] : memref<4112xf32, #tpu.memory_space<vmem>> -> memref<4096xf32, #tpu.memory_space<vmem>>
        %dma_wait3A_895 = tpu.memref_slice %arg3[%mul3A_702] : memref<524288xf32, #tpu.memory_space<hbm>> -> memref<4096xf32, #tpu.memory_space<hbm>>
        %dma_wait3A_896 = arith.constant 0 : i32
        %dma_wait3A_897 = tpu.memref_slice %arg13[%dma_wait3A_896] : memref<4112xf32, #tpu.memory_space<vmem>> -> memref<4096xf32, #tpu.memory_space<vmem>>
        %dma_wait3A_898 = tpu.memref_slice %arg3[%mul3A_702] : memref<524288xf32, #tpu.memory_space<hbm>> -> memref<4096xf32, #tpu.memory_space<hbm>>
        tpu.wait_dma2 semaphore(%run_scoped3A : memref<!tpu.dma_semaphore, #tpu.memory_space<semaphore_mem>>) src(%dma_wait3A_898 : memref<4096xf32, #tpu.memory_space<hbm>>) dst(%dma_wait3A_897 : memref<4096xf32, #tpu.memory_space<vmem>>)
        tpu.yield
      }) : () -> ()
      "tpu.region"() ({
        %run_scoped3A = tpu.sem_alloc : memref<!tpu.dma_semaphore, #tpu.memory_space<semaphore_mem>>
        %dma_start3A_887 = arith.constant 0 : i32
        %dma_start3A_888 = tpu.memref_slice %arg14[%dma_start3A_887] : memref<4112xf32, #tpu.memory_space<vmem>> -> memref<4096xf32, #tpu.memory_space<vmem>>
        %dma_start3A_889 = tpu.memref_slice %arg4[%mul3A_702] : memref<524288xf32, #tpu.memory_space<hbm>> -> memref<4096xf32, #tpu.memory_space<hbm>>
        %dma_start3A_890 = arith.constant 0 : i32
        %dma_start3A_891 = tpu.memref_slice %arg14[%dma_start3A_890] : memref<4112xf32, #tpu.memory_space<vmem>> -> memref<4096xf32, #tpu.memory_space<vmem>>
        %dma_start3A_892 = tpu.memref_slice %arg4[%mul3A_702] : memref<524288xf32, #tpu.memory_space<hbm>> -> memref<4096xf32, #tpu.memory_space<hbm>>
        tpu.enqueue_dma source(%dma_start3A_892 : memref<4096xf32, #tpu.memory_space<hbm>>) target(%dma_start3A_891 : memref<4096xf32, #tpu.memory_space<vmem>>) target_semaphore(%run_scoped3A : memref<!tpu.dma_semaphore, #tpu.memory_space<semaphore_mem>>)
        %dma_wait3A_893 = arith.constant 0 : i32
        %dma_wait3A_894 = tpu.memref_slice %arg14[%dma_wait3A_893] : memref<4112xf32, #tpu.memory_space<vmem>> -> memref<4096xf32, #tpu.memory_space<vmem>>
        %dma_wait3A_895 = tpu.memref_slice %arg4[%mul3A_702] : memref<524288xf32, #tpu.memory_space<hbm>> -> memref<4096xf32, #tpu.memory_space<hbm>>
        %dma_wait3A_896 = arith.constant 0 : i32
        %dma_wait3A_897 = tpu.memref_slice %arg14[%dma_wait3A_896] : memref<4112xf32, #tpu.memory_space<vmem>> -> memref<4096xf32, #tpu.memory_space<vmem>>
        %dma_wait3A_898 = tpu.memref_slice %arg4[%mul3A_702] : memref<524288xf32, #tpu.memory_space<hbm>> -> memref<4096xf32, #tpu.memory_space<hbm>>
        tpu.wait_dma2 semaphore(%run_scoped3A : memref<!tpu.dma_semaphore, #tpu.memory_space<semaphore_mem>>) src(%dma_wait3A_898 : memref<4096xf32, #tpu.memory_space<hbm>>) dst(%dma_wait3A_897 : memref<4096xf32, #tpu.memory_space<vmem>>)
        tpu.yield
      }) : () -> ()
      "tpu.region"() ({
        %run_scoped3A = tpu.sem_alloc : memref<!tpu.dma_semaphore, #tpu.memory_space<semaphore_mem>>
        %dma_start3A_887 = tpu.memref_slice %arg5[%mul3A_702] : memref<524288xi32, #tpu.memory_space<hbm>> -> memref<4096xi32, #tpu.memory_space<hbm>>
        %dma_start3A_888 = tpu.memref_slice %arg5[%mul3A_702] : memref<524288xi32, #tpu.memory_space<hbm>> -> memref<4096xi32, #tpu.memory_space<hbm>>
        tpu.enqueue_dma source(%dma_start3A_888 : memref<4096xi32, #tpu.memory_space<hbm>>) target(%arg15 : memref<4096xi32, #tpu.memory_space<vmem>>) target_semaphore(%run_scoped3A : memref<!tpu.dma_semaphore, #tpu.memory_space<semaphore_mem>>)
        %dma_wait3A_889 = tpu.memref_slice %arg5[%mul3A_702] : memref<524288xi32, #tpu.memory_space<hbm>> -> memref<4096xi32, #tpu.memory_space<hbm>>
        %dma_wait3A_890 = tpu.memref_slice %arg5[%mul3A_702] : memref<524288xi32, #tpu.memory_space<hbm>> -> memref<4096xi32, #tpu.memory_space<hbm>>
        tpu.wait_dma2 semaphore(%run_scoped3A : memref<!tpu.dma_semaphore, #tpu.memory_space<semaphore_mem>>) src(%dma_wait3A_890 : memref<4096xi32, #tpu.memory_space<hbm>>) dst(%arg15 : memref<4096xi32, #tpu.memory_space<vmem>>)
        tpu.yield
      }) : () -> ()
      %swap3A_703 = arith.constant 0 : index
      %swap3A_704 = tpu.vector_load %arg16[%swap3A_703] {strides = array<i32>} : memref<144xi32, #tpu.memory_space<vmem>>, vector<16xi32>,
      tpu.vector_store %arg16[%swap3A_703], %broadcast_in_dim3A_374 {strides = array<i32>} : memref<144xi32, #tpu.memory_space<vmem>>, vector<16xi32>,
      %swap3A_705 = arith.constant 16 : index
      %swap3A_706 = tpu.vector_load %arg16[%swap3A_705] {strides = array<i32>} : memref<144xi32, #tpu.memory_space<vmem>>, vector<16xi32>,
      tpu.vector_store %arg16[%swap3A_705], %broadcast_in_dim3A_374 {strides = array<i32>} : memref<144xi32, #tpu.memory_space<vmem>>, vector<16xi32>,
      %swap3A_707 = arith.constant 32 : index
      %swap3A_708 = tpu.vector_load %arg16[%swap3A_707] {strides = array<i32>} : memref<144xi32, #tpu.memory_space<vmem>>, vector<16xi32>,
      tpu.vector_store %arg16[%swap3A_707], %broadcast_in_dim3A_374 {strides = array<i32>} : memref<144xi32, #tpu.memory_space<vmem>>, vector<16xi32>,
      %swap3A_709 = arith.constant 48 : index
      %swap3A_710 = tpu.vector_load %arg16[%swap3A_709] {strides = array<i32>} : memref<144xi32, #tpu.memory_space<vmem>>, vector<16xi32>,
      tpu.vector_store %arg16[%swap3A_709], %broadcast_in_dim3A_374 {strides = array<i32>} : memref<144xi32, #tpu.memory_space<vmem>>, vector<16xi32>,
      %swap3A_711 = arith.constant 64 : index
      %swap3A_712 = tpu.vector_load %arg16[%swap3A_711] {strides = array<i32>} : memref<144xi32, #tpu.memory_space<vmem>>, vector<16xi32>,
      tpu.vector_store %arg16[%swap3A_711], %broadcast_in_dim3A_374 {strides = array<i32>} : memref<144xi32, #tpu.memory_space<vmem>>, vector<16xi32>,
      %swap3A_713 = arith.constant 80 : index
      %swap3A_714 = tpu.vector_load %arg16[%swap3A_713] {strides = array<i32>} : memref<144xi32, #tpu.memory_space<vmem>>, vector<16xi32>,
      tpu.vector_store %arg16[%swap3A_713], %broadcast_in_dim3A_374 {strides = array<i32>} : memref<144xi32, #tpu.memory_space<vmem>>, vector<16xi32>,
      %swap3A_715 = arith.constant 96 : index
      %swap3A_716 = tpu.vector_load %arg16[%swap3A_715] {strides = array<i32>} : memref<144xi32, #tpu.memory_space<vmem>>, vector<16xi32>,
      tpu.vector_store %arg16[%swap3A_715], %broadcast_in_dim3A_374 {strides = array<i32>} : memref<144xi32, #tpu.memory_space<vmem>>, vector<16xi32>,
      %swap3A_717 = arith.constant 112 : index
      %swap3A_718 = tpu.vector_load %arg16[%swap3A_717] {strides = array<i32>} : memref<144xi32, #tpu.memory_space<vmem>>, vector<16xi32>,
      tpu.vector_store %arg16[%swap3A_717], %broadcast_in_dim3A_374 {strides = array<i32>} : memref<144xi32, #tpu.memory_space<vmem>>, vector<16xi32>,
      %swap3A_719 = arith.constant 128 : index
      %swap3A_720 = tpu.vector_load %arg16[%swap3A_719] {strides = array<i32>} : memref<144xi32, #tpu.memory_space<vmem>>, vector<16xi32>,
      tpu.vector_store %arg16[%swap3A_719], %broadcast_in_dim3A_374 {strides = array<i32>} : memref<144xi32, #tpu.memory_space<vmem>>, vector<16xi32>,
      %scan3A_721 = arith.constant 0 : i32
      %scan3A_722 = arith.constant 256 : i32
      %scan3A_723 = arith.addi %scan3A_721, %scan3A_722 : i32
      %scan3A_724 = arith.constant 1 : i32
      scf.for %scan3A_887 = %scan3A_721 to %scan3A_723 step %scan3A_724  : i32 {
        %mul3A_888 = arith.constant 1 : i32
        %mul3A_889 = arith.muli %scan3A_887, %mul3A_888 : i32
        %add3A_890 = arith.constant 0 : i32
        %add3A_891 = arith.addi %add3A_890, %mul3A_889 : i32
        %mul3A_892 = arith.constant 16 : i32
        %mul3A_893 = arith.muli %add3A_891, %mul3A_892 : i32
        %get3A_894 = arith.index_cast %mul3A_893 : i32 to index
        %get3A_895 = tpu.vector_load %arg15[%get3A_894] {strides = array<i32>} : memref<4096xi32, #tpu.memory_space<vmem>>, vector<16xi32>,
        %sub3A_896 = vector.broadcast %mul3A_2 : i32 to vector<16xi32>
        %sub3A_897 = arith.subi %get3A_895, %sub3A_896 : vector<16xi32>
        %max3A_898 = arith.constant -1 : i32
        %max3A_899 = vector.broadcast %max3A_898 : i32 to vector<16xi32>
        %max3A_900 = arith.maxsi %sub3A_897, %max3A_899 : vector<16xi32>
        %min3A = arith.constant 128 : i32
        %min3A_901 = vector.broadcast %min3A : i32 to vector<16xi32>
        %min3A_902 = arith.minsi %max3A_900, %min3A_901 : vector<16xi32>
        %add3A_903 = arith.constant 1 : i32
        %add3A_904 = vector.broadcast %add3A_903 : i32 to vector<16xi32>
        %add3A_905 = arith.addi %min3A_902, %add3A_904 : vector<16xi32>
        tpu.vector_store_idx %arg16[%add3A_905], %broadcast_in_dim3A_570 {add = true} : memref<144xi32, #tpu.memory_space<vmem>>[vector<16xi32>], vector<16xi32>,
      }
      %scan3A_725 = arith.constant 256 : i32
      %get3A_726 = arith.constant 0 : index
      %get3A_727 = tpu.vector_load %arg16[%get3A_726] {strides = array<i32>} : memref<144xi32, #tpu.memory_space<vmem>>, vector<16xi32>,
      %broadcast_in_dim3A_728 = arith.constant true
      %broadcast_in_dim3A_729 = vector.broadcast %broadcast_in_dim3A_728 : i1 to vector<16xi1>
      %masked_cumsum3A_730 = tpu.scan <sum>, %get3A_727 masked %broadcast_in_dim3A_729 : vector<16xi32>, vector<16xi1> -> vector<16xi32>
      %add3A_731 = arith.constant 0 : i32
      %add3A_732 = vector.broadcast %add3A_731 : i32 to vector<16xi32>
      %add3A_733 = arith.addi %masked_cumsum3A_730, %add3A_732 : vector<16xi32>
      %swap3A_734 = arith.constant 0 : index
      %swap3A_735 = tpu.vector_load %arg17[%swap3A_734] {strides = array<i32>} : memref<144xi32, #tpu.memory_space<vmem>>, vector<16xi32>,
      tpu.vector_store %arg17[%swap3A_734], %add3A_733 {strides = array<i32>} : memref<144xi32, #tpu.memory_space<vmem>>, vector<16xi32>,
      %slice3A_736 = vector.extract_strided_slice %add3A_733 {offsets = [15], sizes = [1], strides = [1]} : vector<16xi32> to vector<1xi32>
      %squeeze3A_737 = vector.extract %slice3A_736[0] : i32 from vector<1xi32>
      %get3A_738 = arith.constant 16 : index
      %get3A_739 = tpu.vector_load %arg16[%get3A_738] {strides = array<i32>} : memref<144xi32, #tpu.memory_space<vmem>>, vector<16xi32>,
      %broadcast_in_dim3A_740 = arith.constant true
      %broadcast_in_dim3A_741 = vector.broadcast %broadcast_in_dim3A_740 : i1 to vector<16xi1>
      %masked_cumsum3A_742 = tpu.scan <sum>, %get3A_739 masked %broadcast_in_dim3A_741 : vector<16xi32>, vector<16xi1> -> vector<16xi32>
      %add3A_743 = vector.broadcast %squeeze3A_737 : i32 to vector<16xi32>
      %add3A_744 = arith.addi %masked_cumsum3A_742, %add3A_743 : vector<16xi32>
      %swap3A_745 = arith.constant 16 : index
      %swap3A_746 = tpu.vector_load %arg17[%swap3A_745] {strides = array<i32>} : memref<144xi32, #tpu.memory_space<vmem>>, vector<16xi32>,
      tpu.vector_store %arg17[%swap3A_745], %add3A_744 {strides = array<i32>} : memref<144xi32, #tpu.memory_space<vmem>>, vector<16xi32>,
      %slice3A_747 = vector.extract_strided_slice %add3A_744 {offsets = [15], sizes = [1], strides = [1]} : vector<16xi32> to vector<1xi32>
      %squeeze3A_748 = vector.extract %slice3A_747[0] : i32 from vector<1xi32>
      %get3A_749 = arith.constant 32 : index
      %get3A_750 = tpu.vector_load %arg16[%get3A_749] {strides = array<i32>} : memref<144xi32, #tpu.memory_space<vmem>>, vector<16xi32>,
      %broadcast_in_dim3A_751 = arith.constant true
      %broadcast_in_dim3A_752 = vector.broadcast %broadcast_in_dim3A_751 : i1 to vector<16xi1>
      %masked_cumsum3A_753 = tpu.scan <sum>, %get3A_750 masked %broadcast_in_dim3A_752 : vector<16xi32>, vector<16xi1> -> vector<16xi32>
      %add3A_754 = vector.broadcast %squeeze3A_748 : i32 to vector<16xi32>
      %add3A_755 = arith.addi %masked_cumsum3A_753, %add3A_754 : vector<16xi32>
      %swap3A_756 = arith.constant 32 : index
      %swap3A_757 = tpu.vector_load %arg17[%swap3A_756] {strides = array<i32>} : memref<144xi32, #tpu.memory_space<vmem>>, vector<16xi32>,
      tpu.vector_store %arg17[%swap3A_756], %add3A_755 {strides = array<i32>} : memref<144xi32, #tpu.memory_space<vmem>>, vector<16xi32>,
      %slice3A_758 = vector.extract_strided_slice %add3A_755 {offsets = [15], sizes = [1], strides = [1]} : vector<16xi32> to vector<1xi32>
      %squeeze3A_759 = vector.extract %slice3A_758[0] : i32 from vector<1xi32>
      %get3A_760 = arith.constant 48 : index
      %get3A_761 = tpu.vector_load %arg16[%get3A_760] {strides = array<i32>} : memref<144xi32, #tpu.memory_space<vmem>>, vector<16xi32>,
      %broadcast_in_dim3A_762 = arith.constant true
      %broadcast_in_dim3A_763 = vector.broadcast %broadcast_in_dim3A_762 : i1 to vector<16xi1>
      %masked_cumsum3A_764 = tpu.scan <sum>, %get3A_761 masked %broadcast_in_dim3A_763 : vector<16xi32>, vector<16xi1> -> vector<16xi32>
      %add3A_765 = vector.broadcast %squeeze3A_759 : i32 to vector<16xi32>
      %add3A_766 = arith.addi %masked_cumsum3A_764, %add3A_765 : vector<16xi32>
      %swap3A_767 = arith.constant 48 : index
      %swap3A_768 = tpu.vector_load %arg17[%swap3A_767] {strides = array<i32>} : memref<144xi32, #tpu.memory_space<vmem>>, vector<16xi32>,
      tpu.vector_store %arg17[%swap3A_767], %add3A_766 {strides = array<i32>} : memref<144xi32, #tpu.memory_space<vmem>>, vector<16xi32>,
      %slice3A_769 = vector.extract_strided_slice %add3A_766 {offsets = [15], sizes = [1], strides = [1]} : vector<16xi32> to vector<1xi32>
      %squeeze3A_770 = vector.extract %slice3A_769[0] : i32 from vector<1xi32>
      %get3A_771 = arith.constant 64 : index
      %get3A_772 = tpu.vector_load %arg16[%get3A_771] {strides = array<i32>} : memref<144xi32, #tpu.memory_space<vmem>>, vector<16xi32>,
      %broadcast_in_dim3A_773 = arith.constant true
      %broadcast_in_dim3A_774 = vector.broadcast %broadcast_in_dim3A_773 : i1 to vector<16xi1>
      %masked_cumsum3A_775 = tpu.scan <sum>, %get3A_772 masked %broadcast_in_dim3A_774 : vector<16xi32>, vector<16xi1> -> vector<16xi32>
      %add3A_776 = vector.broadcast %squeeze3A_770 : i32 to vector<16xi32>
      %add3A_777 = arith.addi %masked_cumsum3A_775, %add3A_776 : vector<16xi32>
      %swap3A_778 = arith.constant 64 : index
      %swap3A_779 = tpu.vector_load %arg17[%swap3A_778] {strides = array<i32>} : memref<144xi32, #tpu.memory_space<vmem>>, vector<16xi32>,
      tpu.vector_store %arg17[%swap3A_778], %add3A_777 {strides = array<i32>} : memref<144xi32, #tpu.memory_space<vmem>>, vector<16xi32>,
      %slice3A_780 = vector.extract_strided_slice %add3A_777 {offsets = [15], sizes = [1], strides = [1]} : vector<16xi32> to vector<1xi32>
      %squeeze3A_781 = vector.extract %slice3A_780[0] : i32 from vector<1xi32>
      %get3A_782 = arith.constant 80 : index
      %get3A_783 = tpu.vector_load %arg16[%get3A_782] {strides = array<i32>} : memref<144xi32, #tpu.memory_space<vmem>>, vector<16xi32>,
      %broadcast_in_dim3A_784 = arith.constant true
      %broadcast_in_dim3A_785 = vector.broadcast %broadcast_in_dim3A_784 : i1 to vector<16xi1>
      %masked_cumsum3A_786 = tpu.scan <sum>, %get3A_783 masked %broadcast_in_dim3A_785 : vector<16xi32>, vector<16xi1> -> vector<16xi32>
      %add3A_787 = vector.broadcast %squeeze3A_781 : i32 to vector<16xi32>
      %add3A_788 = arith.addi %masked_cumsum3A_786, %add3A_787 : vector<16xi32>
      %swap3A_789 = arith.constant 80 : index
      %swap3A_790 = tpu.vector_load %arg17[%swap3A_789] {strides = array<i32>} : memref<144xi32, #tpu.memory_space<vmem>>, vector<16xi32>,
      tpu.vector_store %arg17[%swap3A_789], %add3A_788 {strides = array<i32>} : memref<144xi32, #tpu.memory_space<vmem>>, vector<16xi32>,
      %slice3A_791 = vector.extract_strided_slice %add3A_788 {offsets = [15], sizes = [1], strides = [1]} : vector<16xi32> to vector<1xi32>
      %squeeze3A_792 = vector.extract %slice3A_791[0] : i32 from vector<1xi32>
      %get3A_793 = arith.constant 96 : index
      %get3A_794 = tpu.vector_load %arg16[%get3A_793] {strides = array<i32>} : memref<144xi32, #tpu.memory_space<vmem>>, vector<16xi32>,
      %broadcast_in_dim3A_795 = arith.constant true
      %broadcast_in_dim3A_796 = vector.broadcast %broadcast_in_dim3A_795 : i1 to vector<16xi1>
      %masked_cumsum3A_797 = tpu.scan <sum>, %get3A_794 masked %broadcast_in_dim3A_796 : vector<16xi32>, vector<16xi1> -> vector<16xi32>
      %add3A_798 = vector.broadcast %squeeze3A_792 : i32 to vector<16xi32>
      %add3A_799 = arith.addi %masked_cumsum3A_797, %add3A_798 : vector<16xi32>
      %swap3A_800 = arith.constant 96 : index
      %swap3A_801 = tpu.vector_load %arg17[%swap3A_800] {strides = array<i32>} : memref<144xi32, #tpu.memory_space<vmem>>, vector<16xi32>,
      tpu.vector_store %arg17[%swap3A_800], %add3A_799 {strides = array<i32>} : memref<144xi32, #tpu.memory_space<vmem>>, vector<16xi32>,
      %slice3A_802 = vector.extract_strided_slice %add3A_799 {offsets = [15], sizes = [1], strides = [1]} : vector<16xi32> to vector<1xi32>
      %squeeze3A_803 = vector.extract %slice3A_802[0] : i32 from vector<1xi32>
      %get3A_804 = arith.constant 112 : index
      %get3A_805 = tpu.vector_load %arg16[%get3A_804] {strides = array<i32>} : memref<144xi32, #tpu.memory_space<vmem>>, vector<16xi32>,
      %broadcast_in_dim3A_806 = arith.constant true
      %broadcast_in_dim3A_807 = vector.broadcast %broadcast_in_dim3A_806 : i1 to vector<16xi1>
      %masked_cumsum3A_808 = tpu.scan <sum>, %get3A_805 masked %broadcast_in_dim3A_807 : vector<16xi32>, vector<16xi1> -> vector<16xi32>
      %add3A_809 = vector.broadcast %squeeze3A_803 : i32 to vector<16xi32>
      %add3A_810 = arith.addi %masked_cumsum3A_808, %add3A_809 : vector<16xi32>
      %swap3A_811 = arith.constant 112 : index
      %swap3A_812 = tpu.vector_load %arg17[%swap3A_811] {strides = array<i32>} : memref<144xi32, #tpu.memory_space<vmem>>, vector<16xi32>,
      tpu.vector_store %arg17[%swap3A_811], %add3A_810 {strides = array<i32>} : memref<144xi32, #tpu.memory_space<vmem>>, vector<16xi32>,
      %slice3A_813 = vector.extract_strided_slice %add3A_810 {offsets = [15], sizes = [1], strides = [1]} : vector<16xi32> to vector<1xi32>
      %squeeze3A_814 = vector.extract %slice3A_813[0] : i32 from vector<1xi32>
      %get3A_815 = arith.constant 128 : index
      %get3A_816 = tpu.vector_load %arg16[%get3A_815] {strides = array<i32>} : memref<144xi32, #tpu.memory_space<vmem>>, vector<16xi32>,
      %broadcast_in_dim3A_817 = arith.constant true
      %broadcast_in_dim3A_818 = vector.broadcast %broadcast_in_dim3A_817 : i1 to vector<16xi1>
      %masked_cumsum3A_819 = tpu.scan <sum>, %get3A_816 masked %broadcast_in_dim3A_818 : vector<16xi32>, vector<16xi1> -> vector<16xi32>
      %add3A_820 = vector.broadcast %squeeze3A_814 : i32 to vector<16xi32>
      %add3A_821 = arith.addi %masked_cumsum3A_819, %add3A_820 : vector<16xi32>
      %swap3A_822 = arith.constant 128 : index
      %swap3A_823 = tpu.vector_load %arg17[%swap3A_822] {strides = array<i32>} : memref<144xi32, #tpu.memory_space<vmem>>, vector<16xi32>,
      tpu.vector_store %arg17[%swap3A_822], %add3A_821 {strides = array<i32>} : memref<144xi32, #tpu.memory_space<vmem>>, vector<16xi32>,
      %slice3A_824 = vector.extract_strided_slice %add3A_821 {offsets = [15], sizes = [1], strides = [1]} : vector<16xi32> to vector<1xi32>
      %squeeze3A_825 = vector.extract %slice3A_824[0] : i32 from vector<1xi32>
      %get3A_826 = arith.constant 0 : index
      %get3A_827 = tpu.vector_load %arg20[%get3A_826] {strides = array<i32>} : memref<128xi32, #tpu.memory_space<vmem>>, vector<16xi32>,
      %get3A_828 = arith.constant 1 : index
      %get3A_829 = tpu.vector_load %arg16[%get3A_828] {strides = array<i32>} : memref<144xi32, #tpu.memory_space<vmem>>, vector<16xi32>,
      %add3A_830 = arith.addi %get3A_827, %get3A_829 : vector<16xi32>
      %swap3A_831 = arith.constant 0 : index
      %swap3A_832 = tpu.vector_load %arg20[%swap3A_831] {strides = array<i32>} : memref<128xi32, #tpu.memory_space<vmem>>, vector<16xi32>,
      tpu.vector_store %arg20[%swap3A_831], %add3A_830 {strides = array<i32>} : memref<128xi32, #tpu.memory_space<vmem>>, vector<16xi32>,
      %get3A_833 = arith.constant 16 : index
      %get3A_834 = tpu.vector_load %arg20[%get3A_833] {strides = array<i32>} : memref<128xi32, #tpu.memory_space<vmem>>, vector<16xi32>,
      %get3A_835 = arith.constant 17 : index
      %get3A_836 = tpu.vector_load %arg16[%get3A_835] {strides = array<i32>} : memref<144xi32, #tpu.memory_space<vmem>>, vector<16xi32>,
      %add3A_837 = arith.addi %get3A_834, %get3A_836 : vector<16xi32>
      %swap3A_838 = arith.constant 16 : index
      %swap3A_839 = tpu.vector_load %arg20[%swap3A_838] {strides = array<i32>} : memref<128xi32, #tpu.memory_space<vmem>>, vector<16xi32>,
      tpu.vector_store %arg20[%swap3A_838], %add3A_837 {strides = array<i32>} : memref<128xi32, #tpu.memory_space<vmem>>, vector<16xi32>,
      %get3A_840 = arith.constant 32 : index
      %get3A_841 = tpu.vector_load %arg20[%get3A_840] {strides = array<i32>} : memref<128xi32, #tpu.memory_space<vmem>>, vector<16xi32>,
      %get3A_842 = arith.constant 33 : index
      %get3A_843 = tpu.vector_load %arg16[%get3A_842] {strides = array<i32>} : memref<144xi32, #tpu.memory_space<vmem>>, vector<16xi32>,
      %add3A_844 = arith.addi %get3A_841, %get3A_843 : vector<16xi32>
      %swap3A_845 = arith.constant 32 : index
      %swap3A_846 = tpu.vector_load %arg20[%swap3A_845] {strides = array<i32>} : memref<128xi32, #tpu.memory_space<vmem>>, vector<16xi32>,
      tpu.vector_store %arg20[%swap3A_845], %add3A_844 {strides = array<i32>} : memref<128xi32, #tpu.memory_space<vmem>>, vector<16xi32>,
      %get3A_847 = arith.constant 48 : index
      %get3A_848 = tpu.vector_load %arg20[%get3A_847] {strides = array<i32>} : memref<128xi32, #tpu.memory_space<vmem>>, vector<16xi32>,
      %get3A_849 = arith.constant 49 : index
      %get3A_850 = tpu.vector_load %arg16[%get3A_849] {strides = array<i32>} : memref<144xi32, #tpu.memory_space<vmem>>, vector<16xi32>,
      %add3A_851 = arith.addi %get3A_848, %get3A_850 : vector<16xi32>
      %swap3A_852 = arith.constant 48 : index
      %swap3A_853 = tpu.vector_load %arg20[%swap3A_852] {strides = array<i32>} : memref<128xi32, #tpu.memory_space<vmem>>, vector<16xi32>,
      tpu.vector_store %arg20[%swap3A_852], %add3A_851 {strides = array<i32>} : memref<128xi32, #tpu.memory_space<vmem>>, vector<16xi32>,
      %get3A_854 = arith.constant 64 : index
      %get3A_855 = tpu.vector_load %arg20[%get3A_854] {strides = array<i32>} : memref<128xi32, #tpu.memory_space<vmem>>, vector<16xi32>,
      %get3A_856 = arith.constant 65 : index
      %get3A_857 = tpu.vector_load %arg16[%get3A_856] {strides = array<i32>} : memref<144xi32, #tpu.memory_space<vmem>>, vector<16xi32>,
      %add3A_858 = arith.addi %get3A_855, %get3A_857 : vector<16xi32>
      %swap3A_859 = arith.constant 64 : index
      %swap3A_860 = tpu.vector_load %arg20[%swap3A_859] {strides = array<i32>} : memref<128xi32, #tpu.memory_space<vmem>>, vector<16xi32>,
      tpu.vector_store %arg20[%swap3A_859], %add3A_858 {strides = array<i32>} : memref<128xi32, #tpu.memory_space<vmem>>, vector<16xi32>,
      %get3A_861 = arith.constant 80 : index
      %get3A_862 = tpu.vector_load %arg20[%get3A_861] {strides = array<i32>} : memref<128xi32, #tpu.memory_space<vmem>>, vector<16xi32>,
      %get3A_863 = arith.constant 81 : index
      %get3A_864 = tpu.vector_load %arg16[%get3A_863] {strides = array<i32>} : memref<144xi32, #tpu.memory_space<vmem>>, vector<16xi32>,
      %add3A_865 = arith.addi %get3A_862, %get3A_864 : vector<16xi32>
      %swap3A_866 = arith.constant 80 : index
      %swap3A_867 = tpu.vector_load %arg20[%swap3A_866] {strides = array<i32>} : memref<128xi32, #tpu.memory_space<vmem>>, vector<16xi32>,
      tpu.vector_store %arg20[%swap3A_866], %add3A_865 {strides = array<i32>} : memref<128xi32, #tpu.memory_space<vmem>>, vector<16xi32>,
      %get3A_868 = arith.constant 96 : index
      %get3A_869 = tpu.vector_load %arg20[%get3A_868] {strides = array<i32>} : memref<128xi32, #tpu.memory_space<vmem>>, vector<16xi32>,
      %get3A_870 = arith.constant 97 : index
      %get3A_871 = tpu.vector_load %arg16[%get3A_870] {strides = array<i32>} : memref<144xi32, #tpu.memory_space<vmem>>, vector<16xi32>,
      %add3A_872 = arith.addi %get3A_869, %get3A_871 : vector<16xi32>
      %swap3A_873 = arith.constant 96 : index
      %swap3A_874 = tpu.vector_load %arg20[%swap3A_873] {strides = array<i32>} : memref<128xi32, #tpu.memory_space<vmem>>, vector<16xi32>,
      tpu.vector_store %arg20[%swap3A_873], %add3A_872 {strides = array<i32>} : memref<128xi32, #tpu.memory_space<vmem>>, vector<16xi32>,
      %get3A_875 = arith.constant 112 : index
      %get3A_876 = tpu.vector_load %arg20[%get3A_875] {strides = array<i32>} : memref<128xi32, #tpu.memory_space<vmem>>, vector<16xi32>,
      %get3A_877 = arith.constant 113 : index
      %get3A_878 = tpu.vector_load %arg16[%get3A_877] {strides = array<i32>} : memref<144xi32, #tpu.memory_space<vmem>>, vector<16xi32>,
      %add3A_879 = arith.addi %get3A_876, %get3A_878 : vector<16xi32>
      %swap3A_880 = arith.constant 112 : index
      %swap3A_881 = tpu.vector_load %arg20[%swap3A_880] {strides = array<i32>} : memref<128xi32, #tpu.memory_space<vmem>>, vector<16xi32>,
      tpu.vector_store %arg20[%swap3A_880], %add3A_879 {strides = array<i32>} : memref<128xi32, #tpu.memory_space<vmem>>, vector<16xi32>,
      %scan3A_882 = arith.constant 0 : i32
      %scan3A_883 = arith.constant 128 : i32
      %scan3A_884 = arith.addi %scan3A_882, %scan3A_883 : i32
      %scan3A_885 = arith.constant 1 : i32
      scf.for %scan3A_887 = %scan3A_882 to %scan3A_884 step %scan3A_885  : i32 {
        %mul3A_888 = arith.constant 1 : i32
        %mul3A_889 = arith.muli %scan3A_887, %mul3A_888 : i32
        %add3A_890 = arith.constant 0 : i32
        %add3A_891 = arith.addi %add3A_890, %mul3A_889 : i32
        %get3A_892 = arith.index_cast %add3A_891 : i32 to index
        %get3A_893 = tpu.vector_load %arg16[%get3A_892] {strides = array<i32>} : memref<144xi32, #tpu.memory_space<vmem>>, vector<16xi32>,
        %slice3A_894 = vector.extract_strided_slice %get3A_893 {offsets = [1], sizes = [1], strides = [1]} : vector<16xi32> to vector<1xi32>
        %squeeze3A_895 = vector.extract %slice3A_894[0] : i32 from vector<1xi32>
        %gt3A = arith.constant 0 : i32
        %gt3A_896 = arith.cmpi sgt, %squeeze3A_895, %gt3A : i32
        %convert_element_type3A_897 = arith.extui %gt3A_896 : i1 to i32
        %cond3A = arith.constant 0 : i32
        %cond3A_898 = arith.cmpi ne, %convert_element_type3A_897, %cond3A : i32
        scf.if %cond3A_898 {
          %get3A_899 = arith.index_cast %add3A_891 : i32 to index
          %get3A_900 = tpu.vector_load %arg17[%get3A_899] {strides = array<i32>} : memref<144xi32, #tpu.memory_space<vmem>>, vector<16xi32>,
          %slice3A_901 = vector.extract_strided_slice %get3A_900 {offsets = [0], sizes = [1], strides = [1]} : vector<16xi32> to vector<1xi32>
          %squeeze3A_902 = vector.extract %slice3A_901[0] : i32 from vector<1xi32>
          %mul3A_903 = arith.constant 6 : i32
          %mul3A_904 = arith.muli %add3A_891, %mul3A_903 : i32
          %add3A_905 = vector.broadcast %mul3A_904 : i32 to vector<16xi32>
          %add3A_906 = arith.addi %broadcast_in_dim3A_374, %add3A_905 : vector<16xi32>
          %gather3A = tpu.vector_load_idx %arg23[%add3A_906] : memref<784xf32, #tpu.memory_space<vmem>>[vector<16xi32>], vector<16xf32>,
          %mul3A_907 = arith.constant 6 : i32
          %mul3A_908 = arith.muli %add3A_891, %mul3A_907 : i32
          %add3A_909 = vector.broadcast %mul3A_908 : i32 to vector<16xi32>
          %add3A_910 = arith.addi %broadcast_in_dim3A_374, %add3A_909 : vector<16xi32>
          %add3A_911 = arith.constant 1 : i32
          %add3A_912 = vector.broadcast %add3A_911 : i32 to vector<16xi32>
          %add3A_913 = arith.addi %add3A_910, %add3A_912 : vector<16xi32>
          %gather3A_914 = tpu.vector_load_idx %arg23[%add3A_913] : memref<784xf32, #tpu.memory_space<vmem>>[vector<16xi32>], vector<16xf32>,
          %mul3A_915 = arith.constant 6 : i32
          %mul3A_916 = arith.muli %add3A_891, %mul3A_915 : i32
          %add3A_917 = vector.broadcast %mul3A_916 : i32 to vector<16xi32>
          %add3A_918 = arith.addi %broadcast_in_dim3A_374, %add3A_917 : vector<16xi32>
          %add3A_919 = arith.constant 2 : i32
          %add3A_920 = vector.broadcast %add3A_919 : i32 to vector<16xi32>
          %add3A_921 = arith.addi %add3A_918, %add3A_920 : vector<16xi32>
          %gather3A_922 = tpu.vector_load_idx %arg23[%add3A_921] : memref<784xf32, #tpu.memory_space<vmem>>[vector<16xi32>], vector<16xf32>,
          %get3A_923 = arith.index_cast %add3A_891 : i32 to index
          %get3A_924 = arith.constant 0 : index
          %get3A_925 = tpu.vector_load %arg18[%get3A_923, %get3A_924] {strides = array<i32>} : memref<128x64xf32, #tpu.memory_space<vmem>>, vector<16xf32>,
          %get3A_926 = arith.index_cast %add3A_891 : i32 to index
          %get3A_927 = arith.constant 16 : index
          %get3A_928 = tpu.vector_load %arg18[%get3A_926, %get3A_927] {strides = array<i32>} : memref<128x64xf32, #tpu.memory_space<vmem>>, vector<16xf32>,
          %get3A_929 = arith.index_cast %add3A_891 : i32 to index
          %get3A_930 = arith.constant 32 : index
          %get3A_931 = tpu.vector_load %arg18[%get3A_929, %get3A_930] {strides = array<i32>} : memref<128x64xf32, #tpu.memory_space<vmem>>, vector<16xf32>,
          %get3A_932 = arith.index_cast %add3A_891 : i32 to index
          %get3A_933 = arith.constant 48 : index
          %get3A_934 = tpu.vector_load %arg18[%get3A_932, %get3A_933] {strides = array<i32>} : memref<128x64xf32, #tpu.memory_space<vmem>>, vector<16xf32>,
          %get3A_935 = arith.index_cast %add3A_891 : i32 to index
          %get3A_936 = arith.constant 0 : index
          %get3A_937 = tpu.vector_load %arg19[%get3A_935, %get3A_936] {strides = array<i32>} : memref<128x64xf32, #tpu.memory_space<vmem>>, vector<16xf32>,
          %get3A_938 = arith.index_cast %add3A_891 : i32 to index
          %get3A_939 = arith.constant 16 : index
          %get3A_940 = tpu.vector_load %arg19[%get3A_938, %get3A_939] {strides = array<i32>} : memref<128x64xf32, #tpu.memory_space<vmem>>, vector<16xf32>,
          %get3A_941 = arith.index_cast %add3A_891 : i32 to index
          %get3A_942 = arith.constant 32 : index
          %get3A_943 = tpu.vector_load %arg19[%get3A_941, %get3A_942] {strides = array<i32>} : memref<128x64xf32, #tpu.memory_space<vmem>>, vector<16xf32>,
          %get3A_944 = arith.index_cast %add3A_891 : i32 to index
          %get3A_945 = arith.constant 48 : index
          %get3A_946 = tpu.vector_load %arg19[%get3A_944, %get3A_945] {strides = array<i32>} : memref<128x64xf32, #tpu.memory_space<vmem>>, vector<16xf32>,
          %sub3A_947 = arith.constant 0 : i32
          %sub3A_948 = arith.subi %squeeze3A_895, %sub3A_947 : i32
          %sub3A_949 = arith.constant 1 : i32
          %sub3A_950 = arith.constant 1 : i32
          %sub3A_951 = arith.subi %sub3A_949, %sub3A_950 : i32
          %add3A_952 = arith.addi %sub3A_948, %sub3A_951 : i32
          %div3A_953 = arith.constant 1 : i32
          %div3A_954 = arith.divsi %add3A_952, %div3A_953 : i32
          %while3A_955 = arith.constant 1 : i32
          %while3A_956 = arith.constant 0 : i32
          %while3A_957 = arith.constant 0 : i32
          %while3A_958 = arith.subi %div3A_954, %while3A_957 : i32
          %while3A_959 = arith.addi %while3A_957, %while3A_958 : i32
          %while3A_960 = arith.constant 1 : i32
          %while3A_961 = arith.divsi %while3A_958, %while3A_960 : i32
          %while3A_962 = arith.muli %while3A_961, %while3A_960 : i32
          %while3A_963 = arith.addi %while3A_957, %while3A_962 : i32
          %while3A_964 = arith.constant 1 : i32
          %while3A_965:8 = scf.for %while3A_992 = %while3A_957 to %while3A_963 step %while3A_964 iter_args(%while3A_993 = %get3A_925, %while3A_994 = %get3A_928, %while3A_995 = %get3A_931, %while3A_996 = %get3A_934, %while3A_997 = %get3A_937, %while3A_998 = %get3A_940, %while3A_999 = %get3A_943, %while3A_1000 = %get3A_946) -> (vector<16xf32>, vector<16xf32>, vector<16xf32>, vector<16xf32>, vector<16xf32>, vector<16xf32>, vector<16xf32>, vector<16xf32>)  : i32 {
            %mul3A_1001 = arith.muli %while3A_992, %while3A_955 : i32
            %add3A_1002 = arith.addi %while3A_956, %mul3A_1001 : i32
            %add3A_1003 = arith.addi %squeeze3A_902, %add3A_1002 : i32
            %add3A_1004 = vector.broadcast %add3A_1003 : i32 to vector<16xi32>
            %add3A_1005 = arith.addi %broadcast_in_dim3A_374, %add3A_1004 : vector<16xi32>
            %gather3A_1006 = tpu.vector_load_idx %arg12[%add3A_1005] : memref<4112xf32, #tpu.memory_space<vmem>>[vector<16xi32>], vector<16xf32>,
            %gather3A_1007 = tpu.vector_load_idx %arg13[%add3A_1005] : memref<4112xf32, #tpu.memory_space<vmem>>[vector<16xi32>], vector<16xf32>,
            %gather3A_1008 = tpu.vector_load_idx %arg14[%add3A_1005] : memref<4112xf32, #tpu.memory_space<vmem>>[vector<16xi32>], vector<16xf32>,
            %sub3A_1009 = arith.subf %gather3A_1006, %gather3A : vector<16xf32>
            %bitcast3A_1010 = vector.bitcast %sub3A_1009 : vector<16xf32> to vector<16xi32>
            %shift_right_logical3A_1011 = arith.constant 16 : i32
            %shift_right_logical3A_1012 = vector.broadcast %shift_right_logical3A_1011 : i32 to vector<16xi32>
            %shift_right_logical3A_1013 = arith.shrui %bitcast3A_1010, %shift_right_logical3A_1012 : vector<16xi32>
            %and3A_1014 = arith.constant 1 : i32
            %and3A_1015 = vector.broadcast %and3A_1014 : i32 to vector<16xi32>
            %and3A_1016 = arith.andi %shift_right_logical3A_1013, %and3A_1015 : vector<16xi32>
            %add3A_1017 = arith.constant 32767 : i32
            %add3A_1018 = vector.broadcast %add3A_1017 : i32 to vector<16xi32>
            %add3A_1019 = arith.addi %bitcast3A_1010, %add3A_1018 : vector<16xi32>
            %add3A_1020 = arith.addi %add3A_1019, %and3A_1016 : vector<16xi32>
            %and3A_1021 = arith.constant -65536 : i32
            %and3A_1022 = vector.broadcast %and3A_1021 : i32 to vector<16xi32>
            %and3A_1023 = arith.andi %add3A_1020, %and3A_1022 : vector<16xi32>
            %bitcast3A_1024 = vector.bitcast %and3A_1023 : vector<16xi32> to vector<16xf32>
            %sub3A_1025 = arith.subf %gather3A_1007, %gather3A_914 : vector<16xf32>
            %bitcast3A_1026 = vector.bitcast %sub3A_1025 : vector<16xf32> to vector<16xi32>
            %shift_right_logical3A_1027 = arith.constant 16 : i32
            %shift_right_logical3A_1028 = vector.broadcast %shift_right_logical3A_1027 : i32 to vector<16xi32>
            %shift_right_logical3A_1029 = arith.shrui %bitcast3A_1026, %shift_right_logical3A_1028 : vector<16xi32>
            %and3A_1030 = arith.constant 1 : i32
            %and3A_1031 = vector.broadcast %and3A_1030 : i32 to vector<16xi32>
            %and3A_1032 = arith.andi %shift_right_logical3A_1029, %and3A_1031 : vector<16xi32>
            %add3A_1033 = arith.constant 32767 : i32
            %add3A_1034 = vector.broadcast %add3A_1033 : i32 to vector<16xi32>
            %add3A_1035 = arith.addi %bitcast3A_1026, %add3A_1034 : vector<16xi32>
            %add3A_1036 = arith.addi %add3A_1035, %and3A_1032 : vector<16xi32>
            %and3A_1037 = arith.constant -65536 : i32
            %and3A_1038 = vector.broadcast %and3A_1037 : i32 to vector<16xi32>
            %and3A_1039 = arith.andi %add3A_1036, %and3A_1038 : vector<16xi32>
            %bitcast3A_1040 = vector.bitcast %and3A_1039 : vector<16xi32> to vector<16xf32>
            %sub3A_1041 = arith.subf %gather3A_1008, %gather3A_922 : vector<16xf32>
            %bitcast3A_1042 = vector.bitcast %sub3A_1041 : vector<16xf32> to vector<16xi32>
            %shift_right_logical3A_1043 = arith.constant 16 : i32
            %shift_right_logical3A_1044 = vector.broadcast %shift_right_logical3A_1043 : i32 to vector<16xi32>
            %shift_right_logical3A_1045 = arith.shrui %bitcast3A_1042, %shift_right_logical3A_1044 : vector<16xi32>
            %and3A_1046 = arith.constant 1 : i32
            %and3A_1047 = vector.broadcast %and3A_1046 : i32 to vector<16xi32>
            %and3A_1048 = arith.andi %shift_right_logical3A_1045, %and3A_1047 : vector<16xi32>
            %add3A_1049 = arith.constant 32767 : i32
            %add3A_1050 = vector.broadcast %add3A_1049 : i32 to vector<16xi32>
            %add3A_1051 = arith.addi %bitcast3A_1042, %add3A_1050 : vector<16xi32>
            %add3A_1052 = arith.addi %add3A_1051, %and3A_1048 : vector<16xi32>
            %and3A_1053 = arith.constant -65536 : i32
            %and3A_1054 = vector.broadcast %and3A_1053 : i32 to vector<16xi32>
            %and3A_1055 = arith.andi %add3A_1052, %and3A_1054 : vector<16xi32>
            %bitcast3A_1056 = vector.bitcast %and3A_1055 : vector<16xi32> to vector<16xf32>
            %mul3A_1057 = arith.mulf %bitcast3A_1024, %bitcast3A_176 : vector<16xf32>
            %mul3A_1058 = arith.mulf %bitcast3A_1040, %bitcast3A_244 : vector<16xf32>
            %add3A_1059 = arith.addf %mul3A_1057, %mul3A_1058 : vector<16xf32>
            %mul3A_1060 = arith.mulf %bitcast3A_1056, %bitcast3A_312 : vector<16xf32>
            %add3A_1061 = arith.addf %add3A_1059, %mul3A_1060 : vector<16xf32>
            %add3A_1062 = arith.addf %add3A_1061, %get3A_365 : vector<16xf32>
            %max3A_1063 = arith.constant 0.000000e+00 : f32
            %max3A_1064 = vector.broadcast %max3A_1063 : f32 to vector<16xf32>
            %max3A_1065 = arith.maximumf %add3A_1062, %max3A_1064 : vector<16xf32>
            %add3A_1066 = arith.addf %while3A_993, %max3A_1065 : vector<16xf32>
            %mul3A_1067 = arith.mulf %bitcast3A_1024, %bitcast3A_193 : vector<16xf32>
            %mul3A_1068 = arith.mulf %bitcast3A_1040, %bitcast3A_261 : vector<16xf32>
            %add3A_1069 = arith.addf %mul3A_1067, %mul3A_1068 : vector<16xf32>
            %mul3A_1070 = arith.mulf %bitcast3A_1056, %bitcast3A_329 : vector<16xf32>
            %add3A_1071 = arith.addf %add3A_1069, %mul3A_1070 : vector<16xf32>
            %add3A_1072 = arith.addf %add3A_1071, %get3A_367 : vector<16xf32>
            %max3A_1073 = arith.constant 0.000000e+00 : f32
            %max3A_1074 = vector.broadcast %max3A_1073 : f32 to vector<16xf32>
            %max3A_1075 = arith.maximumf %add3A_1072, %max3A_1074 : vector<16xf32>
            %add3A_1076 = arith.addf %while3A_994, %max3A_1075 : vector<16xf32>
            %mul3A_1077 = arith.mulf %bitcast3A_1024, %bitcast3A_210 : vector<16xf32>
            %mul3A_1078 = arith.mulf %bitcast3A_1040, %bitcast3A_278 : vector<16xf32>
            %add3A_1079 = arith.addf %mul3A_1077, %mul3A_1078 : vector<16xf32>
            %mul3A_1080 = arith.mulf %bitcast3A_1056, %bitcast3A_346 : vector<16xf32>
            %add3A_1081 = arith.addf %add3A_1079, %mul3A_1080 : vector<16xf32>
            %add3A_1082 = arith.addf %add3A_1081, %get3A_369 : vector<16xf32>
            %max3A_1083 = arith.constant 0.000000e+00 : f32
            %max3A_1084 = vector.broadcast %max3A_1083 : f32 to vector<16xf32>
            %max3A_1085 = arith.maximumf %add3A_1082, %max3A_1084 : vector<16xf32>
            %add3A_1086 = arith.addf %while3A_995, %max3A_1085 : vector<16xf32>
            %mul3A_1087 = arith.mulf %bitcast3A_1024, %bitcast3A_227 : vector<16xf32>
            %mul3A_1088 = arith.mulf %bitcast3A_1040, %bitcast3A_295 : vector<16xf32>
            %add3A_1089 = arith.addf %mul3A_1087, %mul3A_1088 : vector<16xf32>
            %mul3A_1090 = arith.mulf %bitcast3A_1056, %bitcast3A_363 : vector<16xf32>
            %add3A_1091 = arith.addf %add3A_1089, %mul3A_1090 : vector<16xf32>
            %add3A_1092 = arith.addf %add3A_1091, %get3A_371 : vector<16xf32>
            %max3A_1093 = arith.constant 0.000000e+00 : f32
            %max3A_1094 = vector.broadcast %max3A_1093 : f32 to vector<16xf32>
            %max3A_1095 = arith.maximumf %add3A_1092, %max3A_1094 : vector<16xf32>
            %add3A_1096 = arith.addf %while3A_996, %max3A_1095 : vector<16xf32>
            %max3A_1097 = arith.maximumf %while3A_997, %max3A_1065 : vector<16xf32>
            %max3A_1098 = arith.maximumf %while3A_998, %max3A_1075 : vector<16xf32>
            %max3A_1099 = arith.maximumf %while3A_999, %max3A_1085 : vector<16xf32>
            %max3A_1100 = arith.maximumf %while3A_1000, %max3A_1095 : vector<16xf32>
            scf.yield %add3A_1066, %add3A_1076, %add3A_1086, %add3A_1096, %max3A_1097, %max3A_1098, %max3A_1099, %max3A_1100 : vector<16xf32>, vector<16xf32>, vector<16xf32>, vector<16xf32>, vector<16xf32>, vector<16xf32>, vector<16xf32>, vector<16xf32>
          }
          %while3A_966 = arith.constant 1 : i32
          %while3A_967:8 = scf.for %while3A_992 = %while3A_963 to %while3A_959 step %while3A_966 iter_args(%while3A_993 = %while3A_965#0, %while3A_994 = %while3A_965#1, %while3A_995 = %while3A_965#2, %while3A_996 = %while3A_965#3, %while3A_997 = %while3A_965#4, %while3A_998 = %while3A_965#5, %while3A_999 = %while3A_965#6, %while3A_1000 = %while3A_965#7) -> (vector<16xf32>, vector<16xf32>, vector<16xf32>, vector<16xf32>, vector<16xf32>, vector<16xf32>, vector<16xf32>, vector<16xf32>)  : i32 {
            %mul3A_1001 = arith.muli %while3A_992, %while3A_955 : i32
            %add3A_1002 = arith.addi %while3A_956, %mul3A_1001 : i32
            %add3A_1003 = arith.addi %squeeze3A_902, %add3A_1002 : i32
            %add3A_1004 = vector.broadcast %add3A_1003 : i32 to vector<16xi32>
            %add3A_1005 = arith.addi %broadcast_in_dim3A_374, %add3A_1004 : vector<16xi32>
            %gather3A_1006 = tpu.vector_load_idx %arg12[%add3A_1005] : memref<4112xf32, #tpu.memory_space<vmem>>[vector<16xi32>], vector<16xf32>,
            %gather3A_1007 = tpu.vector_load_idx %arg13[%add3A_1005] : memref<4112xf32, #tpu.memory_space<vmem>>[vector<16xi32>], vector<16xf32>,
            %gather3A_1008 = tpu.vector_load_idx %arg14[%add3A_1005] : memref<4112xf32, #tpu.memory_space<vmem>>[vector<16xi32>], vector<16xf32>,
            %sub3A_1009 = arith.subf %gather3A_1006, %gather3A : vector<16xf32>
            %bitcast3A_1010 = vector.bitcast %sub3A_1009 : vector<16xf32> to vector<16xi32>
            %shift_right_logical3A_1011 = arith.constant 16 : i32
            %shift_right_logical3A_1012 = vector.broadcast %shift_right_logical3A_1011 : i32 to vector<16xi32>
            %shift_right_logical3A_1013 = arith.shrui %bitcast3A_1010, %shift_right_logical3A_1012 : vector<16xi32>
            %and3A_1014 = arith.constant 1 : i32
            %and3A_1015 = vector.broadcast %and3A_1014 : i32 to vector<16xi32>
            %and3A_1016 = arith.andi %shift_right_logical3A_1013, %and3A_1015 : vector<16xi32>
            %add3A_1017 = arith.constant 32767 : i32
            %add3A_1018 = vector.broadcast %add3A_1017 : i32 to vector<16xi32>
            %add3A_1019 = arith.addi %bitcast3A_1010, %add3A_1018 : vector<16xi32>
            %add3A_1020 = arith.addi %add3A_1019, %and3A_1016 : vector<16xi32>
            %and3A_1021 = arith.constant -65536 : i32
            %and3A_1022 = vector.broadcast %and3A_1021 : i32 to vector<16xi32>
            %and3A_1023 = arith.andi %add3A_1020, %and3A_1022 : vector<16xi32>
            %bitcast3A_1024 = vector.bitcast %and3A_1023 : vector<16xi32> to vector<16xf32>
            %sub3A_1025 = arith.subf %gather3A_1007, %gather3A_914 : vector<16xf32>
            %bitcast3A_1026 = vector.bitcast %sub3A_1025 : vector<16xf32> to vector<16xi32>
            %shift_right_logical3A_1027 = arith.constant 16 : i32
            %shift_right_logical3A_1028 = vector.broadcast %shift_right_logical3A_1027 : i32 to vector<16xi32>
            %shift_right_logical3A_1029 = arith.shrui %bitcast3A_1026, %shift_right_logical3A_1028 : vector<16xi32>
            %and3A_1030 = arith.constant 1 : i32
            %and3A_1031 = vector.broadcast %and3A_1030 : i32 to vector<16xi32>
            %and3A_1032 = arith.andi %shift_right_logical3A_1029, %and3A_1031 : vector<16xi32>
            %add3A_1033 = arith.constant 32767 : i32
            %add3A_1034 = vector.broadcast %add3A_1033 : i32 to vector<16xi32>
            %add3A_1035 = arith.addi %bitcast3A_1026, %add3A_1034 : vector<16xi32>
            %add3A_1036 = arith.addi %add3A_1035, %and3A_1032 : vector<16xi32>
            %and3A_1037 = arith.constant -65536 : i32
            %and3A_1038 = vector.broadcast %and3A_1037 : i32 to vector<16xi32>
            %and3A_1039 = arith.andi %add3A_1036, %and3A_1038 : vector<16xi32>
            %bitcast3A_1040 = vector.bitcast %and3A_1039 : vector<16xi32> to vector<16xf32>
            %sub3A_1041 = arith.subf %gather3A_1008, %gather3A_922 : vector<16xf32>
            %bitcast3A_1042 = vector.bitcast %sub3A_1041 : vector<16xf32> to vector<16xi32>
            %shift_right_logical3A_1043 = arith.constant 16 : i32
            %shift_right_logical3A_1044 = vector.broadcast %shift_right_logical3A_1043 : i32 to vector<16xi32>
            %shift_right_logical3A_1045 = arith.shrui %bitcast3A_1042, %shift_right_logical3A_1044 : vector<16xi32>
            %and3A_1046 = arith.constant 1 : i32
            %and3A_1047 = vector.broadcast %and3A_1046 : i32 to vector<16xi32>
            %and3A_1048 = arith.andi %shift_right_logical3A_1045, %and3A_1047 : vector<16xi32>
            %add3A_1049 = arith.constant 32767 : i32
            %add3A_1050 = vector.broadcast %add3A_1049 : i32 to vector<16xi32>
            %add3A_1051 = arith.addi %bitcast3A_1042, %add3A_1050 : vector<16xi32>
            %add3A_1052 = arith.addi %add3A_1051, %and3A_1048 : vector<16xi32>
            %and3A_1053 = arith.constant -65536 : i32
            %and3A_1054 = vector.broadcast %and3A_1053 : i32 to vector<16xi32>
            %and3A_1055 = arith.andi %add3A_1052, %and3A_1054 : vector<16xi32>
            %bitcast3A_1056 = vector.bitcast %and3A_1055 : vector<16xi32> to vector<16xf32>
            %mul3A_1057 = arith.mulf %bitcast3A_1024, %bitcast3A_176 : vector<16xf32>
            %mul3A_1058 = arith.mulf %bitcast3A_1040, %bitcast3A_244 : vector<16xf32>
            %add3A_1059 = arith.addf %mul3A_1057, %mul3A_1058 : vector<16xf32>
            %mul3A_1060 = arith.mulf %bitcast3A_1056, %bitcast3A_312 : vector<16xf32>
            %add3A_1061 = arith.addf %add3A_1059, %mul3A_1060 : vector<16xf32>
            %add3A_1062 = arith.addf %add3A_1061, %get3A_365 : vector<16xf32>
            %max3A_1063 = arith.constant 0.000000e+00 : f32
            %max3A_1064 = vector.broadcast %max3A_1063 : f32 to vector<16xf32>
            %max3A_1065 = arith.maximumf %add3A_1062, %max3A_1064 : vector<16xf32>
            %add3A_1066 = arith.addf %while3A_993, %max3A_1065 : vector<16xf32>
            %mul3A_1067 = arith.mulf %bitcast3A_1024, %bitcast3A_193 : vector<16xf32>
            %mul3A_1068 = arith.mulf %bitcast3A_1040, %bitcast3A_261 : vector<16xf32>
            %add3A_1069 = arith.addf %mul3A_1067, %mul3A_1068 : vector<16xf32>
            %mul3A_1070 = arith.mulf %bitcast3A_1056, %bitcast3A_329 : vector<16xf32>
            %add3A_1071 = arith.addf %add3A_1069, %mul3A_1070 : vector<16xf32>
            %add3A_1072 = arith.addf %add3A_1071, %get3A_367 : vector<16xf32>
            %max3A_1073 = arith.constant 0.000000e+00 : f32
            %max3A_1074 = vector.broadcast %max3A_1073 : f32 to vector<16xf32>
            %max3A_1075 = arith.maximumf %add3A_1072, %max3A_1074 : vector<16xf32>
            %add3A_1076 = arith.addf %while3A_994, %max3A_1075 : vector<16xf32>
            %mul3A_1077 = arith.mulf %bitcast3A_1024, %bitcast3A_210 : vector<16xf32>
            %mul3A_1078 = arith.mulf %bitcast3A_1040, %bitcast3A_278 : vector<16xf32>
            %add3A_1079 = arith.addf %mul3A_1077, %mul3A_1078 : vector<16xf32>
            %mul3A_1080 = arith.mulf %bitcast3A_1056, %bitcast3A_346 : vector<16xf32>
            %add3A_1081 = arith.addf %add3A_1079, %mul3A_1080 : vector<16xf32>
            %add3A_1082 = arith.addf %add3A_1081, %get3A_369 : vector<16xf32>
            %max3A_1083 = arith.constant 0.000000e+00 : f32
            %max3A_1084 = vector.broadcast %max3A_1083 : f32 to vector<16xf32>
            %max3A_1085 = arith.maximumf %add3A_1082, %max3A_1084 : vector<16xf32>
            %add3A_1086 = arith.addf %while3A_995, %max3A_1085 : vector<16xf32>
            %mul3A_1087 = arith.mulf %bitcast3A_1024, %bitcast3A_227 : vector<16xf32>
            %mul3A_1088 = arith.mulf %bitcast3A_1040, %bitcast3A_295 : vector<16xf32>
            %add3A_1089 = arith.addf %mul3A_1087, %mul3A_1088 : vector<16xf32>
            %mul3A_1090 = arith.mulf %bitcast3A_1056, %bitcast3A_363 : vector<16xf32>
            %add3A_1091 = arith.addf %add3A_1089, %mul3A_1090 : vector<16xf32>
            %add3A_1092 = arith.addf %add3A_1091, %get3A_371 : vector<16xf32>
            %max3A_1093 = arith.constant 0.000000e+00 : f32
            %max3A_1094 = vector.broadcast %max3A_1093 : f32 to vector<16xf32>
            %max3A_1095 = arith.maximumf %add3A_1092, %max3A_1094 : vector<16xf32>
            %add3A_1096 = arith.addf %while3A_996, %max3A_1095 : vector<16xf32>
            %max3A_1097 = arith.maximumf %while3A_997, %max3A_1065 : vector<16xf32>
            %max3A_1098 = arith.maximumf %while3A_998, %max3A_1075 : vector<16xf32>
            %max3A_1099 = arith.maximumf %while3A_999, %max3A_1085 : vector<16xf32>
            %max3A_1100 = arith.maximumf %while3A_1000, %max3A_1095 : vector<16xf32>
            scf.yield %add3A_1066, %add3A_1076, %add3A_1086, %add3A_1096, %max3A_1097, %max3A_1098, %max3A_1099, %max3A_1100 : vector<16xf32>, vector<16xf32>, vector<16xf32>, vector<16xf32>, vector<16xf32>, vector<16xf32>, vector<16xf32>, vector<16xf32>
          }
          %swap3A_968 = arith.index_cast %add3A_891 : i32 to index
          %swap3A_969 = arith.constant 0 : index
          %swap3A_970 = tpu.vector_load %arg18[%swap3A_968, %swap3A_969] {strides = array<i32>} : memref<128x64xf32, #tpu.memory_space<vmem>>, vector<16xf32>,
          tpu.vector_store %arg18[%swap3A_968, %swap3A_969], %while3A_967#0 {strides = array<i32>} : memref<128x64xf32, #tpu.memory_space<vmem>>, vector<16xf32>,
          %swap3A_971 = arith.index_cast %add3A_891 : i32 to index
          %swap3A_972 = arith.constant 0 : index
          %swap3A_973 = tpu.vector_load %arg19[%swap3A_971, %swap3A_972] {strides = array<i32>} : memref<128x64xf32, #tpu.memory_space<vmem>>, vector<16xf32>,
          tpu.vector_store %arg19[%swap3A_971, %swap3A_972], %while3A_967#4 {strides = array<i32>} : memref<128x64xf32, #tpu.memory_space<vmem>>, vector<16xf32>,
          %swap3A_974 = arith.index_cast %add3A_891 : i32 to index
          %swap3A_975 = arith.constant 16 : index
          %swap3A_976 = tpu.vector_load %arg18[%swap3A_974, %swap3A_975] {strides = array<i32>} : memref<128x64xf32, #tpu.memory_space<vmem>>, vector<16xf32>,
          tpu.vector_store %arg18[%swap3A_974, %swap3A_975], %while3A_967#1 {strides = array<i32>} : memref<128x64xf32, #tpu.memory_space<vmem>>, vector<16xf32>,
          %swap3A_977 = arith.index_cast %add3A_891 : i32 to index
          %swap3A_978 = arith.constant 16 : index
          %swap3A_979 = tpu.vector_load %arg19[%swap3A_977, %swap3A_978] {strides = array<i32>} : memref<128x64xf32, #tpu.memory_space<vmem>>, vector<16xf32>,
          tpu.vector_store %arg19[%swap3A_977, %swap3A_978], %while3A_967#5 {strides = array<i32>} : memref<128x64xf32, #tpu.memory_space<vmem>>, vector<16xf32>,
          %swap3A_980 = arith.index_cast %add3A_891 : i32 to index
          %swap3A_981 = arith.constant 32 : index
          %swap3A_982 = tpu.vector_load %arg18[%swap3A_980, %swap3A_981] {strides = array<i32>} : memref<128x64xf32, #tpu.memory_space<vmem>>, vector<16xf32>,
          tpu.vector_store %arg18[%swap3A_980, %swap3A_981], %while3A_967#2 {strides = array<i32>} : memref<128x64xf32, #tpu.memory_space<vmem>>, vector<16xf32>,
          %swap3A_983 = arith.index_cast %add3A_891 : i32 to index
          %swap3A_984 = arith.constant 32 : index
          %swap3A_985 = tpu.vector_load %arg19[%swap3A_983, %swap3A_984] {strides = array<i32>} : memref<128x64xf32, #tpu.memory_space<vmem>>, vector<16xf32>,
          tpu.vector_store %arg19[%swap3A_983, %swap3A_984], %while3A_967#6 {strides = array<i32>} : memref<128x64xf32, #tpu.memory_space<vmem>>, vector<16xf32>,
          %swap3A_986 = arith.index_cast %add3A_891 : i32 to index
          %swap3A_987 = arith.constant 48 : index
          %swap3A_988 = tpu.vector_load %arg18[%swap3A_986, %swap3A_987] {strides = array<i32>} : memref<128x64xf32, #tpu.memory_space<vmem>>, vector<16xf32>,
          tpu.vector_store %arg18[%swap3A_986, %swap3A_987], %while3A_967#3 {strides = array<i32>} : memref<128x64xf32, #tpu.memory_space<vmem>>, vector<16xf32>,
          %swap3A_989 = arith.index_cast %add3A_891 : i32 to index
          %swap3A_990 = arith.constant 48 : index
          %swap3A_991 = tpu.vector_load %arg19[%swap3A_989, %swap3A_990] {strides = array<i32>} : memref<128x64xf32, #tpu.memory_space<vmem>>, vector<16xf32>,
          tpu.vector_store %arg19[%swap3A_989, %swap3A_990], %while3A_967#7 {strides = array<i32>} : memref<128x64xf32, #tpu.memory_space<vmem>>, vector<16xf32>,
        } else {
        }
      }
      %scan3A_886 = arith.constant 128 : i32
    }
    %while3A_587 = arith.constant 1 : i32
    scf.for %while3A_697 = %while3A_585 to %while3A_581 step %while3A_587  : i32 {
      %mul3A_698 = arith.muli %while3A_697, %while3A : i32
      %add3A_699 = arith.addi %while3A_578, %mul3A_698 : i32
      %add3A_700 = arith.addi %add3A_558, %add3A_699 : i32
      %mul3A_701 = arith.constant 4096 : i32
      %mul3A_702 = arith.muli %add3A_700, %mul3A_701 : i32
      "tpu.region"() ({
        %run_scoped3A = tpu.sem_alloc : memref<!tpu.dma_semaphore, #tpu.memory_space<semaphore_mem>>
        %dma_start3A_887 = arith.constant 0 : i32
        %dma_start3A_888 = tpu.memref_slice %arg12[%dma_start3A_887] : memref<4112xf32, #tpu.memory_space<vmem>> -> memref<4096xf32, #tpu.memory_space<vmem>>
        %dma_start3A_889 = tpu.memref_slice %arg2[%mul3A_702] : memref<524288xf32, #tpu.memory_space<hbm>> -> memref<4096xf32, #tpu.memory_space<hbm>>
        %dma_start3A_890 = arith.constant 0 : i32
        %dma_start3A_891 = tpu.memref_slice %arg12[%dma_start3A_890] : memref<4112xf32, #tpu.memory_space<vmem>> -> memref<4096xf32, #tpu.memory_space<vmem>>
        %dma_start3A_892 = tpu.memref_slice %arg2[%mul3A_702] : memref<524288xf32, #tpu.memory_space<hbm>> -> memref<4096xf32, #tpu.memory_space<hbm>>
        tpu.enqueue_dma source(%dma_start3A_892 : memref<4096xf32, #tpu.memory_space<hbm>>) target(%dma_start3A_891 : memref<4096xf32, #tpu.memory_space<vmem>>) target_semaphore(%run_scoped3A : memref<!tpu.dma_semaphore, #tpu.memory_space<semaphore_mem>>)
        %dma_wait3A_893 = arith.constant 0 : i32
        %dma_wait3A_894 = tpu.memref_slice %arg12[%dma_wait3A_893] : memref<4112xf32, #tpu.memory_space<vmem>> -> memref<4096xf32, #tpu.memory_space<vmem>>
        %dma_wait3A_895 = tpu.memref_slice %arg2[%mul3A_702] : memref<524288xf32, #tpu.memory_space<hbm>> -> memref<4096xf32, #tpu.memory_space<hbm>>
        %dma_wait3A_896 = arith.constant 0 : i32
        %dma_wait3A_897 = tpu.memref_slice %arg12[%dma_wait3A_896] : memref<4112xf32, #tpu.memory_space<vmem>> -> memref<4096xf32, #tpu.memory_space<vmem>>
        %dma_wait3A_898 = tpu.memref_slice %arg2[%mul3A_702] : memref<524288xf32, #tpu.memory_space<hbm>> -> memref<4096xf32, #tpu.memory_space<hbm>>
        tpu.wait_dma2 semaphore(%run_scoped3A : memref<!tpu.dma_semaphore, #tpu.memory_space<semaphore_mem>>) src(%dma_wait3A_898 : memref<4096xf32, #tpu.memory_space<hbm>>) dst(%dma_wait3A_897 : memref<4096xf32, #tpu.memory_space<vmem>>)
        tpu.yield
      }) : () -> ()
      "tpu.region"() ({
        %run_scoped3A = tpu.sem_alloc : memref<!tpu.dma_semaphore, #tpu.memory_space<semaphore_mem>>
        %dma_start3A_887 = arith.constant 0 : i32
        %dma_start3A_888 = tpu.memref_slice %arg13[%dma_start3A_887] : memref<4112xf32, #tpu.memory_space<vmem>> -> memref<4096xf32, #tpu.memory_space<vmem>>
        %dma_start3A_889 = tpu.memref_slice %arg3[%mul3A_702] : memref<524288xf32, #tpu.memory_space<hbm>> -> memref<4096xf32, #tpu.memory_space<hbm>>
        %dma_start3A_890 = arith.constant 0 : i32
        %dma_start3A_891 = tpu.memref_slice %arg13[%dma_start3A_890] : memref<4112xf32, #tpu.memory_space<vmem>> -> memref<4096xf32, #tpu.memory_space<vmem>>
        %dma_start3A_892 = tpu.memref_slice %arg3[%mul3A_702] : memref<524288xf32, #tpu.memory_space<hbm>> -> memref<4096xf32, #tpu.memory_space<hbm>>
        tpu.enqueue_dma source(%dma_start3A_892 : memref<4096xf32, #tpu.memory_space<hbm>>) target(%dma_start3A_891 : memref<4096xf32, #tpu.memory_space<vmem>>) target_semaphore(%run_scoped3A : memref<!tpu.dma_semaphore, #tpu.memory_space<semaphore_mem>>)
        %dma_wait3A_893 = arith.constant 0 : i32
        %dma_wait3A_894 = tpu.memref_slice %arg13[%dma_wait3A_893] : memref<4112xf32, #tpu.memory_space<vmem>> -> memref<4096xf32, #tpu.memory_space<vmem>>
        %dma_wait3A_895 = tpu.memref_slice %arg3[%mul3A_702] : memref<524288xf32, #tpu.memory_space<hbm>> -> memref<4096xf32, #tpu.memory_space<hbm>>
        %dma_wait3A_896 = arith.constant 0 : i32
        %dma_wait3A_897 = tpu.memref_slice %arg13[%dma_wait3A_896] : memref<4112xf32, #tpu.memory_space<vmem>> -> memref<4096xf32, #tpu.memory_space<vmem>>
        %dma_wait3A_898 = tpu.memref_slice %arg3[%mul3A_702] : memref<524288xf32, #tpu.memory_space<hbm>> -> memref<4096xf32, #tpu.memory_space<hbm>>
        tpu.wait_dma2 semaphore(%run_scoped3A : memref<!tpu.dma_semaphore, #tpu.memory_space<semaphore_mem>>) src(%dma_wait3A_898 : memref<4096xf32, #tpu.memory_space<hbm>>) dst(%dma_wait3A_897 : memref<4096xf32, #tpu.memory_space<vmem>>)
        tpu.yield
      }) : () -> ()
      "tpu.region"() ({
        %run_scoped3A = tpu.sem_alloc : memref<!tpu.dma_semaphore, #tpu.memory_space<semaphore_mem>>
        %dma_start3A_887 = arith.constant 0 : i32
        %dma_start3A_888 = tpu.memref_slice %arg14[%dma_start3A_887] : memref<4112xf32, #tpu.memory_space<vmem>> -> memref<4096xf32, #tpu.memory_space<vmem>>
        %dma_start3A_889 = tpu.memref_slice %arg4[%mul3A_702] : memref<524288xf32, #tpu.memory_space<hbm>> -> memref<4096xf32, #tpu.memory_space<hbm>>
        %dma_start3A_890 = arith.constant 0 : i32
        %dma_start3A_891 = tpu.memref_slice %arg14[%dma_start3A_890] : memref<4112xf32, #tpu.memory_space<vmem>> -> memref<4096xf32, #tpu.memory_space<vmem>>
        %dma_start3A_892 = tpu.memref_slice %arg4[%mul3A_702] : memref<524288xf32, #tpu.memory_space<hbm>> -> memref<4096xf32, #tpu.memory_space<hbm>>
        tpu.enqueue_dma source(%dma_start3A_892 : memref<4096xf32, #tpu.memory_space<hbm>>) target(%dma_start3A_891 : memref<4096xf32, #tpu.memory_space<vmem>>) target_semaphore(%run_scoped3A : memref<!tpu.dma_semaphore, #tpu.memory_space<semaphore_mem>>)
        %dma_wait3A_893 = arith.constant 0 : i32
        %dma_wait3A_894 = tpu.memref_slice %arg14[%dma_wait3A_893] : memref<4112xf32, #tpu.memory_space<vmem>> -> memref<4096xf32, #tpu.memory_space<vmem>>
        %dma_wait3A_895 = tpu.memref_slice %arg4[%mul3A_702] : memref<524288xf32, #tpu.memory_space<hbm>> -> memref<4096xf32, #tpu.memory_space<hbm>>
        %dma_wait3A_896 = arith.constant 0 : i32
        %dma_wait3A_897 = tpu.memref_slice %arg14[%dma_wait3A_896] : memref<4112xf32, #tpu.memory_space<vmem>> -> memref<4096xf32, #tpu.memory_space<vmem>>
        %dma_wait3A_898 = tpu.memref_slice %arg4[%mul3A_702] : memref<524288xf32, #tpu.memory_space<hbm>> -> memref<4096xf32, #tpu.memory_space<hbm>>
        tpu.wait_dma2 semaphore(%run_scoped3A : memref<!tpu.dma_semaphore, #tpu.memory_space<semaphore_mem>>) src(%dma_wait3A_898 : memref<4096xf32, #tpu.memory_space<hbm>>) dst(%dma_wait3A_897 : memref<4096xf32, #tpu.memory_space<vmem>>)
        tpu.yield
      }) : () -> ()
      "tpu.region"() ({
        %run_scoped3A = tpu.sem_alloc : memref<!tpu.dma_semaphore, #tpu.memory_space<semaphore_mem>>
        %dma_start3A_887 = tpu.memref_slice %arg5[%mul3A_702] : memref<524288xi32, #tpu.memory_space<hbm>> -> memref<4096xi32, #tpu.memory_space<hbm>>
        %dma_start3A_888 = tpu.memref_slice %arg5[%mul3A_702] : memref<524288xi32, #tpu.memory_space<hbm>> -> memref<4096xi32, #tpu.memory_space<hbm>>
        tpu.enqueue_dma source(%dma_start3A_888 : memref<4096xi32, #tpu.memory_space<hbm>>) target(%arg15 : memref<4096xi32, #tpu.memory_space<vmem>>) target_semaphore(%run_scoped3A : memref<!tpu.dma_semaphore, #tpu.memory_space<semaphore_mem>>)
        %dma_wait3A_889 = tpu.memref_slice %arg5[%mul3A_702] : memref<524288xi32, #tpu.memory_space<hbm>> -> memref<4096xi32, #tpu.memory_space<hbm>>
        %dma_wait3A_890 = tpu.memref_slice %arg5[%mul3A_702] : memref<524288xi32, #tpu.memory_space<hbm>> -> memref<4096xi32, #tpu.memory_space<hbm>>
        tpu.wait_dma2 semaphore(%run_scoped3A : memref<!tpu.dma_semaphore, #tpu.memory_space<semaphore_mem>>) src(%dma_wait3A_890 : memref<4096xi32, #tpu.memory_space<hbm>>) dst(%arg15 : memref<4096xi32, #tpu.memory_space<vmem>>)
        tpu.yield
      }) : () -> ()
      %swap3A_703 = arith.constant 0 : index
      %swap3A_704 = tpu.vector_load %arg16[%swap3A_703] {strides = array<i32>} : memref<144xi32, #tpu.memory_space<vmem>>, vector<16xi32>,
      tpu.vector_store %arg16[%swap3A_703], %broadcast_in_dim3A_374 {strides = array<i32>} : memref<144xi32, #tpu.memory_space<vmem>>, vector<16xi32>,
      %swap3A_705 = arith.constant 16 : index
      %swap3A_706 = tpu.vector_load %arg16[%swap3A_705] {strides = array<i32>} : memref<144xi32, #tpu.memory_space<vmem>>, vector<16xi32>,
      tpu.vector_store %arg16[%swap3A_705], %broadcast_in_dim3A_374 {strides = array<i32>} : memref<144xi32, #tpu.memory_space<vmem>>, vector<16xi32>,
      %swap3A_707 = arith.constant 32 : index
      %swap3A_708 = tpu.vector_load %arg16[%swap3A_707] {strides = array<i32>} : memref<144xi32, #tpu.memory_space<vmem>>, vector<16xi32>,
      tpu.vector_store %arg16[%swap3A_707], %broadcast_in_dim3A_374 {strides = array<i32>} : memref<144xi32, #tpu.memory_space<vmem>>, vector<16xi32>,
      %swap3A_709 = arith.constant 48 : index
      %swap3A_710 = tpu.vector_load %arg16[%swap3A_709] {strides = array<i32>} : memref<144xi32, #tpu.memory_space<vmem>>, vector<16xi32>,
      tpu.vector_store %arg16[%swap3A_709], %broadcast_in_dim3A_374 {strides = array<i32>} : memref<144xi32, #tpu.memory_space<vmem>>, vector<16xi32>,
      %swap3A_711 = arith.constant 64 : index
      %swap3A_712 = tpu.vector_load %arg16[%swap3A_711] {strides = array<i32>} : memref<144xi32, #tpu.memory_space<vmem>>, vector<16xi32>,
      tpu.vector_store %arg16[%swap3A_711], %broadcast_in_dim3A_374 {strides = array<i32>} : memref<144xi32, #tpu.memory_space<vmem>>, vector<16xi32>,
      %swap3A_713 = arith.constant 80 : index
      %swap3A_714 = tpu.vector_load %arg16[%swap3A_713] {strides = array<i32>} : memref<144xi32, #tpu.memory_space<vmem>>, vector<16xi32>,
      tpu.vector_store %arg16[%swap3A_713], %broadcast_in_dim3A_374 {strides = array<i32>} : memref<144xi32, #tpu.memory_space<vmem>>, vector<16xi32>,
      %swap3A_715 = arith.constant 96 : index
      %swap3A_716 = tpu.vector_load %arg16[%swap3A_715] {strides = array<i32>} : memref<144xi32, #tpu.memory_space<vmem>>, vector<16xi32>,
      tpu.vector_store %arg16[%swap3A_715], %broadcast_in_dim3A_374 {strides = array<i32>} : memref<144xi32, #tpu.memory_space<vmem>>, vector<16xi32>,
      %swap3A_717 = arith.constant 112 : index
      %swap3A_718 = tpu.vector_load %arg16[%swap3A_717] {strides = array<i32>} : memref<144xi32, #tpu.memory_space<vmem>>, vector<16xi32>,
      tpu.vector_store %arg16[%swap3A_717], %broadcast_in_dim3A_374 {strides = array<i32>} : memref<144xi32, #tpu.memory_space<vmem>>, vector<16xi32>,
      %swap3A_719 = arith.constant 128 : index
      %swap3A_720 = tpu.vector_load %arg16[%swap3A_719] {strides = array<i32>} : memref<144xi32, #tpu.memory_space<vmem>>, vector<16xi32>,
      tpu.vector_store %arg16[%swap3A_719], %broadcast_in_dim3A_374 {strides = array<i32>} : memref<144xi32, #tpu.memory_space<vmem>>, vector<16xi32>,
      %scan3A_721 = arith.constant 0 : i32
      %scan3A_722 = arith.constant 256 : i32
      %scan3A_723 = arith.addi %scan3A_721, %scan3A_722 : i32
      %scan3A_724 = arith.constant 1 : i32
      scf.for %scan3A_887 = %scan3A_721 to %scan3A_723 step %scan3A_724  : i32 {
        %mul3A_888 = arith.constant 1 : i32
        %mul3A_889 = arith.muli %scan3A_887, %mul3A_888 : i32
        %add3A_890 = arith.constant 0 : i32
        %add3A_891 = arith.addi %add3A_890, %mul3A_889 : i32
        %mul3A_892 = arith.constant 16 : i32
        %mul3A_893 = arith.muli %add3A_891, %mul3A_892 : i32
        %get3A_894 = arith.index_cast %mul3A_893 : i32 to index
        %get3A_895 = tpu.vector_load %arg15[%get3A_894] {strides = array<i32>} : memref<4096xi32, #tpu.memory_space<vmem>>, vector<16xi32>,
        %sub3A_896 = vector.broadcast %mul3A_2 : i32 to vector<16xi32>
        %sub3A_897 = arith.subi %get3A_895, %sub3A_896 : vector<16xi32>
        %max3A_898 = arith.constant -1 : i32
        %max3A_899 = vector.broadcast %max3A_898 : i32 to vector<16xi32>
        %max3A_900 = arith.maxsi %sub3A_897, %max3A_899 : vector<16xi32>
        %min3A = arith.constant 128 : i32
        %min3A_901 = vector.broadcast %min3A : i32 to vector<16xi32>
        %min3A_902 = arith.minsi %max3A_900, %min3A_901 : vector<16xi32>
        %add3A_903 = arith.constant 1 : i32
        %add3A_904 = vector.broadcast %add3A_903 : i32 to vector<16xi32>
        %add3A_905 = arith.addi %min3A_902, %add3A_904 : vector<16xi32>
        tpu.vector_store_idx %arg16[%add3A_905], %broadcast_in_dim3A_570 {add = true} : memref<144xi32, #tpu.memory_space<vmem>>[vector<16xi32>], vector<16xi32>,
      }
      %scan3A_725 = arith.constant 256 : i32
      %get3A_726 = arith.constant 0 : index
      %get3A_727 = tpu.vector_load %arg16[%get3A_726] {strides = array<i32>} : memref<144xi32, #tpu.memory_space<vmem>>, vector<16xi32>,
      %broadcast_in_dim3A_728 = arith.constant true
      %broadcast_in_dim3A_729 = vector.broadcast %broadcast_in_dim3A_728 : i1 to vector<16xi1>
      %masked_cumsum3A_730 = tpu.scan <sum>, %get3A_727 masked %broadcast_in_dim3A_729 : vector<16xi32>, vector<16xi1> -> vector<16xi32>
      %add3A_731 = arith.constant 0 : i32
      %add3A_732 = vector.broadcast %add3A_731 : i32 to vector<16xi32>
      %add3A_733 = arith.addi %masked_cumsum3A_730, %add3A_732 : vector<16xi32>
      %swap3A_734 = arith.constant 0 : index
      %swap3A_735 = tpu.vector_load %arg17[%swap3A_734] {strides = array<i32>} : memref<144xi32, #tpu.memory_space<vmem>>, vector<16xi32>,
      tpu.vector_store %arg17[%swap3A_734], %add3A_733 {strides = array<i32>} : memref<144xi32, #tpu.memory_space<vmem>>, vector<16xi32>,
      %slice3A_736 = vector.extract_strided_slice %add3A_733 {offsets = [15], sizes = [1], strides = [1]} : vector<16xi32> to vector<1xi32>
      %squeeze3A_737 = vector.extract %slice3A_736[0] : i32 from vector<1xi32>
      %get3A_738 = arith.constant 16 : index
      %get3A_739 = tpu.vector_load %arg16[%get3A_738] {strides = array<i32>} : memref<144xi32, #tpu.memory_space<vmem>>, vector<16xi32>,
      %broadcast_in_dim3A_740 = arith.constant true
      %broadcast_in_dim3A_741 = vector.broadcast %broadcast_in_dim3A_740 : i1 to vector<16xi1>
      %masked_cumsum3A_742 = tpu.scan <sum>, %get3A_739 masked %broadcast_in_dim3A_741 : vector<16xi32>, vector<16xi1> -> vector<16xi32>
      %add3A_743 = vector.broadcast %squeeze3A_737 : i32 to vector<16xi32>
      %add3A_744 = arith.addi %masked_cumsum3A_742, %add3A_743 : vector<16xi32>
      %swap3A_745 = arith.constant 16 : index
      %swap3A_746 = tpu.vector_load %arg17[%swap3A_745] {strides = array<i32>} : memref<144xi32, #tpu.memory_space<vmem>>, vector<16xi32>,
      tpu.vector_store %arg17[%swap3A_745], %add3A_744 {strides = array<i32>} : memref<144xi32, #tpu.memory_space<vmem>>, vector<16xi32>,
      %slice3A_747 = vector.extract_strided_slice %add3A_744 {offsets = [15], sizes = [1], strides = [1]} : vector<16xi32> to vector<1xi32>
      %squeeze3A_748 = vector.extract %slice3A_747[0] : i32 from vector<1xi32>
      %get3A_749 = arith.constant 32 : index
      %get3A_750 = tpu.vector_load %arg16[%get3A_749] {strides = array<i32>} : memref<144xi32, #tpu.memory_space<vmem>>, vector<16xi32>,
      %broadcast_in_dim3A_751 = arith.constant true
      %broadcast_in_dim3A_752 = vector.broadcast %broadcast_in_dim3A_751 : i1 to vector<16xi1>
      %masked_cumsum3A_753 = tpu.scan <sum>, %get3A_750 masked %broadcast_in_dim3A_752 : vector<16xi32>, vector<16xi1> -> vector<16xi32>
      %add3A_754 = vector.broadcast %squeeze3A_748 : i32 to vector<16xi32>
      %add3A_755 = arith.addi %masked_cumsum3A_753, %add3A_754 : vector<16xi32>
      %swap3A_756 = arith.constant 32 : index
      %swap3A_757 = tpu.vector_load %arg17[%swap3A_756] {strides = array<i32>} : memref<144xi32, #tpu.memory_space<vmem>>, vector<16xi32>,
      tpu.vector_store %arg17[%swap3A_756], %add3A_755 {strides = array<i32>} : memref<144xi32, #tpu.memory_space<vmem>>, vector<16xi32>,
      %slice3A_758 = vector.extract_strided_slice %add3A_755 {offsets = [15], sizes = [1], strides = [1]} : vector<16xi32> to vector<1xi32>
      %squeeze3A_759 = vector.extract %slice3A_758[0] : i32 from vector<1xi32>
      %get3A_760 = arith.constant 48 : index
      %get3A_761 = tpu.vector_load %arg16[%get3A_760] {strides = array<i32>} : memref<144xi32, #tpu.memory_space<vmem>>, vector<16xi32>,
      %broadcast_in_dim3A_762 = arith.constant true
      %broadcast_in_dim3A_763 = vector.broadcast %broadcast_in_dim3A_762 : i1 to vector<16xi1>
      %masked_cumsum3A_764 = tpu.scan <sum>, %get3A_761 masked %broadcast_in_dim3A_763 : vector<16xi32>, vector<16xi1> -> vector<16xi32>
      %add3A_765 = vector.broadcast %squeeze3A_759 : i32 to vector<16xi32>
      %add3A_766 = arith.addi %masked_cumsum3A_764, %add3A_765 : vector<16xi32>
      %swap3A_767 = arith.constant 48 : index
      %swap3A_768 = tpu.vector_load %arg17[%swap3A_767] {strides = array<i32>} : memref<144xi32, #tpu.memory_space<vmem>>, vector<16xi32>,
      tpu.vector_store %arg17[%swap3A_767], %add3A_766 {strides = array<i32>} : memref<144xi32, #tpu.memory_space<vmem>>, vector<16xi32>,
      %slice3A_769 = vector.extract_strided_slice %add3A_766 {offsets = [15], sizes = [1], strides = [1]} : vector<16xi32> to vector<1xi32>
      %squeeze3A_770 = vector.extract %slice3A_769[0] : i32 from vector<1xi32>
      %get3A_771 = arith.constant 64 : index
      %get3A_772 = tpu.vector_load %arg16[%get3A_771] {strides = array<i32>} : memref<144xi32, #tpu.memory_space<vmem>>, vector<16xi32>,
      %broadcast_in_dim3A_773 = arith.constant true
      %broadcast_in_dim3A_774 = vector.broadcast %broadcast_in_dim3A_773 : i1 to vector<16xi1>
      %masked_cumsum3A_775 = tpu.scan <sum>, %get3A_772 masked %broadcast_in_dim3A_774 : vector<16xi32>, vector<16xi1> -> vector<16xi32>
      %add3A_776 = vector.broadcast %squeeze3A_770 : i32 to vector<16xi32>
      %add3A_777 = arith.addi %masked_cumsum3A_775, %add3A_776 : vector<16xi32>
      %swap3A_778 = arith.constant 64 : index
      %swap3A_779 = tpu.vector_load %arg17[%swap3A_778] {strides = array<i32>} : memref<144xi32, #tpu.memory_space<vmem>>, vector<16xi32>,
      tpu.vector_store %arg17[%swap3A_778], %add3A_777 {strides = array<i32>} : memref<144xi32, #tpu.memory_space<vmem>>, vector<16xi32>,
      %slice3A_780 = vector.extract_strided_slice %add3A_777 {offsets = [15], sizes = [1], strides = [1]} : vector<16xi32> to vector<1xi32>
      %squeeze3A_781 = vector.extract %slice3A_780[0] : i32 from vector<1xi32>
      %get3A_782 = arith.constant 80 : index
      %get3A_783 = tpu.vector_load %arg16[%get3A_782] {strides = array<i32>} : memref<144xi32, #tpu.memory_space<vmem>>, vector<16xi32>,
      %broadcast_in_dim3A_784 = arith.constant true
      %broadcast_in_dim3A_785 = vector.broadcast %broadcast_in_dim3A_784 : i1 to vector<16xi1>
      %masked_cumsum3A_786 = tpu.scan <sum>, %get3A_783 masked %broadcast_in_dim3A_785 : vector<16xi32>, vector<16xi1> -> vector<16xi32>
      %add3A_787 = vector.broadcast %squeeze3A_781 : i32 to vector<16xi32>
      %add3A_788 = arith.addi %masked_cumsum3A_786, %add3A_787 : vector<16xi32>
      %swap3A_789 = arith.constant 80 : index
      %swap3A_790 = tpu.vector_load %arg17[%swap3A_789] {strides = array<i32>} : memref<144xi32, #tpu.memory_space<vmem>>, vector<16xi32>,
      tpu.vector_store %arg17[%swap3A_789], %add3A_788 {strides = array<i32>} : memref<144xi32, #tpu.memory_space<vmem>>, vector<16xi32>,
      %slice3A_791 = vector.extract_strided_slice %add3A_788 {offsets = [15], sizes = [1], strides = [1]} : vector<16xi32> to vector<1xi32>
      %squeeze3A_792 = vector.extract %slice3A_791[0] : i32 from vector<1xi32>
      %get3A_793 = arith.constant 96 : index
      %get3A_794 = tpu.vector_load %arg16[%get3A_793] {strides = array<i32>} : memref<144xi32, #tpu.memory_space<vmem>>, vector<16xi32>,
      %broadcast_in_dim3A_795 = arith.constant true
      %broadcast_in_dim3A_796 = vector.broadcast %broadcast_in_dim3A_795 : i1 to vector<16xi1>
      %masked_cumsum3A_797 = tpu.scan <sum>, %get3A_794 masked %broadcast_in_dim3A_796 : vector<16xi32>, vector<16xi1> -> vector<16xi32>
      %add3A_798 = vector.broadcast %squeeze3A_792 : i32 to vector<16xi32>
      %add3A_799 = arith.addi %masked_cumsum3A_797, %add3A_798 : vector<16xi32>
      %swap3A_800 = arith.constant 96 : index
      %swap3A_801 = tpu.vector_load %arg17[%swap3A_800] {strides = array<i32>} : memref<144xi32, #tpu.memory_space<vmem>>, vector<16xi32>,
      tpu.vector_store %arg17[%swap3A_800], %add3A_799 {strides = array<i32>} : memref<144xi32, #tpu.memory_space<vmem>>, vector<16xi32>,
      %slice3A_802 = vector.extract_strided_slice %add3A_799 {offsets = [15], sizes = [1], strides = [1]} : vector<16xi32> to vector<1xi32>
      %squeeze3A_803 = vector.extract %slice3A_802[0] : i32 from vector<1xi32>
      %get3A_804 = arith.constant 112 : index
      %get3A_805 = tpu.vector_load %arg16[%get3A_804] {strides = array<i32>} : memref<144xi32, #tpu.memory_space<vmem>>, vector<16xi32>,
      %broadcast_in_dim3A_806 = arith.constant true
      %broadcast_in_dim3A_807 = vector.broadcast %broadcast_in_dim3A_806 : i1 to vector<16xi1>
      %masked_cumsum3A_808 = tpu.scan <sum>, %get3A_805 masked %broadcast_in_dim3A_807 : vector<16xi32>, vector<16xi1> -> vector<16xi32>
      %add3A_809 = vector.broadcast %squeeze3A_803 : i32 to vector<16xi32>
      %add3A_810 = arith.addi %masked_cumsum3A_808, %add3A_809 : vector<16xi32>
      %swap3A_811 = arith.constant 112 : index
      %swap3A_812 = tpu.vector_load %arg17[%swap3A_811] {strides = array<i32>} : memref<144xi32, #tpu.memory_space<vmem>>, vector<16xi32>,
      tpu.vector_store %arg17[%swap3A_811], %add3A_810 {strides = array<i32>} : memref<144xi32, #tpu.memory_space<vmem>>, vector<16xi32>,
      %slice3A_813 = vector.extract_strided_slice %add3A_810 {offsets = [15], sizes = [1], strides = [1]} : vector<16xi32> to vector<1xi32>
      %squeeze3A_814 = vector.extract %slice3A_813[0] : i32 from vector<1xi32>
      %get3A_815 = arith.constant 128 : index
      %get3A_816 = tpu.vector_load %arg16[%get3A_815] {strides = array<i32>} : memref<144xi32, #tpu.memory_space<vmem>>, vector<16xi32>,
      %broadcast_in_dim3A_817 = arith.constant true
      %broadcast_in_dim3A_818 = vector.broadcast %broadcast_in_dim3A_817 : i1 to vector<16xi1>
      %masked_cumsum3A_819 = tpu.scan <sum>, %get3A_816 masked %broadcast_in_dim3A_818 : vector<16xi32>, vector<16xi1> -> vector<16xi32>
      %add3A_820 = vector.broadcast %squeeze3A_814 : i32 to vector<16xi32>
      %add3A_821 = arith.addi %masked_cumsum3A_819, %add3A_820 : vector<16xi32>
      %swap3A_822 = arith.constant 128 : index
      %swap3A_823 = tpu.vector_load %arg17[%swap3A_822] {strides = array<i32>} : memref<144xi32, #tpu.memory_space<vmem>>, vector<16xi32>,
      tpu.vector_store %arg17[%swap3A_822], %add3A_821 {strides = array<i32>} : memref<144xi32, #tpu.memory_space<vmem>>, vector<16xi32>,
      %slice3A_824 = vector.extract_strided_slice %add3A_821 {offsets = [15], sizes = [1], strides = [1]} : vector<16xi32> to vector<1xi32>
      %squeeze3A_825 = vector.extract %slice3A_824[0] : i32 from vector<1xi32>
      %get3A_826 = arith.constant 0 : index
      %get3A_827 = tpu.vector_load %arg20[%get3A_826] {strides = array<i32>} : memref<128xi32, #tpu.memory_space<vmem>>, vector<16xi32>,
      %get3A_828 = arith.constant 1 : index
      %get3A_829 = tpu.vector_load %arg16[%get3A_828] {strides = array<i32>} : memref<144xi32, #tpu.memory_space<vmem>>, vector<16xi32>,
      %add3A_830 = arith.addi %get3A_827, %get3A_829 : vector<16xi32>
      %swap3A_831 = arith.constant 0 : index
      %swap3A_832 = tpu.vector_load %arg20[%swap3A_831] {strides = array<i32>} : memref<128xi32, #tpu.memory_space<vmem>>, vector<16xi32>,
      tpu.vector_store %arg20[%swap3A_831], %add3A_830 {strides = array<i32>} : memref<128xi32, #tpu.memory_space<vmem>>, vector<16xi32>,
      %get3A_833 = arith.constant 16 : index
      %get3A_834 = tpu.vector_load %arg20[%get3A_833] {strides = array<i32>} : memref<128xi32, #tpu.memory_space<vmem>>, vector<16xi32>,
      %get3A_835 = arith.constant 17 : index
      %get3A_836 = tpu.vector_load %arg16[%get3A_835] {strides = array<i32>} : memref<144xi32, #tpu.memory_space<vmem>>, vector<16xi32>,
      %add3A_837 = arith.addi %get3A_834, %get3A_836 : vector<16xi32>
      %swap3A_838 = arith.constant 16 : index
      %swap3A_839 = tpu.vector_load %arg20[%swap3A_838] {strides = array<i32>} : memref<128xi32, #tpu.memory_space<vmem>>, vector<16xi32>,
      tpu.vector_store %arg20[%swap3A_838], %add3A_837 {strides = array<i32>} : memref<128xi32, #tpu.memory_space<vmem>>, vector<16xi32>,
      %get3A_840 = arith.constant 32 : index
      %get3A_841 = tpu.vector_load %arg20[%get3A_840] {strides = array<i32>} : memref<128xi32, #tpu.memory_space<vmem>>, vector<16xi32>,
      %get3A_842 = arith.constant 33 : index
      %get3A_843 = tpu.vector_load %arg16[%get3A_842] {strides = array<i32>} : memref<144xi32, #tpu.memory_space<vmem>>, vector<16xi32>,
      %add3A_844 = arith.addi %get3A_841, %get3A_843 : vector<16xi32>
      %swap3A_845 = arith.constant 32 : index
      %swap3A_846 = tpu.vector_load %arg20[%swap3A_845] {strides = array<i32>} : memref<128xi32, #tpu.memory_space<vmem>>, vector<16xi32>,
      tpu.vector_store %arg20[%swap3A_845], %add3A_844 {strides = array<i32>} : memref<128xi32, #tpu.memory_space<vmem>>, vector<16xi32>,
      %get3A_847 = arith.constant 48 : index
      %get3A_848 = tpu.vector_load %arg20[%get3A_847] {strides = array<i32>} : memref<128xi32, #tpu.memory_space<vmem>>, vector<16xi32>,
      %get3A_849 = arith.constant 49 : index
      %get3A_850 = tpu.vector_load %arg16[%get3A_849] {strides = array<i32>} : memref<144xi32, #tpu.memory_space<vmem>>, vector<16xi32>,
      %add3A_851 = arith.addi %get3A_848, %get3A_850 : vector<16xi32>
      %swap3A_852 = arith.constant 48 : index
      %swap3A_853 = tpu.vector_load %arg20[%swap3A_852] {strides = array<i32>} : memref<128xi32, #tpu.memory_space<vmem>>, vector<16xi32>,
      tpu.vector_store %arg20[%swap3A_852], %add3A_851 {strides = array<i32>} : memref<128xi32, #tpu.memory_space<vmem>>, vector<16xi32>,
      %get3A_854 = arith.constant 64 : index
      %get3A_855 = tpu.vector_load %arg20[%get3A_854] {strides = array<i32>} : memref<128xi32, #tpu.memory_space<vmem>>, vector<16xi32>,
      %get3A_856 = arith.constant 65 : index
      %get3A_857 = tpu.vector_load %arg16[%get3A_856] {strides = array<i32>} : memref<144xi32, #tpu.memory_space<vmem>>, vector<16xi32>,
      %add3A_858 = arith.addi %get3A_855, %get3A_857 : vector<16xi32>
      %swap3A_859 = arith.constant 64 : index
      %swap3A_860 = tpu.vector_load %arg20[%swap3A_859] {strides = array<i32>} : memref<128xi32, #tpu.memory_space<vmem>>, vector<16xi32>,
      tpu.vector_store %arg20[%swap3A_859], %add3A_858 {strides = array<i32>} : memref<128xi32, #tpu.memory_space<vmem>>, vector<16xi32>,
      %get3A_861 = arith.constant 80 : index
      %get3A_862 = tpu.vector_load %arg20[%get3A_861] {strides = array<i32>} : memref<128xi32, #tpu.memory_space<vmem>>, vector<16xi32>,
      %get3A_863 = arith.constant 81 : index
      %get3A_864 = tpu.vector_load %arg16[%get3A_863] {strides = array<i32>} : memref<144xi32, #tpu.memory_space<vmem>>, vector<16xi32>,
      %add3A_865 = arith.addi %get3A_862, %get3A_864 : vector<16xi32>
      %swap3A_866 = arith.constant 80 : index
      %swap3A_867 = tpu.vector_load %arg20[%swap3A_866] {strides = array<i32>} : memref<128xi32, #tpu.memory_space<vmem>>, vector<16xi32>,
      tpu.vector_store %arg20[%swap3A_866], %add3A_865 {strides = array<i32>} : memref<128xi32, #tpu.memory_space<vmem>>, vector<16xi32>,
      %get3A_868 = arith.constant 96 : index
      %get3A_869 = tpu.vector_load %arg20[%get3A_868] {strides = array<i32>} : memref<128xi32, #tpu.memory_space<vmem>>, vector<16xi32>,
      %get3A_870 = arith.constant 97 : index
      %get3A_871 = tpu.vector_load %arg16[%get3A_870] {strides = array<i32>} : memref<144xi32, #tpu.memory_space<vmem>>, vector<16xi32>,
      %add3A_872 = arith.addi %get3A_869, %get3A_871 : vector<16xi32>
      %swap3A_873 = arith.constant 96 : index
      %swap3A_874 = tpu.vector_load %arg20[%swap3A_873] {strides = array<i32>} : memref<128xi32, #tpu.memory_space<vmem>>, vector<16xi32>,
      tpu.vector_store %arg20[%swap3A_873], %add3A_872 {strides = array<i32>} : memref<128xi32, #tpu.memory_space<vmem>>, vector<16xi32>,
      %get3A_875 = arith.constant 112 : index
      %get3A_876 = tpu.vector_load %arg20[%get3A_875] {strides = array<i32>} : memref<128xi32, #tpu.memory_space<vmem>>, vector<16xi32>,
      %get3A_877 = arith.constant 113 : index
      %get3A_878 = tpu.vector_load %arg16[%get3A_877] {strides = array<i32>} : memref<144xi32, #tpu.memory_space<vmem>>, vector<16xi32>,
      %add3A_879 = arith.addi %get3A_876, %get3A_878 : vector<16xi32>
      %swap3A_880 = arith.constant 112 : index
      %swap3A_881 = tpu.vector_load %arg20[%swap3A_880] {strides = array<i32>} : memref<128xi32, #tpu.memory_space<vmem>>, vector<16xi32>,
      tpu.vector_store %arg20[%swap3A_880], %add3A_879 {strides = array<i32>} : memref<128xi32, #tpu.memory_space<vmem>>, vector<16xi32>,
      %scan3A_882 = arith.constant 0 : i32
      %scan3A_883 = arith.constant 128 : i32
      %scan3A_884 = arith.addi %scan3A_882, %scan3A_883 : i32
      %scan3A_885 = arith.constant 1 : i32
      scf.for %scan3A_887 = %scan3A_882 to %scan3A_884 step %scan3A_885  : i32 {
        %mul3A_888 = arith.constant 1 : i32
        %mul3A_889 = arith.muli %scan3A_887, %mul3A_888 : i32
        %add3A_890 = arith.constant 0 : i32
        %add3A_891 = arith.addi %add3A_890, %mul3A_889 : i32
        %get3A_892 = arith.index_cast %add3A_891 : i32 to index
        %get3A_893 = tpu.vector_load %arg16[%get3A_892] {strides = array<i32>} : memref<144xi32, #tpu.memory_space<vmem>>, vector<16xi32>,
        %slice3A_894 = vector.extract_strided_slice %get3A_893 {offsets = [1], sizes = [1], strides = [1]} : vector<16xi32> to vector<1xi32>
        %squeeze3A_895 = vector.extract %slice3A_894[0] : i32 from vector<1xi32>
        %gt3A = arith.constant 0 : i32
        %gt3A_896 = arith.cmpi sgt, %squeeze3A_895, %gt3A : i32
        %convert_element_type3A_897 = arith.extui %gt3A_896 : i1 to i32
        %cond3A = arith.constant 0 : i32
        %cond3A_898 = arith.cmpi ne, %convert_element_type3A_897, %cond3A : i32
        scf.if %cond3A_898 {
          %get3A_899 = arith.index_cast %add3A_891 : i32 to index
          %get3A_900 = tpu.vector_load %arg17[%get3A_899] {strides = array<i32>} : memref<144xi32, #tpu.memory_space<vmem>>, vector<16xi32>,
          %slice3A_901 = vector.extract_strided_slice %get3A_900 {offsets = [0], sizes = [1], strides = [1]} : vector<16xi32> to vector<1xi32>
          %squeeze3A_902 = vector.extract %slice3A_901[0] : i32 from vector<1xi32>
          %mul3A_903 = arith.constant 6 : i32
          %mul3A_904 = arith.muli %add3A_891, %mul3A_903 : i32
          %add3A_905 = vector.broadcast %mul3A_904 : i32 to vector<16xi32>
          %add3A_906 = arith.addi %broadcast_in_dim3A_374, %add3A_905 : vector<16xi32>
          %gather3A = tpu.vector_load_idx %arg23[%add3A_906] : memref<784xf32, #tpu.memory_space<vmem>>[vector<16xi32>], vector<16xf32>,
          %mul3A_907 = arith.constant 6 : i32
          %mul3A_908 = arith.muli %add3A_891, %mul3A_907 : i32
          %add3A_909 = vector.broadcast %mul3A_908 : i32 to vector<16xi32>
          %add3A_910 = arith.addi %broadcast_in_dim3A_374, %add3A_909 : vector<16xi32>
          %add3A_911 = arith.constant 1 : i32
          %add3A_912 = vector.broadcast %add3A_911 : i32 to vector<16xi32>
          %add3A_913 = arith.addi %add3A_910, %add3A_912 : vector<16xi32>
          %gather3A_914 = tpu.vector_load_idx %arg23[%add3A_913] : memref<784xf32, #tpu.memory_space<vmem>>[vector<16xi32>], vector<16xf32>,
          %mul3A_915 = arith.constant 6 : i32
          %mul3A_916 = arith.muli %add3A_891, %mul3A_915 : i32
          %add3A_917 = vector.broadcast %mul3A_916 : i32 to vector<16xi32>
          %add3A_918 = arith.addi %broadcast_in_dim3A_374, %add3A_917 : vector<16xi32>
          %add3A_919 = arith.constant 2 : i32
          %add3A_920 = vector.broadcast %add3A_919 : i32 to vector<16xi32>
          %add3A_921 = arith.addi %add3A_918, %add3A_920 : vector<16xi32>
          %gather3A_922 = tpu.vector_load_idx %arg23[%add3A_921] : memref<784xf32, #tpu.memory_space<vmem>>[vector<16xi32>], vector<16xf32>,
          %get3A_923 = arith.index_cast %add3A_891 : i32 to index
          %get3A_924 = arith.constant 0 : index
          %get3A_925 = tpu.vector_load %arg18[%get3A_923, %get3A_924] {strides = array<i32>} : memref<128x64xf32, #tpu.memory_space<vmem>>, vector<16xf32>,
          %get3A_926 = arith.index_cast %add3A_891 : i32 to index
          %get3A_927 = arith.constant 16 : index
          %get3A_928 = tpu.vector_load %arg18[%get3A_926, %get3A_927] {strides = array<i32>} : memref<128x64xf32, #tpu.memory_space<vmem>>, vector<16xf32>,
          %get3A_929 = arith.index_cast %add3A_891 : i32 to index
          %get3A_930 = arith.constant 32 : index
          %get3A_931 = tpu.vector_load %arg18[%get3A_929, %get3A_930] {strides = array<i32>} : memref<128x64xf32, #tpu.memory_space<vmem>>, vector<16xf32>,
          %get3A_932 = arith.index_cast %add3A_891 : i32 to index
          %get3A_933 = arith.constant 48 : index
          %get3A_934 = tpu.vector_load %arg18[%get3A_932, %get3A_933] {strides = array<i32>} : memref<128x64xf32, #tpu.memory_space<vmem>>, vector<16xf32>,
          %get3A_935 = arith.index_cast %add3A_891 : i32 to index
          %get3A_936 = arith.constant 0 : index
          %get3A_937 = tpu.vector_load %arg19[%get3A_935, %get3A_936] {strides = array<i32>} : memref<128x64xf32, #tpu.memory_space<vmem>>, vector<16xf32>,
          %get3A_938 = arith.index_cast %add3A_891 : i32 to index
          %get3A_939 = arith.constant 16 : index
          %get3A_940 = tpu.vector_load %arg19[%get3A_938, %get3A_939] {strides = array<i32>} : memref<128x64xf32, #tpu.memory_space<vmem>>, vector<16xf32>,
          %get3A_941 = arith.index_cast %add3A_891 : i32 to index
          %get3A_942 = arith.constant 32 : index
          %get3A_943 = tpu.vector_load %arg19[%get3A_941, %get3A_942] {strides = array<i32>} : memref<128x64xf32, #tpu.memory_space<vmem>>, vector<16xf32>,
          %get3A_944 = arith.index_cast %add3A_891 : i32 to index
          %get3A_945 = arith.constant 48 : index
          %get3A_946 = tpu.vector_load %arg19[%get3A_944, %get3A_945] {strides = array<i32>} : memref<128x64xf32, #tpu.memory_space<vmem>>, vector<16xf32>,
          %sub3A_947 = arith.constant 0 : i32
          %sub3A_948 = arith.subi %squeeze3A_895, %sub3A_947 : i32
          %sub3A_949 = arith.constant 1 : i32
          %sub3A_950 = arith.constant 1 : i32
          %sub3A_951 = arith.subi %sub3A_949, %sub3A_950 : i32
          %add3A_952 = arith.addi %sub3A_948, %sub3A_951 : i32
          %div3A_953 = arith.constant 1 : i32
          %div3A_954 = arith.divsi %add3A_952, %div3A_953 : i32
          %while3A_955 = arith.constant 1 : i32
          %while3A_956 = arith.constant 0 : i32
          %while3A_957 = arith.constant 0 : i32
          %while3A_958 = arith.subi %div3A_954, %while3A_957 : i32
          %while3A_959 = arith.addi %while3A_957, %while3A_958 : i32
          %while3A_960 = arith.constant 1 : i32
          %while3A_961 = arith.divsi %while3A_958, %while3A_960 : i32
          %while3A_962 = arith.muli %while3A_961, %while3A_960 : i32
          %while3A_963 = arith.addi %while3A_957, %while3A_962 : i32
          %while3A_964 = arith.constant 1 : i32
          %while3A_965:8 = scf.for %while3A_992 = %while3A_957 to %while3A_963 step %while3A_964 iter_args(%while3A_993 = %get3A_925, %while3A_994 = %get3A_928, %while3A_995 = %get3A_931, %while3A_996 = %get3A_934, %while3A_997 = %get3A_937, %while3A_998 = %get3A_940, %while3A_999 = %get3A_943, %while3A_1000 = %get3A_946) -> (vector<16xf32>, vector<16xf32>, vector<16xf32>, vector<16xf32>, vector<16xf32>, vector<16xf32>, vector<16xf32>, vector<16xf32>)  : i32 {
            %mul3A_1001 = arith.muli %while3A_992, %while3A_955 : i32
            %add3A_1002 = arith.addi %while3A_956, %mul3A_1001 : i32
            %add3A_1003 = arith.addi %squeeze3A_902, %add3A_1002 : i32
            %add3A_1004 = vector.broadcast %add3A_1003 : i32 to vector<16xi32>
            %add3A_1005 = arith.addi %broadcast_in_dim3A_374, %add3A_1004 : vector<16xi32>
            %gather3A_1006 = tpu.vector_load_idx %arg12[%add3A_1005] : memref<4112xf32, #tpu.memory_space<vmem>>[vector<16xi32>], vector<16xf32>,
            %gather3A_1007 = tpu.vector_load_idx %arg13[%add3A_1005] : memref<4112xf32, #tpu.memory_space<vmem>>[vector<16xi32>], vector<16xf32>,
            %gather3A_1008 = tpu.vector_load_idx %arg14[%add3A_1005] : memref<4112xf32, #tpu.memory_space<vmem>>[vector<16xi32>], vector<16xf32>,
            %sub3A_1009 = arith.subf %gather3A_1006, %gather3A : vector<16xf32>
            %bitcast3A_1010 = vector.bitcast %sub3A_1009 : vector<16xf32> to vector<16xi32>
            %shift_right_logical3A_1011 = arith.constant 16 : i32
            %shift_right_logical3A_1012 = vector.broadcast %shift_right_logical3A_1011 : i32 to vector<16xi32>
            %shift_right_logical3A_1013 = arith.shrui %bitcast3A_1010, %shift_right_logical3A_1012 : vector<16xi32>
            %and3A_1014 = arith.constant 1 : i32
            %and3A_1015 = vector.broadcast %and3A_1014 : i32 to vector<16xi32>
            %and3A_1016 = arith.andi %shift_right_logical3A_1013, %and3A_1015 : vector<16xi32>
            %add3A_1017 = arith.constant 32767 : i32
            %add3A_1018 = vector.broadcast %add3A_1017 : i32 to vector<16xi32>
            %add3A_1019 = arith.addi %bitcast3A_1010, %add3A_1018 : vector<16xi32>
            %add3A_1020 = arith.addi %add3A_1019, %and3A_1016 : vector<16xi32>
            %and3A_1021 = arith.constant -65536 : i32
            %and3A_1022 = vector.broadcast %and3A_1021 : i32 to vector<16xi32>
            %and3A_1023 = arith.andi %add3A_1020, %and3A_1022 : vector<16xi32>
            %bitcast3A_1024 = vector.bitcast %and3A_1023 : vector<16xi32> to vector<16xf32>
            %sub3A_1025 = arith.subf %gather3A_1007, %gather3A_914 : vector<16xf32>
            %bitcast3A_1026 = vector.bitcast %sub3A_1025 : vector<16xf32> to vector<16xi32>
            %shift_right_logical3A_1027 = arith.constant 16 : i32
            %shift_right_logical3A_1028 = vector.broadcast %shift_right_logical3A_1027 : i32 to vector<16xi32>
            %shift_right_logical3A_1029 = arith.shrui %bitcast3A_1026, %shift_right_logical3A_1028 : vector<16xi32>
            %and3A_1030 = arith.constant 1 : i32
            %and3A_1031 = vector.broadcast %and3A_1030 : i32 to vector<16xi32>
            %and3A_1032 = arith.andi %shift_right_logical3A_1029, %and3A_1031 : vector<16xi32>
            %add3A_1033 = arith.constant 32767 : i32
            %add3A_1034 = vector.broadcast %add3A_1033 : i32 to vector<16xi32>
            %add3A_1035 = arith.addi %bitcast3A_1026, %add3A_1034 : vector<16xi32>
            %add3A_1036 = arith.addi %add3A_1035, %and3A_1032 : vector<16xi32>
            %and3A_1037 = arith.constant -65536 : i32
            %and3A_1038 = vector.broadcast %and3A_1037 : i32 to vector<16xi32>
            %and3A_1039 = arith.andi %add3A_1036, %and3A_1038 : vector<16xi32>
            %bitcast3A_1040 = vector.bitcast %and3A_1039 : vector<16xi32> to vector<16xf32>
            %sub3A_1041 = arith.subf %gather3A_1008, %gather3A_922 : vector<16xf32>
            %bitcast3A_1042 = vector.bitcast %sub3A_1041 : vector<16xf32> to vector<16xi32>
            %shift_right_logical3A_1043 = arith.constant 16 : i32
            %shift_right_logical3A_1044 = vector.broadcast %shift_right_logical3A_1043 : i32 to vector<16xi32>
            %shift_right_logical3A_1045 = arith.shrui %bitcast3A_1042, %shift_right_logical3A_1044 : vector<16xi32>
            %and3A_1046 = arith.constant 1 : i32
            %and3A_1047 = vector.broadcast %and3A_1046 : i32 to vector<16xi32>
            %and3A_1048 = arith.andi %shift_right_logical3A_1045, %and3A_1047 : vector<16xi32>
            %add3A_1049 = arith.constant 32767 : i32
            %add3A_1050 = vector.broadcast %add3A_1049 : i32 to vector<16xi32>
            %add3A_1051 = arith.addi %bitcast3A_1042, %add3A_1050 : vector<16xi32>
            %add3A_1052 = arith.addi %add3A_1051, %and3A_1048 : vector<16xi32>
            %and3A_1053 = arith.constant -65536 : i32
            %and3A_1054 = vector.broadcast %and3A_1053 : i32 to vector<16xi32>
            %and3A_1055 = arith.andi %add3A_1052, %and3A_1054 : vector<16xi32>
            %bitcast3A_1056 = vector.bitcast %and3A_1055 : vector<16xi32> to vector<16xf32>
            %mul3A_1057 = arith.mulf %bitcast3A_1024, %bitcast3A_176 : vector<16xf32>
            %mul3A_1058 = arith.mulf %bitcast3A_1040, %bitcast3A_244 : vector<16xf32>
            %add3A_1059 = arith.addf %mul3A_1057, %mul3A_1058 : vector<16xf32>
            %mul3A_1060 = arith.mulf %bitcast3A_1056, %bitcast3A_312 : vector<16xf32>
            %add3A_1061 = arith.addf %add3A_1059, %mul3A_1060 : vector<16xf32>
            %add3A_1062 = arith.addf %add3A_1061, %get3A_365 : vector<16xf32>
            %max3A_1063 = arith.constant 0.000000e+00 : f32
            %max3A_1064 = vector.broadcast %max3A_1063 : f32 to vector<16xf32>
            %max3A_1065 = arith.maximumf %add3A_1062, %max3A_1064 : vector<16xf32>
            %add3A_1066 = arith.addf %while3A_993, %max3A_1065 : vector<16xf32>
            %mul3A_1067 = arith.mulf %bitcast3A_1024, %bitcast3A_193 : vector<16xf32>
            %mul3A_1068 = arith.mulf %bitcast3A_1040, %bitcast3A_261 : vector<16xf32>
            %add3A_1069 = arith.addf %mul3A_1067, %mul3A_1068 : vector<16xf32>
            %mul3A_1070 = arith.mulf %bitcast3A_1056, %bitcast3A_329 : vector<16xf32>
            %add3A_1071 = arith.addf %add3A_1069, %mul3A_1070 : vector<16xf32>
            %add3A_1072 = arith.addf %add3A_1071, %get3A_367 : vector<16xf32>
            %max3A_1073 = arith.constant 0.000000e+00 : f32
            %max3A_1074 = vector.broadcast %max3A_1073 : f32 to vector<16xf32>
            %max3A_1075 = arith.maximumf %add3A_1072, %max3A_1074 : vector<16xf32>
            %add3A_1076 = arith.addf %while3A_994, %max3A_1075 : vector<16xf32>
            %mul3A_1077 = arith.mulf %bitcast3A_1024, %bitcast3A_210 : vector<16xf32>
            %mul3A_1078 = arith.mulf %bitcast3A_1040, %bitcast3A_278 : vector<16xf32>
            %add3A_1079 = arith.addf %mul3A_1077, %mul3A_1078 : vector<16xf32>
            %mul3A_1080 = arith.mulf %bitcast3A_1056, %bitcast3A_346 : vector<16xf32>
            %add3A_1081 = arith.addf %add3A_1079, %mul3A_1080 : vector<16xf32>
            %add3A_1082 = arith.addf %add3A_1081, %get3A_369 : vector<16xf32>
            %max3A_1083 = arith.constant 0.000000e+00 : f32
            %max3A_1084 = vector.broadcast %max3A_1083 : f32 to vector<16xf32>
            %max3A_1085 = arith.maximumf %add3A_1082, %max3A_1084 : vector<16xf32>
            %add3A_1086 = arith.addf %while3A_995, %max3A_1085 : vector<16xf32>
            %mul3A_1087 = arith.mulf %bitcast3A_1024, %bitcast3A_227 : vector<16xf32>
            %mul3A_1088 = arith.mulf %bitcast3A_1040, %bitcast3A_295 : vector<16xf32>
            %add3A_1089 = arith.addf %mul3A_1087, %mul3A_1088 : vector<16xf32>
            %mul3A_1090 = arith.mulf %bitcast3A_1056, %bitcast3A_363 : vector<16xf32>
            %add3A_1091 = arith.addf %add3A_1089, %mul3A_1090 : vector<16xf32>
            %add3A_1092 = arith.addf %add3A_1091, %get3A_371 : vector<16xf32>
            %max3A_1093 = arith.constant 0.000000e+00 : f32
            %max3A_1094 = vector.broadcast %max3A_1093 : f32 to vector<16xf32>
            %max3A_1095 = arith.maximumf %add3A_1092, %max3A_1094 : vector<16xf32>
            %add3A_1096 = arith.addf %while3A_996, %max3A_1095 : vector<16xf32>
            %max3A_1097 = arith.maximumf %while3A_997, %max3A_1065 : vector<16xf32>
            %max3A_1098 = arith.maximumf %while3A_998, %max3A_1075 : vector<16xf32>
            %max3A_1099 = arith.maximumf %while3A_999, %max3A_1085 : vector<16xf32>
            %max3A_1100 = arith.maximumf %while3A_1000, %max3A_1095 : vector<16xf32>
            scf.yield %add3A_1066, %add3A_1076, %add3A_1086, %add3A_1096, %max3A_1097, %max3A_1098, %max3A_1099, %max3A_1100 : vector<16xf32>, vector<16xf32>, vector<16xf32>, vector<16xf32>, vector<16xf32>, vector<16xf32>, vector<16xf32>, vector<16xf32>
          }
          %while3A_966 = arith.constant 1 : i32
          %while3A_967:8 = scf.for %while3A_992 = %while3A_963 to %while3A_959 step %while3A_966 iter_args(%while3A_993 = %while3A_965#0, %while3A_994 = %while3A_965#1, %while3A_995 = %while3A_965#2, %while3A_996 = %while3A_965#3, %while3A_997 = %while3A_965#4, %while3A_998 = %while3A_965#5, %while3A_999 = %while3A_965#6, %while3A_1000 = %while3A_965#7) -> (vector<16xf32>, vector<16xf32>, vector<16xf32>, vector<16xf32>, vector<16xf32>, vector<16xf32>, vector<16xf32>, vector<16xf32>)  : i32 {
            %mul3A_1001 = arith.muli %while3A_992, %while3A_955 : i32
            %add3A_1002 = arith.addi %while3A_956, %mul3A_1001 : i32
            %add3A_1003 = arith.addi %squeeze3A_902, %add3A_1002 : i32
            %add3A_1004 = vector.broadcast %add3A_1003 : i32 to vector<16xi32>
            %add3A_1005 = arith.addi %broadcast_in_dim3A_374, %add3A_1004 : vector<16xi32>
            %gather3A_1006 = tpu.vector_load_idx %arg12[%add3A_1005] : memref<4112xf32, #tpu.memory_space<vmem>>[vector<16xi32>], vector<16xf32>,
            %gather3A_1007 = tpu.vector_load_idx %arg13[%add3A_1005] : memref<4112xf32, #tpu.memory_space<vmem>>[vector<16xi32>], vector<16xf32>,
            %gather3A_1008 = tpu.vector_load_idx %arg14[%add3A_1005] : memref<4112xf32, #tpu.memory_space<vmem>>[vector<16xi32>], vector<16xf32>,
            %sub3A_1009 = arith.subf %gather3A_1006, %gather3A : vector<16xf32>
            %bitcast3A_1010 = vector.bitcast %sub3A_1009 : vector<16xf32> to vector<16xi32>
            %shift_right_logical3A_1011 = arith.constant 16 : i32
            %shift_right_logical3A_1012 = vector.broadcast %shift_right_logical3A_1011 : i32 to vector<16xi32>
            %shift_right_logical3A_1013 = arith.shrui %bitcast3A_1010, %shift_right_logical3A_1012 : vector<16xi32>
            %and3A_1014 = arith.constant 1 : i32
            %and3A_1015 = vector.broadcast %and3A_1014 : i32 to vector<16xi32>
            %and3A_1016 = arith.andi %shift_right_logical3A_1013, %and3A_1015 : vector<16xi32>
            %add3A_1017 = arith.constant 32767 : i32
            %add3A_1018 = vector.broadcast %add3A_1017 : i32 to vector<16xi32>
            %add3A_1019 = arith.addi %bitcast3A_1010, %add3A_1018 : vector<16xi32>
            %add3A_1020 = arith.addi %add3A_1019, %and3A_1016 : vector<16xi32>
            %and3A_1021 = arith.constant -65536 : i32
            %and3A_1022 = vector.broadcast %and3A_1021 : i32 to vector<16xi32>
            %and3A_1023 = arith.andi %add3A_1020, %and3A_1022 : vector<16xi32>
            %bitcast3A_1024 = vector.bitcast %and3A_1023 : vector<16xi32> to vector<16xf32>
            %sub3A_1025 = arith.subf %gather3A_1007, %gather3A_914 : vector<16xf32>
            %bitcast3A_1026 = vector.bitcast %sub3A_1025 : vector<16xf32> to vector<16xi32>
            %shift_right_logical3A_1027 = arith.constant 16 : i32
            %shift_right_logical3A_1028 = vector.broadcast %shift_right_logical3A_1027 : i32 to vector<16xi32>
            %shift_right_logical3A_1029 = arith.shrui %bitcast3A_1026, %shift_right_logical3A_1028 : vector<16xi32>
            %and3A_1030 = arith.constant 1 : i32
            %and3A_1031 = vector.broadcast %and3A_1030 : i32 to vector<16xi32>
            %and3A_1032 = arith.andi %shift_right_logical3A_1029, %and3A_1031 : vector<16xi32>
            %add3A_1033 = arith.constant 32767 : i32
            %add3A_1034 = vector.broadcast %add3A_1033 : i32 to vector<16xi32>
            %add3A_1035 = arith.addi %bitcast3A_1026, %add3A_1034 : vector<16xi32>
            %add3A_1036 = arith.addi %add3A_1035, %and3A_1032 : vector<16xi32>
            %and3A_1037 = arith.constant -65536 : i32
            %and3A_1038 = vector.broadcast %and3A_1037 : i32 to vector<16xi32>
            %and3A_1039 = arith.andi %add3A_1036, %and3A_1038 : vector<16xi32>
            %bitcast3A_1040 = vector.bitcast %and3A_1039 : vector<16xi32> to vector<16xf32>
            %sub3A_1041 = arith.subf %gather3A_1008, %gather3A_922 : vector<16xf32>
            %bitcast3A_1042 = vector.bitcast %sub3A_1041 : vector<16xf32> to vector<16xi32>
            %shift_right_logical3A_1043 = arith.constant 16 : i32
            %shift_right_logical3A_1044 = vector.broadcast %shift_right_logical3A_1043 : i32 to vector<16xi32>
            %shift_right_logical3A_1045 = arith.shrui %bitcast3A_1042, %shift_right_logical3A_1044 : vector<16xi32>
            %and3A_1046 = arith.constant 1 : i32
            %and3A_1047 = vector.broadcast %and3A_1046 : i32 to vector<16xi32>
            %and3A_1048 = arith.andi %shift_right_logical3A_1045, %and3A_1047 : vector<16xi32>
            %add3A_1049 = arith.constant 32767 : i32
            %add3A_1050 = vector.broadcast %add3A_1049 : i32 to vector<16xi32>
            %add3A_1051 = arith.addi %bitcast3A_1042, %add3A_1050 : vector<16xi32>
            %add3A_1052 = arith.addi %add3A_1051, %and3A_1048 : vector<16xi32>
            %and3A_1053 = arith.constant -65536 : i32
            %and3A_1054 = vector.broadcast %and3A_1053 : i32 to vector<16xi32>
            %and3A_1055 = arith.andi %add3A_1052, %and3A_1054 : vector<16xi32>
            %bitcast3A_1056 = vector.bitcast %and3A_1055 : vector<16xi32> to vector<16xf32>
            %mul3A_1057 = arith.mulf %bitcast3A_1024, %bitcast3A_176 : vector<16xf32>
            %mul3A_1058 = arith.mulf %bitcast3A_1040, %bitcast3A_244 : vector<16xf32>
            %add3A_1059 = arith.addf %mul3A_1057, %mul3A_1058 : vector<16xf32>
            %mul3A_1060 = arith.mulf %bitcast3A_1056, %bitcast3A_312 : vector<16xf32>
            %add3A_1061 = arith.addf %add3A_1059, %mul3A_1060 : vector<16xf32>
            %add3A_1062 = arith.addf %add3A_1061, %get3A_365 : vector<16xf32>
            %max3A_1063 = arith.constant 0.000000e+00 : f32
            %max3A_1064 = vector.broadcast %max3A_1063 : f32 to vector<16xf32>
            %max3A_1065 = arith.maximumf %add3A_1062, %max3A_1064 : vector<16xf32>
            %add3A_1066 = arith.addf %while3A_993, %max3A_1065 : vector<16xf32>
            %mul3A_1067 = arith.mulf %bitcast3A_1024, %bitcast3A_193 : vector<16xf32>
            %mul3A_1068 = arith.mulf %bitcast3A_1040, %bitcast3A_261 : vector<16xf32>
            %add3A_1069 = arith.addf %mul3A_1067, %mul3A_1068 : vector<16xf32>
            %mul3A_1070 = arith.mulf %bitcast3A_1056, %bitcast3A_329 : vector<16xf32>
            %add3A_1071 = arith.addf %add3A_1069, %mul3A_1070 : vector<16xf32>
            %add3A_1072 = arith.addf %add3A_1071, %get3A_367 : vector<16xf32>
            %max3A_1073 = arith.constant 0.000000e+00 : f32
            %max3A_1074 = vector.broadcast %max3A_1073 : f32 to vector<16xf32>
            %max3A_1075 = arith.maximumf %add3A_1072, %max3A_1074 : vector<16xf32>
            %add3A_1076 = arith.addf %while3A_994, %max3A_1075 : vector<16xf32>
            %mul3A_1077 = arith.mulf %bitcast3A_1024, %bitcast3A_210 : vector<16xf32>
            %mul3A_1078 = arith.mulf %bitcast3A_1040, %bitcast3A_278 : vector<16xf32>
            %add3A_1079 = arith.addf %mul3A_1077, %mul3A_1078 : vector<16xf32>
            %mul3A_1080 = arith.mulf %bitcast3A_1056, %bitcast3A_346 : vector<16xf32>
            %add3A_1081 = arith.addf %add3A_1079, %mul3A_1080 : vector<16xf32>
            %add3A_1082 = arith.addf %add3A_1081, %get3A_369 : vector<16xf32>
            %max3A_1083 = arith.constant 0.000000e+00 : f32
            %max3A_1084 = vector.broadcast %max3A_1083 : f32 to vector<16xf32>
            %max3A_1085 = arith.maximumf %add3A_1082, %max3A_1084 : vector<16xf32>
            %add3A_1086 = arith.addf %while3A_995, %max3A_1085 : vector<16xf32>
            %mul3A_1087 = arith.mulf %bitcast3A_1024, %bitcast3A_227 : vector<16xf32>
            %mul3A_1088 = arith.mulf %bitcast3A_1040, %bitcast3A_295 : vector<16xf32>
            %add3A_1089 = arith.addf %mul3A_1087, %mul3A_1088 : vector<16xf32>
            %mul3A_1090 = arith.mulf %bitcast3A_1056, %bitcast3A_363 : vector<16xf32>
            %add3A_1091 = arith.addf %add3A_1089, %mul3A_1090 : vector<16xf32>
            %add3A_1092 = arith.addf %add3A_1091, %get3A_371 : vector<16xf32>
            %max3A_1093 = arith.constant 0.000000e+00 : f32
            %max3A_1094 = vector.broadcast %max3A_1093 : f32 to vector<16xf32>
            %max3A_1095 = arith.maximumf %add3A_1092, %max3A_1094 : vector<16xf32>
            %add3A_1096 = arith.addf %while3A_996, %max3A_1095 : vector<16xf32>
            %max3A_1097 = arith.maximumf %while3A_997, %max3A_1065 : vector<16xf32>
            %max3A_1098 = arith.maximumf %while3A_998, %max3A_1075 : vector<16xf32>
            %max3A_1099 = arith.maximumf %while3A_999, %max3A_1085 : vector<16xf32>
            %max3A_1100 = arith.maximumf %while3A_1000, %max3A_1095 : vector<16xf32>
            scf.yield %add3A_1066, %add3A_1076, %add3A_1086, %add3A_1096, %max3A_1097, %max3A_1098, %max3A_1099, %max3A_1100 : vector<16xf32>, vector<16xf32>, vector<16xf32>, vector<16xf32>, vector<16xf32>, vector<16xf32>, vector<16xf32>, vector<16xf32>
          }
          %swap3A_968 = arith.index_cast %add3A_891 : i32 to index
          %swap3A_969 = arith.constant 0 : index
          %swap3A_970 = tpu.vector_load %arg18[%swap3A_968, %swap3A_969] {strides = array<i32>} : memref<128x64xf32, #tpu.memory_space<vmem>>, vector<16xf32>,
          tpu.vector_store %arg18[%swap3A_968, %swap3A_969], %while3A_967#0 {strides = array<i32>} : memref<128x64xf32, #tpu.memory_space<vmem>>, vector<16xf32>,
          %swap3A_971 = arith.index_cast %add3A_891 : i32 to index
          %swap3A_972 = arith.constant 0 : index
          %swap3A_973 = tpu.vector_load %arg19[%swap3A_971, %swap3A_972] {strides = array<i32>} : memref<128x64xf32, #tpu.memory_space<vmem>>, vector<16xf32>,
          tpu.vector_store %arg19[%swap3A_971, %swap3A_972], %while3A_967#4 {strides = array<i32>} : memref<128x64xf32, #tpu.memory_space<vmem>>, vector<16xf32>,
          %swap3A_974 = arith.index_cast %add3A_891 : i32 to index
          %swap3A_975 = arith.constant 16 : index
          %swap3A_976 = tpu.vector_load %arg18[%swap3A_974, %swap3A_975] {strides = array<i32>} : memref<128x64xf32, #tpu.memory_space<vmem>>, vector<16xf32>,
          tpu.vector_store %arg18[%swap3A_974, %swap3A_975], %while3A_967#1 {strides = array<i32>} : memref<128x64xf32, #tpu.memory_space<vmem>>, vector<16xf32>,
          %swap3A_977 = arith.index_cast %add3A_891 : i32 to index
          %swap3A_978 = arith.constant 16 : index
          %swap3A_979 = tpu.vector_load %arg19[%swap3A_977, %swap3A_978] {strides = array<i32>} : memref<128x64xf32, #tpu.memory_space<vmem>>, vector<16xf32>,
          tpu.vector_store %arg19[%swap3A_977, %swap3A_978], %while3A_967#5 {strides = array<i32>} : memref<128x64xf32, #tpu.memory_space<vmem>>, vector<16xf32>,
          %swap3A_980 = arith.index_cast %add3A_891 : i32 to index
          %swap3A_981 = arith.constant 32 : index
          %swap3A_982 = tpu.vector_load %arg18[%swap3A_980, %swap3A_981] {strides = array<i32>} : memref<128x64xf32, #tpu.memory_space<vmem>>, vector<16xf32>,
          tpu.vector_store %arg18[%swap3A_980, %swap3A_981], %while3A_967#2 {strides = array<i32>} : memref<128x64xf32, #tpu.memory_space<vmem>>, vector<16xf32>,
          %swap3A_983 = arith.index_cast %add3A_891 : i32 to index
          %swap3A_984 = arith.constant 32 : index
          %swap3A_985 = tpu.vector_load %arg19[%swap3A_983, %swap3A_984] {strides = array<i32>} : memref<128x64xf32, #tpu.memory_space<vmem>>, vector<16xf32>,
          tpu.vector_store %arg19[%swap3A_983, %swap3A_984], %while3A_967#6 {strides = array<i32>} : memref<128x64xf32, #tpu.memory_space<vmem>>, vector<16xf32>,
          %swap3A_986 = arith.index_cast %add3A_891 : i32 to index
          %swap3A_987 = arith.constant 48 : index
          %swap3A_988 = tpu.vector_load %arg18[%swap3A_986, %swap3A_987] {strides = array<i32>} : memref<128x64xf32, #tpu.memory_space<vmem>>, vector<16xf32>,
          tpu.vector_store %arg18[%swap3A_986, %swap3A_987], %while3A_967#3 {strides = array<i32>} : memref<128x64xf32, #tpu.memory_space<vmem>>, vector<16xf32>,
          %swap3A_989 = arith.index_cast %add3A_891 : i32 to index
          %swap3A_990 = arith.constant 48 : index
          %swap3A_991 = tpu.vector_load %arg19[%swap3A_989, %swap3A_990] {strides = array<i32>} : memref<128x64xf32, #tpu.memory_space<vmem>>, vector<16xf32>,
          tpu.vector_store %arg19[%swap3A_989, %swap3A_990], %while3A_967#7 {strides = array<i32>} : memref<128x64xf32, #tpu.memory_space<vmem>>, vector<16xf32>,
        } else {
        }
      }
      %scan3A_886 = arith.constant 128 : i32
    }
    %get3A_588 = arith.constant 0 : index
    %get3A_589 = tpu.vector_load %arg20[%get3A_588] {strides = array<i32>} : memref<128xi32, #tpu.memory_space<vmem>>, vector<16xi32>,
    %convert_element_type3A_590 = arith.sitofp %get3A_589 : vector<16xi32> to vector<16xf32>
    %swap3A_591 = arith.constant 0 : index
    %swap3A_592 = tpu.vector_load %arg22[%swap3A_591] {strides = array<i32>} : memref<128xf32, #tpu.memory_space<vmem>>, vector<16xf32>,
    tpu.vector_store %arg22[%swap3A_591], %convert_element_type3A_590 {strides = array<i32>} : memref<128xf32, #tpu.memory_space<vmem>>, vector<16xf32>,
    %max3A_593 = arith.constant 1.000000e+00 : f32
    %max3A_594 = vector.broadcast %max3A_593 : f32 to vector<16xf32>
    %max3A_595 = arith.maximumf %convert_element_type3A_590, %max3A_594 : vector<16xf32>
    %div3A_596 = arith.constant 1.000000e+00 : f32
    %div3A_597 = vector.broadcast %div3A_596 : f32 to vector<16xf32>
    %div3A_598 = arith.divf %div3A_597, %max3A_595 : vector<16xf32>
    %swap3A_599 = arith.constant 0 : index
    %swap3A_600 = tpu.vector_load %arg21[%swap3A_599] {strides = array<i32>} : memref<144xf32, #tpu.memory_space<vmem>>, vector<16xf32>,
    tpu.vector_store %arg21[%swap3A_599], %div3A_598 {strides = array<i32>} : memref<144xf32, #tpu.memory_space<vmem>>, vector<16xf32>,
    %get3A_601 = arith.constant 16 : index
    %get3A_602 = tpu.vector_load %arg20[%get3A_601] {strides = array<i32>} : memref<128xi32, #tpu.memory_space<vmem>>, vector<16xi32>,
    %convert_element_type3A_603 = arith.sitofp %get3A_602 : vector<16xi32> to vector<16xf32>
    %swap3A_604 = arith.constant 16 : index
    %swap3A_605 = tpu.vector_load %arg22[%swap3A_604] {strides = array<i32>} : memref<128xf32, #tpu.memory_space<vmem>>, vector<16xf32>,
    tpu.vector_store %arg22[%swap3A_604], %convert_element_type3A_603 {strides = array<i32>} : memref<128xf32, #tpu.memory_space<vmem>>, vector<16xf32>,
    %max3A_606 = arith.constant 1.000000e+00 : f32
    %max3A_607 = vector.broadcast %max3A_606 : f32 to vector<16xf32>
    %max3A_608 = arith.maximumf %convert_element_type3A_603, %max3A_607 : vector<16xf32>
    %div3A_609 = arith.constant 1.000000e+00 : f32
    %div3A_610 = vector.broadcast %div3A_609 : f32 to vector<16xf32>
    %div3A_611 = arith.divf %div3A_610, %max3A_608 : vector<16xf32>
    %swap3A_612 = arith.constant 16 : index
    %swap3A_613 = tpu.vector_load %arg21[%swap3A_612] {strides = array<i32>} : memref<144xf32, #tpu.memory_space<vmem>>, vector<16xf32>,
    tpu.vector_store %arg21[%swap3A_612], %div3A_611 {strides = array<i32>} : memref<144xf32, #tpu.memory_space<vmem>>, vector<16xf32>,
    %get3A_614 = arith.constant 32 : index
    %get3A_615 = tpu.vector_load %arg20[%get3A_614] {strides = array<i32>} : memref<128xi32, #tpu.memory_space<vmem>>, vector<16xi32>,
    %convert_element_type3A_616 = arith.sitofp %get3A_615 : vector<16xi32> to vector<16xf32>
    %swap3A_617 = arith.constant 32 : index
    %swap3A_618 = tpu.vector_load %arg22[%swap3A_617] {strides = array<i32>} : memref<128xf32, #tpu.memory_space<vmem>>, vector<16xf32>,
    tpu.vector_store %arg22[%swap3A_617], %convert_element_type3A_616 {strides = array<i32>} : memref<128xf32, #tpu.memory_space<vmem>>, vector<16xf32>,
    %max3A_619 = arith.constant 1.000000e+00 : f32
    %max3A_620 = vector.broadcast %max3A_619 : f32 to vector<16xf32>
    %max3A_621 = arith.maximumf %convert_element_type3A_616, %max3A_620 : vector<16xf32>
    %div3A_622 = arith.constant 1.000000e+00 : f32
    %div3A_623 = vector.broadcast %div3A_622 : f32 to vector<16xf32>
    %div3A_624 = arith.divf %div3A_623, %max3A_621 : vector<16xf32>
    %swap3A_625 = arith.constant 32 : index
    %swap3A_626 = tpu.vector_load %arg21[%swap3A_625] {strides = array<i32>} : memref<144xf32, #tpu.memory_space<vmem>>, vector<16xf32>,
    tpu.vector_store %arg21[%swap3A_625], %div3A_624 {strides = array<i32>} : memref<144xf32, #tpu.memory_space<vmem>>, vector<16xf32>,
    %get3A_627 = arith.constant 48 : index
    %get3A_628 = tpu.vector_load %arg20[%get3A_627] {strides = array<i32>} : memref<128xi32, #tpu.memory_space<vmem>>, vector<16xi32>,
    %convert_element_type3A_629 = arith.sitofp %get3A_628 : vector<16xi32> to vector<16xf32>
    %swap3A_630 = arith.constant 48 : index
    %swap3A_631 = tpu.vector_load %arg22[%swap3A_630] {strides = array<i32>} : memref<128xf32, #tpu.memory_space<vmem>>, vector<16xf32>,
    tpu.vector_store %arg22[%swap3A_630], %convert_element_type3A_629 {strides = array<i32>} : memref<128xf32, #tpu.memory_space<vmem>>, vector<16xf32>,
    %max3A_632 = arith.constant 1.000000e+00 : f32
    %max3A_633 = vector.broadcast %max3A_632 : f32 to vector<16xf32>
    %max3A_634 = arith.maximumf %convert_element_type3A_629, %max3A_633 : vector<16xf32>
    %div3A_635 = arith.constant 1.000000e+00 : f32
    %div3A_636 = vector.broadcast %div3A_635 : f32 to vector<16xf32>
    %div3A_637 = arith.divf %div3A_636, %max3A_634 : vector<16xf32>
    %swap3A_638 = arith.constant 48 : index
    %swap3A_639 = tpu.vector_load %arg21[%swap3A_638] {strides = array<i32>} : memref<144xf32, #tpu.memory_space<vmem>>, vector<16xf32>,
    tpu.vector_store %arg21[%swap3A_638], %div3A_637 {strides = array<i32>} : memref<144xf32, #tpu.memory_space<vmem>>, vector<16xf32>,
    %get3A_640 = arith.constant 64 : index
    %get3A_641 = tpu.vector_load %arg20[%get3A_640] {strides = array<i32>} : memref<128xi32, #tpu.memory_space<vmem>>, vector<16xi32>,
    %convert_element_type3A_642 = arith.sitofp %get3A_641 : vector<16xi32> to vector<16xf32>
    %swap3A_643 = arith.constant 64 : index
    %swap3A_644 = tpu.vector_load %arg22[%swap3A_643] {strides = array<i32>} : memref<128xf32, #tpu.memory_space<vmem>>, vector<16xf32>,
    tpu.vector_store %arg22[%swap3A_643], %convert_element_type3A_642 {strides = array<i32>} : memref<128xf32, #tpu.memory_space<vmem>>, vector<16xf32>,
    %max3A_645 = arith.constant 1.000000e+00 : f32
    %max3A_646 = vector.broadcast %max3A_645 : f32 to vector<16xf32>
    %max3A_647 = arith.maximumf %convert_element_type3A_642, %max3A_646 : vector<16xf32>
    %div3A_648 = arith.constant 1.000000e+00 : f32
    %div3A_649 = vector.broadcast %div3A_648 : f32 to vector<16xf32>
    %div3A_650 = arith.divf %div3A_649, %max3A_647 : vector<16xf32>
    %swap3A_651 = arith.constant 64 : index
    %swap3A_652 = tpu.vector_load %arg21[%swap3A_651] {strides = array<i32>} : memref<144xf32, #tpu.memory_space<vmem>>, vector<16xf32>,
    tpu.vector_store %arg21[%swap3A_651], %div3A_650 {strides = array<i32>} : memref<144xf32, #tpu.memory_space<vmem>>, vector<16xf32>,
    %get3A_653 = arith.constant 80 : index
    %get3A_654 = tpu.vector_load %arg20[%get3A_653] {strides = array<i32>} : memref<128xi32, #tpu.memory_space<vmem>>, vector<16xi32>,
    %convert_element_type3A_655 = arith.sitofp %get3A_654 : vector<16xi32> to vector<16xf32>
    %swap3A_656 = arith.constant 80 : index
    %swap3A_657 = tpu.vector_load %arg22[%swap3A_656] {strides = array<i32>} : memref<128xf32, #tpu.memory_space<vmem>>, vector<16xf32>,
    tpu.vector_store %arg22[%swap3A_656], %convert_element_type3A_655 {strides = array<i32>} : memref<128xf32, #tpu.memory_space<vmem>>, vector<16xf32>,
    %max3A_658 = arith.constant 1.000000e+00 : f32
    %max3A_659 = vector.broadcast %max3A_658 : f32 to vector<16xf32>
    %max3A_660 = arith.maximumf %convert_element_type3A_655, %max3A_659 : vector<16xf32>
    %div3A_661 = arith.constant 1.000000e+00 : f32
    %div3A_662 = vector.broadcast %div3A_661 : f32 to vector<16xf32>
    %div3A_663 = arith.divf %div3A_662, %max3A_660 : vector<16xf32>
    %swap3A_664 = arith.constant 80 : index
    %swap3A_665 = tpu.vector_load %arg21[%swap3A_664] {strides = array<i32>} : memref<144xf32, #tpu.memory_space<vmem>>, vector<16xf32>,
    tpu.vector_store %arg21[%swap3A_664], %div3A_663 {strides = array<i32>} : memref<144xf32, #tpu.memory_space<vmem>>, vector<16xf32>,
    %get3A_666 = arith.constant 96 : index
    %get3A_667 = tpu.vector_load %arg20[%get3A_666] {strides = array<i32>} : memref<128xi32, #tpu.memory_space<vmem>>, vector<16xi32>,
    %convert_element_type3A_668 = arith.sitofp %get3A_667 : vector<16xi32> to vector<16xf32>
    %swap3A_669 = arith.constant 96 : index
    %swap3A_670 = tpu.vector_load %arg22[%swap3A_669] {strides = array<i32>} : memref<128xf32, #tpu.memory_space<vmem>>, vector<16xf32>,
    tpu.vector_store %arg22[%swap3A_669], %convert_element_type3A_668 {strides = array<i32>} : memref<128xf32, #tpu.memory_space<vmem>>, vector<16xf32>,
    %max3A_671 = arith.constant 1.000000e+00 : f32
    %max3A_672 = vector.broadcast %max3A_671 : f32 to vector<16xf32>
    %max3A_673 = arith.maximumf %convert_element_type3A_668, %max3A_672 : vector<16xf32>
    %div3A_674 = arith.constant 1.000000e+00 : f32
    %div3A_675 = vector.broadcast %div3A_674 : f32 to vector<16xf32>
    %div3A_676 = arith.divf %div3A_675, %max3A_673 : vector<16xf32>
    %swap3A_677 = arith.constant 96 : index
    %swap3A_678 = tpu.vector_load %arg21[%swap3A_677] {strides = array<i32>} : memref<144xf32, #tpu.memory_space<vmem>>, vector<16xf32>,
    tpu.vector_store %arg21[%swap3A_677], %div3A_676 {strides = array<i32>} : memref<144xf32, #tpu.memory_space<vmem>>, vector<16xf32>,
    %get3A_679 = arith.constant 112 : index
    %get3A_680 = tpu.vector_load %arg20[%get3A_679] {strides = array<i32>} : memref<128xi32, #tpu.memory_space<vmem>>, vector<16xi32>,
    %convert_element_type3A_681 = arith.sitofp %get3A_680 : vector<16xi32> to vector<16xf32>
    %swap3A_682 = arith.constant 112 : index
    %swap3A_683 = tpu.vector_load %arg22[%swap3A_682] {strides = array<i32>} : memref<128xf32, #tpu.memory_space<vmem>>, vector<16xf32>,
    tpu.vector_store %arg22[%swap3A_682], %convert_element_type3A_681 {strides = array<i32>} : memref<128xf32, #tpu.memory_space<vmem>>, vector<16xf32>,
    %max3A_684 = arith.constant 1.000000e+00 : f32
    %max3A_685 = vector.broadcast %max3A_684 : f32 to vector<16xf32>
    %max3A_686 = arith.maximumf %convert_element_type3A_681, %max3A_685 : vector<16xf32>
    %div3A_687 = arith.constant 1.000000e+00 : f32
    %div3A_688 = vector.broadcast %div3A_687 : f32 to vector<16xf32>
    %div3A_689 = arith.divf %div3A_688, %max3A_686 : vector<16xf32>
    %swap3A_690 = arith.constant 112 : index
    %swap3A_691 = tpu.vector_load %arg21[%swap3A_690] {strides = array<i32>} : memref<144xf32, #tpu.memory_space<vmem>>, vector<16xf32>,
    tpu.vector_store %arg21[%swap3A_690], %div3A_689 {strides = array<i32>} : memref<144xf32, #tpu.memory_space<vmem>>, vector<16xf32>,
    %scan3A_692 = arith.constant 0 : i32
    %scan3A_693 = arith.constant 128 : i32
    %scan3A_694 = arith.addi %scan3A_692, %scan3A_693 : i32
    %scan3A_695 = arith.constant 1 : i32
    scf.for %scan3A_697 = %scan3A_692 to %scan3A_694 step %scan3A_695  : i32 {
      %mul3A_698 = arith.constant 1 : i32
      %mul3A_699 = arith.muli %scan3A_697, %mul3A_698 : i32
      %add3A_700 = arith.constant 0 : i32
      %add3A_701 = arith.addi %add3A_700, %mul3A_699 : i32
      %get3A_702 = arith.index_cast %add3A_701 : i32 to index
      %get3A_703 = tpu.vector_load %arg21[%get3A_702] {strides = array<i32>} : memref<144xf32, #tpu.memory_space<vmem>>, vector<16xf32>,
      %slice3A_704 = vector.extract_strided_slice %get3A_703 {offsets = [0], sizes = [1], strides = [1]} : vector<16xf32> to vector<1xf32>
      %squeeze3A_705 = vector.extract %slice3A_704[0] : f32 from vector<1xf32>
      %get3A_706 = arith.index_cast %add3A_701 : i32 to index
      %get3A_707 = arith.constant 0 : index
      %get3A_708 = tpu.vector_load %arg18[%get3A_706, %get3A_707] {strides = array<i32>} : memref<128x64xf32, #tpu.memory_space<vmem>>, vector<16xf32>,
      %mul3A_709 = vector.broadcast %squeeze3A_705 : f32 to vector<16xf32>
      %mul3A_710 = arith.mulf %get3A_708, %mul3A_709 : vector<16xf32>
      %swap3A_711 = arith.index_cast %add3A_701 : i32 to index
      %swap3A_712 = arith.constant 0 : index
      %swap3A_713 = tpu.vector_load %arg18[%swap3A_711, %swap3A_712] {strides = array<i32>} : memref<128x64xf32, #tpu.memory_space<vmem>>, vector<16xf32>,
      tpu.vector_store %arg18[%swap3A_711, %swap3A_712], %mul3A_710 {strides = array<i32>} : memref<128x64xf32, #tpu.memory_space<vmem>>, vector<16xf32>,
      %get3A_714 = arith.index_cast %add3A_701 : i32 to index
      %get3A_715 = arith.constant 16 : index
      %get3A_716 = tpu.vector_load %arg18[%get3A_714, %get3A_715] {strides = array<i32>} : memref<128x64xf32, #tpu.memory_space<vmem>>, vector<16xf32>,
      %mul3A_717 = vector.broadcast %squeeze3A_705 : f32 to vector<16xf32>
      %mul3A_718 = arith.mulf %get3A_716, %mul3A_717 : vector<16xf32>
      %swap3A_719 = arith.index_cast %add3A_701 : i32 to index
      %swap3A_720 = arith.constant 16 : index
      %swap3A_721 = tpu.vector_load %arg18[%swap3A_719, %swap3A_720] {strides = array<i32>} : memref<128x64xf32, #tpu.memory_space<vmem>>, vector<16xf32>,
      tpu.vector_store %arg18[%swap3A_719, %swap3A_720], %mul3A_718 {strides = array<i32>} : memref<128x64xf32, #tpu.memory_space<vmem>>, vector<16xf32>,
      %get3A_722 = arith.index_cast %add3A_701 : i32 to index
      %get3A_723 = arith.constant 32 : index
      %get3A_724 = tpu.vector_load %arg18[%get3A_722, %get3A_723] {strides = array<i32>} : memref<128x64xf32, #tpu.memory_space<vmem>>, vector<16xf32>,
      %mul3A_725 = vector.broadcast %squeeze3A_705 : f32 to vector<16xf32>
      %mul3A_726 = arith.mulf %get3A_724, %mul3A_725 : vector<16xf32>
      %swap3A_727 = arith.index_cast %add3A_701 : i32 to index
      %swap3A_728 = arith.constant 32 : index
      %swap3A_729 = tpu.vector_load %arg18[%swap3A_727, %swap3A_728] {strides = array<i32>} : memref<128x64xf32, #tpu.memory_space<vmem>>, vector<16xf32>,
      tpu.vector_store %arg18[%swap3A_727, %swap3A_728], %mul3A_726 {strides = array<i32>} : memref<128x64xf32, #tpu.memory_space<vmem>>, vector<16xf32>,
      %get3A_730 = arith.index_cast %add3A_701 : i32 to index
      %get3A_731 = arith.constant 48 : index
      %get3A_732 = tpu.vector_load %arg18[%get3A_730, %get3A_731] {strides = array<i32>} : memref<128x64xf32, #tpu.memory_space<vmem>>, vector<16xf32>,
      %mul3A_733 = vector.broadcast %squeeze3A_705 : f32 to vector<16xf32>
      %mul3A_734 = arith.mulf %get3A_732, %mul3A_733 : vector<16xf32>
      %swap3A_735 = arith.index_cast %add3A_701 : i32 to index
      %swap3A_736 = arith.constant 48 : index
      %swap3A_737 = tpu.vector_load %arg18[%swap3A_735, %swap3A_736] {strides = array<i32>} : memref<128x64xf32, #tpu.memory_space<vmem>>, vector<16xf32>,
      tpu.vector_store %arg18[%swap3A_735, %swap3A_736], %mul3A_734 {strides = array<i32>} : memref<128x64xf32, #tpu.memory_space<vmem>>, vector<16xf32>,
    }
    %scan3A_696 = arith.constant 128 : i32
    "tpu.region"() ({
      %run_scoped3A = tpu.sem_alloc : memref<!tpu.dma_semaphore, #tpu.memory_space<semaphore_mem>>
      %dma_start3A_697 = arith.constant 0 : i32
      %dma_start3A_698 = tpu.memref_slice %arg9[%mul3A_2, %dma_start3A_697] : memref<4096x64xf32, #tpu.memory_space<hbm>> -> memref<128x64xf32, #tpu.memory_space<hbm>>
      %dma_start3A_699 = arith.constant 0 : i32
      %dma_start3A_700 = tpu.memref_slice %arg9[%mul3A_2, %dma_start3A_699] : memref<4096x64xf32, #tpu.memory_space<hbm>> -> memref<128x64xf32, #tpu.memory_space<hbm>>
      tpu.enqueue_dma source(%arg19 : memref<128x64xf32, #tpu.memory_space<vmem>>) target(%dma_start3A_700 : memref<128x64xf32, #tpu.memory_space<hbm>>) target_semaphore(%run_scoped3A : memref<!tpu.dma_semaphore, #tpu.memory_space<semaphore_mem>>)
      %dma_wait3A_701 = arith.constant 0 : i32
      %dma_wait3A_702 = tpu.memref_slice %arg9[%mul3A_2, %dma_wait3A_701] : memref<4096x64xf32, #tpu.memory_space<hbm>> -> memref<128x64xf32, #tpu.memory_space<hbm>>
      %dma_wait3A_703 = arith.constant 0 : i32
      %dma_wait3A_704 = tpu.memref_slice %arg9[%mul3A_2, %dma_wait3A_703] : memref<4096x64xf32, #tpu.memory_space<hbm>> -> memref<128x64xf32, #tpu.memory_space<hbm>>
      tpu.wait_dma2 semaphore(%run_scoped3A : memref<!tpu.dma_semaphore, #tpu.memory_space<semaphore_mem>>) src(%arg19 : memref<128x64xf32, #tpu.memory_space<vmem>>) dst(%dma_wait3A_704 : memref<128x64xf32, #tpu.memory_space<hbm>>)
      tpu.yield
    }) : () -> ()
    "tpu.region"() ({
      %run_scoped3A = tpu.sem_alloc : memref<!tpu.dma_semaphore, #tpu.memory_space<semaphore_mem>>
      %dma_start3A_697 = arith.constant 0 : i32
      %dma_start3A_698 = tpu.memref_slice %arg10[%mul3A_2, %dma_start3A_697] : memref<4096x64xf32, #tpu.memory_space<hbm>> -> memref<128x64xf32, #tpu.memory_space<hbm>>
      %dma_start3A_699 = arith.constant 0 : i32
      %dma_start3A_700 = tpu.memref_slice %arg10[%mul3A_2, %dma_start3A_699] : memref<4096x64xf32, #tpu.memory_space<hbm>> -> memref<128x64xf32, #tpu.memory_space<hbm>>
      tpu.enqueue_dma source(%arg18 : memref<128x64xf32, #tpu.memory_space<vmem>>) target(%dma_start3A_700 : memref<128x64xf32, #tpu.memory_space<hbm>>) target_semaphore(%run_scoped3A : memref<!tpu.dma_semaphore, #tpu.memory_space<semaphore_mem>>)
      %dma_wait3A_701 = arith.constant 0 : i32
      %dma_wait3A_702 = tpu.memref_slice %arg10[%mul3A_2, %dma_wait3A_701] : memref<4096x64xf32, #tpu.memory_space<hbm>> -> memref<128x64xf32, #tpu.memory_space<hbm>>
      %dma_wait3A_703 = arith.constant 0 : i32
      %dma_wait3A_704 = tpu.memref_slice %arg10[%mul3A_2, %dma_wait3A_703] : memref<4096x64xf32, #tpu.memory_space<hbm>> -> memref<128x64xf32, #tpu.memory_space<hbm>>
      tpu.wait_dma2 semaphore(%run_scoped3A : memref<!tpu.dma_semaphore, #tpu.memory_space<semaphore_mem>>) src(%arg18 : memref<128x64xf32, #tpu.memory_space<vmem>>) dst(%dma_wait3A_704 : memref<128x64xf32, #tpu.memory_space<hbm>>)
      tpu.yield
    }) : () -> ()
    "tpu.region"() ({
      %run_scoped3A = tpu.sem_alloc : memref<!tpu.dma_semaphore, #tpu.memory_space<semaphore_mem>>
      %dma_start3A_697 = tpu.memref_slice %arg11[%mul3A_2] : memref<4096xf32, #tpu.memory_space<hbm>> -> memref<128xf32, #tpu.memory_space<hbm>>
      %dma_start3A_698 = tpu.memref_slice %arg11[%mul3A_2] : memref<4096xf32, #tpu.memory_space<hbm>> -> memref<128xf32, #tpu.memory_space<hbm>>
      tpu.enqueue_dma source(%arg22 : memref<128xf32, #tpu.memory_space<vmem>>) target(%dma_start3A_698 : memref<128xf32, #tpu.memory_space<hbm>>) target_semaphore(%run_scoped3A : memref<!tpu.dma_semaphore, #tpu.memory_space<semaphore_mem>>)
      %dma_wait3A_699 = tpu.memref_slice %arg11[%mul3A_2] : memref<4096xf32, #tpu.memory_space<hbm>> -> memref<128xf32, #tpu.memory_space<hbm>>
      %dma_wait3A_700 = tpu.memref_slice %arg11[%mul3A_2] : memref<4096xf32, #tpu.memory_space<hbm>> -> memref<128xf32, #tpu.memory_space<hbm>>
      tpu.wait_dma2 semaphore(%run_scoped3A : memref<!tpu.dma_semaphore, #tpu.memory_space<semaphore_mem>>) src(%arg22 : memref<128xf32, #tpu.memory_space<vmem>>) dst(%dma_wait3A_700 : memref<128xf32, #tpu.memory_space<hbm>>)
      tpu.yield
    }) : () -> ()
    return
  }
}

module attributes {stable_mosaic.version = 14 : i64} {
  func.func @_split_body(%arg0: i32, %arg1: memref<32768x3xf32, #tpu.memory_space<vmem>>, %arg2: memref<32768xf32, #tpu.memory_space<vmem>>, %arg3: memref<32768xf32, #tpu.memory_space<vmem>>, %arg4: memref<32768xf32, #tpu.memory_space<vmem>>) attributes {dimension_semantics = [#tpu.dimension_semantics<arbitrary>], iteration_bounds = array<i64: 16>, scalar_prefetch = 0 : i64, scratch_operands = 0 : i64, tpu.core_type = #tpu.core_type<tc>, window_params = [{transform_indices = @transform_0, window_bounds = array<i64: 32768, 3>}, {transform_indices = @transform_1, window_bounds = array<i64: 32768>}, {transform_indices = @transform_2, window_bounds = array<i64: 32768>}, {transform_indices = @transform_3, window_bounds = array<i64: 32768>}]} {
    %get3A = arith.constant 0 : index
    %get3A_0 = arith.constant 0 : index
    %get3A_1 = vector.load %arg1[%get3A, %get3A_0] : memref<32768x3xf32, #tpu.memory_space<vmem>>, vector<32768x3xf32>
    %transpose3A = tpu.transpose %get3A_1, [1, 0] : vector<32768x3xf32> -> vector<3x32768xf32>
    %slice3A = vector.extract_strided_slice %transpose3A {offsets = [0, 0], sizes = [1, 32768], strides = [1, 1]} : vector<3x32768xf32> to vector<1x32768xf32>
    %squeeze3A = vector.shape_cast %slice3A : vector<1x32768xf32> to vector<32768xf32>
    %swap3A = arith.constant 0 : index
    %swap3A_2 = vector.load %arg2[%swap3A] : memref<32768xf32, #tpu.memory_space<vmem>>, vector<32768xf32>
    tpu.vector_store %arg2[%swap3A], %squeeze3A {strides = array<i32>} : memref<32768xf32, #tpu.memory_space<vmem>>, vector<32768xf32>,
    %slice3A_3 = vector.extract_strided_slice %transpose3A {offsets = [1, 0], sizes = [1, 32768], strides = [1, 1]} : vector<3x32768xf32> to vector<1x32768xf32>
    %squeeze3A_4 = vector.shape_cast %slice3A_3 : vector<1x32768xf32> to vector<32768xf32>
    %swap3A_5 = arith.constant 0 : index
    %swap3A_6 = vector.load %arg3[%swap3A_5] : memref<32768xf32, #tpu.memory_space<vmem>>, vector<32768xf32>
    tpu.vector_store %arg3[%swap3A_5], %squeeze3A_4 {strides = array<i32>} : memref<32768xf32, #tpu.memory_space<vmem>>, vector<32768xf32>,
    %slice3A_7 = vector.extract_strided_slice %transpose3A {offsets = [2, 0], sizes = [1, 32768], strides = [1, 1]} : vector<3x32768xf32> to vector<1x32768xf32>
    %squeeze3A_8 = vector.shape_cast %slice3A_7 : vector<1x32768xf32> to vector<32768xf32>
    %swap3A_9 = arith.constant 0 : index
    %swap3A_10 = vector.load %arg4[%swap3A_9] : memref<32768xf32, #tpu.memory_space<vmem>>, vector<32768xf32>
    tpu.vector_store %arg4[%swap3A_9], %squeeze3A_8 {strides = array<i32>} : memref<32768xf32, #tpu.memory_space<vmem>>, vector<32768xf32>,
    return
  }
  func.func @transform_0(%arg0: i32) -> (i32, i32) {
    %c0_i32 = arith.constant 0 : i32
    %c0_i32_0 = arith.constant 0 : i32
    return %arg0, %c0_i32 : i32, i32
  }
  func.func @transform_1(%arg0: i32) -> i32 {
    %c0_i32 = arith.constant 0 : i32
    return %arg0 : i32
  }
  func.func @transform_2(%arg0: i32) -> i32 {
    %c0_i32 = arith.constant 0 : i32
    return %arg0 : i32
  }
  func.func @transform_3(%arg0: i32) -> i32 {
    %c0_i32 = arith.constant 0 : i32
    return %arg0 : i32
  }
}

module attributes {stable_mosaic.version = 14 : i64} {
  func.func @_tc_body(%arg0: memref<4096x64xf32, #tpu.memory_space<vmem>>, %arg1: memref<4096x64xf32, #tpu.memory_space<vmem>>, %arg2: memref<4096x1xf32, #tpu.memory_space<vmem>>, %arg3: memref<64x128xf32, #tpu.memory_space<vmem>>, %arg4: memref<64x128xf32, #tpu.memory_space<vmem>>, %arg5: memref<1x128xf32, #tpu.memory_space<vmem>>, %arg6: memref<128x8xf32, #tpu.memory_space<vmem>>, %arg7: memref<1x8xf32, #tpu.memory_space<vmem>>, %arg8: memref<4096x8xf32, #tpu.memory_space<vmem>>) attributes {dimension_semantics = [], scalar_prefetch = 0 : i64, scratch_operands = 0 : i64, tpu.core_type = #tpu.core_type<tc>} {
    %get3A = arith.constant 0 : index
    %get3A_0 = arith.constant 0 : index
    %get3A_1 = vector.load %arg0[%get3A, %get3A_0] : memref<4096x64xf32, #tpu.memory_space<vmem>>, vector<4096x64xf32>
    %get3A_2 = arith.constant 0 : index
    %get3A_3 = arith.constant 0 : index
    %get3A_4 = vector.load %arg3[%get3A_2, %get3A_3] : memref<64x128xf32, #tpu.memory_space<vmem>>, vector<64x128xf32>
    %dot_general3A = arith.constant dense<0.000000e+00> : vector<4096x128xf32>
    %dot_general3A_5 = tpu.matmul %get3A_1, %get3A_4, %dot_general3A {dimension_numbers = #tpu.dot_dimension_numbers<[1], [0], [0], [1], [0, 0, 1, 1], [], []>, transpose_lhs_hint = false} : vector<4096x64xf32>, vector<64x128xf32>, vector<4096x128xf32> -> vector<4096x128xf32>
    %get3A_6 = arith.constant 0 : index
    %get3A_7 = arith.constant 0 : index
    %get3A_8 = vector.load %arg1[%get3A_6, %get3A_7] : memref<4096x64xf32, #tpu.memory_space<vmem>>, vector<4096x64xf32>
    %get3A_9 = arith.constant 0 : index
    %get3A_10 = arith.constant 0 : index
    %get3A_11 = vector.load %arg4[%get3A_9, %get3A_10] : memref<64x128xf32, #tpu.memory_space<vmem>>, vector<64x128xf32>
    %dot_general3A_12 = arith.constant dense<0.000000e+00> : vector<4096x128xf32>
    %dot_general3A_13 = tpu.matmul %get3A_8, %get3A_11, %dot_general3A_12 {dimension_numbers = #tpu.dot_dimension_numbers<[1], [0], [0], [1], [0, 0, 1, 1], [], []>, transpose_lhs_hint = false} : vector<4096x64xf32>, vector<64x128xf32>, vector<4096x128xf32> -> vector<4096x128xf32>
    %add3A = arith.addf %dot_general3A_5, %dot_general3A_13 : vector<4096x128xf32>
    %get3A_14 = arith.constant 0 : index
    %get3A_15 = arith.constant 0 : index
    %get3A_16 = vector.load %arg5[%get3A_14, %get3A_15] : memref<1x128xf32, #tpu.memory_space<vmem>>, vector<1x128xf32>
    %add3A_17 = vector.broadcast %get3A_16 : vector<1x128xf32> to vector<4096x128xf32>
    %add3A_18 = arith.addf %add3A, %add3A_17 : vector<4096x128xf32>
    %max3A = arith.constant 0.000000e+00 : f32
    %max3A_19 = vector.broadcast %max3A : f32 to vector<4096x128xf32>
    %max3A_20 = arith.maximumf %add3A_18, %max3A_19 : vector<4096x128xf32>
    %get3A_21 = arith.constant 0 : index
    %get3A_22 = arith.constant 0 : index
    %get3A_23 = vector.load %arg2[%get3A_21, %get3A_22] : memref<4096x1xf32, #tpu.memory_space<vmem>>, vector<4096x1xf32>
    %gt3A = arith.constant 0.000000e+00 : f32
    %gt3A_24 = vector.broadcast %gt3A : f32 to vector<4096x1xf32>
    %gt3A_25 = arith.cmpf ogt, %get3A_23, %gt3A_24 : vector<4096x1xf32>
    %jit3A = arith.constant 0.000000e+00 : f32
    %broadcast_in_dim3A = vector.shape_cast %gt3A_25 : vector<4096x1xi1> to vector<4096x1xi1>
    %broadcast_in_dim3A_26 = vector.broadcast %broadcast_in_dim3A : vector<4096x1xi1> to vector<4096x128xi1>
    %broadcast_in_dim3A_27 = vector.broadcast %jit3A : f32 to vector<4096x128xf32>
    %select_n3A = arith.select %broadcast_in_dim3A_26, %max3A_20, %broadcast_in_dim3A_27 : vector<4096x128xi1>, vector<4096x128xf32>
    %get3A_28 = arith.constant 0 : index
    %get3A_29 = arith.constant 0 : index
    %get3A_30 = vector.load %arg6[%get3A_28, %get3A_29] : memref<128x8xf32, #tpu.memory_space<vmem>>, vector<128x8xf32>
    %dot_general3A_31 = arith.constant dense<0.000000e+00> : vector<4096x8xf32>
    %dot_general3A_32 = tpu.matmul %select_n3A, %get3A_30, %dot_general3A_31 {dimension_numbers = #tpu.dot_dimension_numbers<[1], [0], [0], [1], [0, 0, 1, 1], [], []>, transpose_lhs_hint = false} : vector<4096x128xf32>, vector<128x8xf32>, vector<4096x8xf32> -> vector<4096x8xf32>
    %get3A_33 = arith.constant 0 : index
    %get3A_34 = arith.constant 0 : index
    %get3A_35 = vector.load %arg7[%get3A_33, %get3A_34] : memref<1x8xf32, #tpu.memory_space<vmem>>, vector<1x8xf32>
    %add3A_36 = vector.broadcast %get3A_35 : vector<1x8xf32> to vector<4096x8xf32>
    %add3A_37 = arith.addf %dot_general3A_32, %add3A_36 : vector<4096x8xf32>
    %swap3A = arith.constant 0 : index
    %swap3A_38 = arith.constant 0 : index
    %swap3A_39 = vector.load %arg8[%swap3A, %swap3A_38] : memref<4096x8xf32, #tpu.memory_space<vmem>>, vector<4096x8xf32>
    tpu.vector_store %arg8[%swap3A, %swap3A_38], %add3A_37 {strides = array<i32>} : memref<4096x8xf32, #tpu.memory_space<vmem>>, vector<4096x8xf32>,
    return
  }
}

</mosaic_0001>

<sc_bundles>
// kernel: kernel.5.cloned.1.call-start
scs
__scs_entry_jumppad:
0x0: {  	(pc) =	sbr.rel $0x88, $3  }
0x1: {  	(tag) =	ssettag $0x0;
	lr =	simm.s32 $0x1  }
0x2: {  	[smem:$0x3F96] =	sst lr;
	_ =	strace $0xD0000000  }
0x3: {  	_ = 	snop  }
0x4: {  	_ = 	snop  }
0x5: {  	_ = 	snop  }
0x6: {  	_ = 	snop  }
0x7: {  	_ = 	snop  }
__scs_overlays_trampoline_lowered:
0x8: {  	[smem:$0x3FA5] =	sst s0  }
0x9: {  	[smem:$0x3FA6] =	sst s1  }
0xa: {  	[smem:$0x3FA7] =	sst s2  }
0xb: {  	[smem:$0x3FA8] =	sst s3  }
0xc: {  	[smem:$0x3FA9] =	sst s4  }
0xd: {  	[smem:$0x3FAA] =	sst s5  }
0xe: {  	[smem:$0x3FAB] =	sst s6  }
0xf: {  	[smem:$0x3FAC] =	sst s7  }
0x10: {  	[smem:$0x3FAD] =	sst s8  }
0x11: {  	[smem:$0x3FAE] =	sst s9;
	s0 =	simm.s32 @!p0 $0x0  }
0x12: {  	s1 =	sld [smem:$0x3F94];
	s0 =	simm.s32 @p0 $0x1  }
0x13: {  	[smem:$0x3FAF] =	sst s0;
	s0 =	simm.s32 @!p1 $0x0  }
0x14: {  	s2 =	sld [smem:$0x3F93];
	s0 =	simm.s32 @p1 $0x1  }
0x15: {  	[smem:$0x3FB0] =	sst s0;
	s0 =	simm.s32 @!p2 $0x0  }
0x16: {  	s3 =	sld [smem:$0x3FDB];
	s0 =	simm.s32 @p2 $0x1  }
0x17: {  	s4 =	simm.s32 $0x1BF5;
	[smem:$0x3FB2] =	sst s0  }
0x18: {  	s0 =	sld [smem:$0x3F95];
	_ =	swait.ge [sflag:s4], $0x0  }
0x19: {  	s7 =	sld [smem:$0x3F96]  }
0x1a: {  	s8 =	sadd.s32 $0xFFFFE003, lr  }
0x1b: {  	s9 =	sadd.s32 $0xFFFFFEF7, lr;
	s5 =	simm.s32 $0xFFFFFFFF;
	p2 =	slt.u32 s8, $0xFFFFF086  }
0x1c: {  	p1 =	slt.u32 s9, $0xF7A;
	s5 =	simm.s32 @!p2 $0x0  }
0x1d: {  	s5 =	simm.s32 @p1 $0x1;
	p0 =	seq.s32 s7, s2  }
0x1e: {  	s7 =	smul.u32 @!p0 $0xF7A, s2;
	p2 =	seq.s32 @!p0 s5, $0x0  }
0x1f: {  	s9 =	smul.u32 $0xF7A, s1;
	s8 =	simm.s32 @!p0 $0x1BF5;
	p2 =	por !p2, p0  }
0x20: {  	[sflag:s8] =	ssyncset.s32 @!p0 $0xFFFFF086;
	s6 =	sadd.s32 @!p0 s3, s7;
	s7 =	simm.s32 @!p0 $0x108  }
0x21: {  	s3 =	sadd.s32 s3, s9;
	s6 =	sadd.s32 @!p0 $0x88, s6;
	s7 =	simm.s32 @p2 $0x1082  }
0x22: {  	[simem:s7], [sflag:s8] =	dma.local @!p0 [hbm:s6], $0xF7A  }
0x23: {  	s9 =	sor.u32 $0xD0000000, s2;
	s6 =	simm.s32 $0x108;
	_ =	swait.ge @!p0 [sflag:s8], $0x0  }
0x24: {  	s3 =	sadd.s32 $0x88, s3;
	s6 =	simm.s32 @!p1 $0x1082;
	[sflag:s4] =	ssyncset.s32 $0xFFFFF086  }
0x25: {  	[simem:s6], [sflag:s4] =	dma.local [hbm:s3], $0xF7A  }
0x26: {  	[smem:$0x3F96] =	sst s1;
	(tag) =	ssettag s2;
	_ =	strace s9  }
0x27: {  	s1 =	sld [smem:$0x3FA6]  }
0x28: {  	s2 =	sld [smem:$0x3FA7]  }
0x29: {  	s4 =	sld [smem:$0x3FA9]  }
0x2a: {  	p0 =	seq.s32 s5, $0x0;
	s5 =	sld [smem:$0x3FAA]  }
0x2b: {  	s6 =	sld [smem:$0x3FAB]  }
0x2c: {  	s7 =	sld [smem:$0x3FAC]  }
0x2d: {  	s3 =	simm.s32 $0x108;
	s8 =	sld [smem:$0x3FAD]  }
0x2e: {  	s3 =	simm.s32 @!p0 $0x1082;
	s9 =	sld [smem:$0x3FAE]  }
0x2f: {  	lr =	sadd.s32 s0, s3;
	s0 =	sld [smem:$0x3FA5]  }
0x30: {  	s3 =	sld [smem:$0x3FA8]  }
0x31: {  	[smem:$0x3FB1] =	sst s10  }
0x32: {  	s10 =	sld [smem:$0x3FAF];
	_ =	sdelay $0x3  }
0x33: {  	p0 =	seq.s32 s10, $0x1;
	s10 =	sld [smem:$0x3FB1];
	_ =	sdelay $0x3  }
0x34: {  	[smem:$0x3FB1] =	sst s10  }
0x35: {  	s10 =	sld [smem:$0x3FB0];
	_ =	sdelay $0x3  }
0x36: {  	p1 =	seq.s32 s10, $0x1;
	s10 =	sld [smem:$0x3FB1];
	_ =	sdelay $0x3  }
0x37: {  	[smem:$0x3FB1] =	sst s10  }
0x38: {  	s10 =	sld [smem:$0x3FB2]  }
0x39: {  	_ = 	snop;
	(pc) =	sbr.ind lr, $3  }
0x3a: {  	_ = 	snop  }
0x3b: {  	_ = 	snop  }
0x3c: {  	p2 =	seq.s32 s10, $0x1;
	s10 =	sld [smem:$0x3FB1]  }
0x3d: {  	_ =	shalt  }
0x3e: {  	_ =	shalt  }
0x3f: {  	_ =	shalt  }
0x40: {  	_ =	shalt  }
0x41: {  	_ =	shalt  }
0x42: {  	_ =	shalt  }
0x43: {  	_ =	shalt  }
0x44: {  	_ =	shalt  }
0x45: {  	_ =	shalt  }
0x46: {  	_ =	shalt  }
0x47: {  	_ =	shalt  }
0x48: {  	_ =	shalt  }
0x49: {  	_ =	shalt  }
0x4a: {  	_ =	shalt  }
0x4b: {  	_ =	shalt  }
0x4c: {  	_ =	shalt  }
0x4d: {  	_ =	shalt  }
0x4e: {  	_ =	shalt  }
0x4f: {  	_ =	shalt  }
0x50: {  	_ =	shalt  }
0x51: {  	_ =	shalt  }
0x52: {  	_ =	shalt  }
0x53: {  	_ =	shalt  }
0x54: {  	_ =	shalt  }
0x55: {  	_ =	shalt  }
0x56: {  	_ =	shalt  }
0x57: {  	_ =	shalt  }
0x58: {  	_ =	shalt  }
0x59: {  	_ =	shalt  }
0x5a: {  	_ =	shalt  }
0x5b: {  	_ =	shalt  }
0x5c: {  	_ =	shalt  }
0x5d: {  	_ =	shalt  }
0x5e: {  	_ =	shalt  }
0x5f: {  	_ =	shalt  }
0x60: {  	_ =	shalt  }
0x61: {  	_ =	shalt  }
0x62: {  	_ =	shalt  }
0x63: {  	_ =	shalt  }
0x64: {  	_ =	shalt  }
0x65: {  	_ =	shalt  }
0x66: {  	_ =	shalt  }
0x67: {  	_ =	shalt  }
0x68: {  	_ =	shalt  }
0x69: {  	_ =	shalt  }
0x6a: {  	_ =	shalt  }
0x6b: {  	_ =	shalt  }
0x6c: {  	_ =	shalt  }
0x6d: {  	_ =	shalt  }
0x6e: {  	_ =	shalt  }
0x6f: {  	_ =	shalt  }
0x70: {  	_ =	shalt  }
0x71: {  	_ =	shalt  }
0x72: {  	_ =	shalt  }
0x73: {  	_ =	shalt  }
0x74: {  	_ =	shalt  }
0x75: {  	_ =	shalt  }
0x76: {  	_ =	shalt  }
0x77: {  	_ =	shalt  }
0x78: {  	_ =	shalt  }
0x79: {  	_ =	shalt  }
0x7a: {  	_ =	shalt  }
0x7b: {  	_ =	shalt  }
0x7c: {  	_ =	shalt  }
0x7d: {  	_ =	shalt  }
0x7e: {  	_ =	shalt  }
0x7f: {  	_ =	shalt  }
0x80: {  	_ =	shalt  }
0x81: {  	_ =	shalt  }
0x82: {  	_ =	shalt  }
0x83: {  	_ =	shalt  }
0x84: {  	_ =	shalt  }
0x85: {  	_ =	shalt  }
0x86: {  	_ =	shalt  }
0x87: {  	_ =	shalt  }
.Lfunc_end0:
.L_simem_size_0:
called_computation_lowered:
.L_overlay_start_0:
0x88: {  	s2 =	sld [smem:$0x3FD9]  }
0x89: {  	s3 =	sld [smem:$0x3FFE];
	_ =	sdelay $0x1  }
0x8a: {  	s1 =	srdreg.scid  }
0x8b: {  	s0 =	sand.u32 $0x1, s1  }
0x8c: {  	s14 =	sshll.u32 s0, $0xA;
	s2 =	sadd.s32 s3, s2  }
0x8d: {  	s2 =	sadd.s32 s2, s14  }
0x8e: {  	[smem:$0x3FBD] =	sst s2  }
0x8f: {  	_ = 	snop  }
0x90: {  	s2 =	sld [smem:$0x3FD0];
	_ =	sdelay $0x1  }
0x91: {  	s15 =	sld [smem:$0x3FC7]  }
0x92: {  	s5 =	simm.s32 $0xA;
	s6 =	simm.s32 $0x10;
	s4 =	sld [smem:$0x3FC5]  }
0x93: {  	[smem:s6], [sflag:s5] =	dma.local [hbm:s2], $0x1  }
0x94: {  	_ =	swait.eq [sflag:s5], $0x1  }
0x95: {  	[sflag:s5] =	ssyncset.done $0x0  }
0x96: {  	s16 =	sld [smem:$0x10];
	[sflag:s5] =	ssyncadd.s32 $0xFFFFFFFF  }
0x97: {  	s17 =	sld [smem:$0x11];
	(tm) =	ssettm $0x1  }
0x98: {  	s18 =	sld [smem:$0x3FFB];
	_ =	sdelay $0x3  }
0x99: {  	_ =	strace s18  }
0x9a: {  	s6 =	sld [smem:$0x3FFC];
	_ =	sdelay $0x3  }
0x9b: {  	_ =	strace s6  }
0x9c: {  	s6 =	sld [smem:$0x3FFD];
	_ =	sdelay $0x3  }
0x9d: {  	_ =	strace s6  }
0x9e: {  	_ =	strace $0x8FFFFFFF  }
0x9f: {  	s19 =	sld [smem:$0x3FDB];
	_ =	sdelay $0x1  }
0xa0: {  	s7 =	simm.s32 $_scs_section_size  }
0xa1: {  	s8 =	simm.s32 $_size__tile_overlayer_lowered;
	s9 =	simm.s32 $_tile_overlayer_lowered  }
0xa2: {  	s22 =	simm.s32 $0x1BFF;
	s21 =	sshll.u32 s9, $0x1;
	s6 =	sadd.s32 s7, s19  }
0xa3: {  	s10 =	simm.s32 $0x0;
	s20 =	sshll.u32 s8, $0x1;
	s8 =	sadd.s32 s21, s6  }
0xa4: {  	[timem:s10], [sflag:s22] =	dma.local [hbm:s8], s20  }
0xa5: {  	_ =	swait.ge [sflag:s22], s20  }
0xa6: {  	s7 =	ssub.s32 $0x0, s20;
	[sflag:s22] =	ssyncset.done $0x0  }
0xa7: {  	[sflag:s22] =	ssyncadd.s32 s7;
	_ =	sdelay $0x1  }
0xa8: {  	s23 =	simm.s32 $0x1B8B  }
0xa9: {  	_ =	swait.ge [sflag:s23], $0x1  }
0xaa: {  	[sflag:s23] =	ssyncset.done $0x0  }
0xab: {  	s25 =	simm.s32 $0x1B8E;
	s24 =	sld [smem:$0x3FFE];
	[sflag:s23] =	ssyncadd.s32 $0xFFFFFFFF  }
0xac: {  	s26 =	simm.s32 $execute0_lowered;
	[smem:$0x3FD2] =	sst s25  }
0xad: {  	s8 =	sshll.u32 s26, $0x1;
	_ =	strace $0x80000046;
	[dreg:$0x1] =	wrdreg $0xFFFFFFFF  }
0xae: {  	s28 =	simm.s32 $_size_execute0_lowered;
	s6 =	sadd.s32 s6, s8;
	[dreg:$0x0] =	wrdreg $0x0  }
0xaf: {  	s8 =	sshll.u32 s28, $0x1;
	[dreg:$0x2] =	wrdreg s6  }
0xb0: {  	[dreg:$0x3] =	wrdreg s8  }
0xb1: {  	[dreg:$0x4] =	wrdreg $0xC0  }
0xb2: {  	_ =	task [dreg:s10], $0x5FFFF  }
0xb3: {  	[dreg:$0x1] =	wrdreg $0xFFFFFFFF  }
0xb4: {  	[dreg:$0x0] =	wrdreg $0x60  }
0xb5: {  	[dreg:$0x2] =	wrdreg s24  }
0xb6: {  	[dreg:$0x3] =	wrdreg s15  }
0xb7: {  	[dreg:$0x4] =	wrdreg s17  }
0xb8: {  	[dreg:$0x5] =	wrdreg s4  }
0xb9: {  	[dreg:$0x6] =	wrdreg s16  }
0xba: {  	[dreg:$0x7] =	wrdreg $0x9  }
0xbb: {  	_ =	task.clear_ibuf [dreg:s10], $0x8FFFF;
	_ =	strace $0x90000046  }
0xbc: {  	s29 =	simm.s32 $0x9;
	_ =	strace $0x80000048  }
0xbd: {  	_ =	swait.ge [sflag:s29], $0x1  }
0xbe: {  	[sflag:s29] =	ssyncadd.s32 $0xFFFFFFFF  }
0xbf: {  	_ =	strace $0x90000048  }
0xc0: {  	_ =	sfence  }
0xc1: {  	s30 =	sld [smem:$0x0];
	_ =	sdelay $0x2  }
0xc2: {  	s31 =	sshll.u32 s1, $0xD;
	s1 =	sshrl.u32 s1, $0x2  }
0xc3: {  	s3 =	sand.u32 $0x4000, s31;
	s1 =	sadd.s32 s1, s30  }
0xc4: {  	s0 =	sor.u32 s3, s0;
	s1 =	sshll.u32 s1, $0x11  }
0xc5: {  	s0 =	sor.u32 s1, s0  }
0xc6: {  	s0 =	sadd.s32 $0x8F2B, s0  }
0xc7: {  	[sflag:s0] =	ssyncadd.remote.s32 $0x1  }
0xc8: {  	_ =	sfence.sel $0xFFFF  }
0xc9: {  	[dreg:$0x0] =	wrdreg $0xFFFFFFFF;
	(pc) =	sbr.abs _section_cstart, $3  }
0xca: {  	[dreg:$0x1] =	wrdreg $0xFFFFFFFF  }
0xcb: {  	_ =	task.clear_ibuf [dreg:s10], $0x2FFFF;
	_ =	strace $0x9FFFFFFF  }
0xcc: {  	(tm) =	ssettm $0x7FFFFFFF  }
0xcd: {  	_ =	shalt  }
tec
execute0_lowered:
.L_overlay_start_1:
0x0: {  	(tag) =	ssettag $0x1  }
0x1: {  	s0 =	rddreg [dreg:$0x0]  }
0x2: {  	s1 =	rddreg [dreg:$0x1]  }
0x3: {  	s2 =	rddreg [dreg:$0x4];
	s3 =	srdreg.scid  }
0x4: {  	s5 =	simm.s32 $0x0;
	s6 =	stileid.u32;
	s15 =	simm.s32 $0x2  }
0x5: {  	s17 =	simm.s32 $0x80;
	s18 =	simm.s32 $0xCB80;
	s20 =	simm.s32 $0x1  }
0x6: {  	s22 =	simm.s32 $0xC580;
	s23 =	simm.s32 $0x1080;
	s24 =	simm.s32 $0x2100  }
0x7: {  	v0 =	vlaneseq.u32;
	s25 =	simm.s32 $0x3180;
	s26 =	simm.s32 $0x4180;
	s31 =	simm.s32 $0x0  }
0x8: {  	s3 =	sand.u32 $0x1, s3;
	[smem:$0x7FF] =	sst s5;
	s7 =	sadd.s32 $0x21A00, s0;
	v0 =	vmul.u32 $0x1000, v0  }
0x9: {  	v18 =	vimm.f32 $0.0e+00;
	v19 =	vimm.s32 $0x0;
	s8 =	sadd.s32 $0x1A00, s0;
	s4 =	sshll.u32 s3, $0x4;
	_ =	strace $0x80000047  }
0xa: {  	v20 =	vimm.s32 $0x1;
	s3 =	ssub.s32 $0x2, s3;
	s4 =	sor.u32 s6, s4;
	s6 =	sadd.s32 $0x11A00, s0;
	v3 =	vor.u32 $0x10000, v0;
	v8 =	vor.u32 $0x60000, v0  }
0xb: {  	s11 =	sshrl.u32 s3, $0x1;
	v9 =	vor.u32 $0x70000, v0;
	v10 =	vor.u32 $0xFFF, v0;
	s9 =	smul.u32 $0x60, s4;
	s10 =	sshll.u32 s4, $0xB;
	[tilespmem:$0x1FFB0] =	vst v3;
	v3 =	vor.u32 $0x20000, v0  }
0xc: {  	v11 =	vor.u32 $0x10FFF, v0;
	v12 =	vor.u32 $0x20FFF, v0;
	s3 =	ssub.s32 s3, s11;
	s29 =	sshll.u32 s4, $0x7;
	s4 =	sshll.u32 s4, $0x4;
	[tilespmem:$0x1FFC0] =	vst v3;
	v3 =	vor.u32 $0x30000, v0  }
0xd: {  	v13 =	vor.u32 $0x30FFF, v0;
	v14 =	vor.u32 $0x40FFF, v0;
	s30 =	sadd.s32 $0x80, s29;
	s12 =	sadd.s32 s2, s4;
	s9 =	sadd.s32 s9, s0;
	[tilespmem:$0x1FFD0] =	vst v3;
	v3 =	vor.u32 $0x40000, v0  }
0xe: {  	v15 =	vor.u32 $0x50FFF, v0;
	v16 =	vor.u32 $0x60FFF, v0;
	s13 =	smax.u32 s3, $0x1;
	s0 =	sadd.s32 s10, s0;
	s9 =	sadd.s32 $0x31A00, s9;
	[tilespmem:$0x1FFE0] =	vst v3;
	v3 =	vor.u32 $0x50000, v0  }
0xf: {  	v17 =	vor.u32 $0x70FFF, v0;
	v1 =	vmov s29;
	v2 =	vmov s30;
	s10 =	sadd.s32 $0x32600, s0;
	s11 =	sadd.s32 $0x42600, s0;
	[dreg:$0x6] =	wrdreg s9;
	[tilespmem:$0x1FFF0] =	vst v3  }
.LBB2_1:
0x10: {  	s0 =	rddreg [dreg:$0x2];
	s2 =	simm.s32 $0xC900  }
0x11: {  	[tilespmem:s2], [sflag:$0x2] =	stream.linear.gather [hbm4b:s0+s5], $0x100, $0x38;
	[tilespmem:$0xCC00] =	vst v63  }
0x12: {  	_ =	swait.ge [sflag:s15], $0x100  }
0x13: {  	[sflag:s15] =	ssyncset.done $0x0  }
0x14: {  	[sflag:s15] =	ssyncadd.s32 $0xFFFFFF00  }
0x15: {  	s21 =	simm.s32 $0xCA00;
	s19 =	rddreg [dreg:$0x3]  }
0x16: {  	[tilespmem:s21], [sflag:$0x2] =	stream.linear.gather [hbm4b:s19+s5], $0x80, $0x38;
	[tilespmem:$0xCC00] =	vst v63  }
0x17: {  	_ =	swait.ge [sflag:s15], $0x80  }
0x18: {  	v3 =	vld [tilespmem:$0x1FFB0];
	_ =	sdelay $0x2  }
0x19: {  	[sflag:s15] =	ssyncset.done $0x0  }
0x1a: {  	[sflag:s15] =	ssyncadd.s32 $0xFFFFFF80  }
0x1b: {  	[tilespmem:$0xCB90] =	vst v3;
	v3 =	vld [tilespmem:$0x1FFC0];
	_ =	sdelay $0x4  }
0x1c: {  	[tilespmem:$0xCBA0] =	vst v3;
	v3 =	vld [tilespmem:$0x1FFD0];
	_ =	sdelay $0x4  }
0x1d: {  	[tilespmem:$0xCBB0] =	vst v3;
	v3 =	vld [tilespmem:$0x1FFE0];
	_ =	sdelay $0x4  }
0x1e: {  	[tilespmem:$0xCBC0] =	vst v3;
	v3 =	vld [tilespmem:$0x1FFF0];
	_ =	sdelay $0x1  }
0x1f: {  	[tilespmem:$0xCB80] =	vst v0  }
0x20: {  	[tilespmem:$0xCBE0] =	vst v8  }
0x21: {  	[tilespmem:$0xCBF0] =	vst v9  }
0x22: {  	s28 =	simm.s32 $0xCA80;
	[tilespmem:$0xCBD0] =	vst v3  }
0x23: {  	[tilespmem:s28], [sflag:$0x1] =	stream.indirect.gather [hbm4b:s1+s17], $0x1, s18, s17, $0xb8;
	[tilespmem:$0xCC00] =	vst v63  }
0x24: {  	_ =	swait.ge [sflag:s20], $0x80  }
0x25: {  	[sflag:s20] =	ssyncset.done $0x0  }
0x26: {  	[sflag:s20] =	ssyncadd.s32 $0xFFFFFF80  }
0x27: {  	[tilespmem:$0xCB80] =	vst v10  }
0x28: {  	[tilespmem:$0xCB90] =	vst v11  }
0x29: {  	[tilespmem:$0xCBA0] =	vst v12  }
0x2a: {  	[tilespmem:$0xCBB0] =	vst v13  }
0x2b: {  	[tilespmem:$0xCBC0] =	vst v14  }
0x2c: {  	[tilespmem:$0xCBD0] =	vst v15  }
0x2d: {  	[tilespmem:$0xCBE0] =	vst v16  }
0x2e: {  	s29 =	simm.s32 $0xCB00;
	[tilespmem:$0xCBF0] =	vst v17  }
0x2f: {  	[tilespmem:s29], [sflag:$0x1] =	stream.indirect.gather [hbm4b:s1+s17], $0x1, s18, s17, $0xb8;
	[tilespmem:$0xCC00] =	vst v63  }
0x30: {  	_ =	swait.ge [sflag:s20], $0x80  }
0x31: {  	[sflag:s20] =	ssyncset.done $0x0  }
0x32: {  	s30 =	rddreg [dreg:$0x6];
	[sflag:s20] =	ssyncadd.s32 $0xFFFFFF80  }
0x33: {  	[tilespmem:s22], [sflag:$0x2] =	stream.linear.gather [hbm4b:s30+s5], $0x300, $0x38;
	[tilespmem:$0xCC00] =	vst v63  }
0x34: {  	_ =	swait.ge [sflag:s15], $0x300  }
0x35: {  	[sflag:s15] =	ssyncset.done $0x0  }
0x36: {  	[sflag:s15] =	ssyncadd.s32 $0xFFFFFD00  }
0x37: {  	v36 =	vld [tilespmem:$0xC900]  }
0x38: {  	v35 =	vld [tilespmem:$0xC910]  }
0x39: {  	v33 =	vld [tilespmem:$0xC920]  }
0x3a: {  	v31 =	vld [tilespmem:$0xC930]  }
0x3b: {  	v29 =	vld [tilespmem:$0xC940]  }
0x3c: {  	v26 =	vld [tilespmem:$0xC950]  }
0x3d: {  	v25 =	vld [tilespmem:$0xC960]  }
0x3e: {  	v27 =	vld [tilespmem:$0xC970]  }
0x3f: {  	v28 =	vld [tilespmem:$0xC980]  }
0x40: {  	v30 =	vld [tilespmem:$0xC990]  }
0x41: {  	v32 =	vld [tilespmem:$0xC9A0]  }
0x42: {  	v34 =	vld [tilespmem:$0xC9B0]  }
0x43: {  	v21 =	vld [tilespmem:$0xCA00]  }
0x44: {  	v22 =	vld [tilespmem:$0xCA10]  }
0x45: {  	v23 =	vld [tilespmem:$0xCA20]  }
0x46: {  	s0 =	simm.s32 $0x0;
	s2 =	simm.s32 $0x200;
	v24 =	vld [tilespmem:$0xCA30]  }
.LBB2_2:
0x47: {  	p0 =	sne.s32 s2, $0xFE00;
	[tilespmem:s0+$0x83B0] =	vst v18  }
0x48: {  	[tilespmem:s0+$0x4380] =	vst v18  }
0x49: {  	[tilespmem:s0+$0x8380] =	vst v18  }
.Ltmp0:
0x4a: {  	[tilespmem:s0+$0x4390] =	vst v18;
	(pc) =	sbr.rel @p0 .LBB2_2-.Ltmp0, $4  }
0x4b: {  	[tilespmem:s0+$0x8390] =	vst v18  }
0x4c: {  	[tilespmem:s0+$0x43A0] =	vst v18  }
0x4d: {  	[tilespmem:s0+$0x83A0] =	vst v18  }
0x4e: {  	[tilespmem:s0+$0x43B0] =	vst v18;
	s0 =	sshra.s32 s2, $0x2;
	s2 =	sadd.s32 $0x200, s2  }
0x4f: {  	[tilespmem:s0+$0x83B0] =	vst v18  }
0x50: {  	[tilespmem:s0+$0x4380] =	vst v18  }
0x51: {  	[tilespmem:s0+$0x8380] =	vst v18  }
0x52: {  	[tilespmem:s0+$0x4390] =	vst v18  }
0x53: {  	[tilespmem:s0+$0x8390] =	vst v18  }
0x54: {  	[tilespmem:s0+$0x43A0] =	vst v18  }
0x55: {  	[tilespmem:s0+$0x83A0] =	vst v18  }
0x56: {  	[tilespmem:s0+$0x43B0] =	vst v18  }
0x57: {  	v3 =	vld [tilespmem:$0xCB00]  }
0x58: {  	v4 =	vld [tilespmem:$0xCA80]  }
0x59: {  	v37 =	vld [tilespmem:$0xCB10]  }
0x5a: {  	v38 =	vld [tilespmem:$0xCA90]  }
0x5b: {  	v39 =	vld [tilespmem:$0xCB20]  }
0x5c: {  	vm0 =	vlt.s32 v3, v1;
	v3 =	vld [tilespmem:$0xCAA0]  }
0x5d: {  	v52 =	vld [tilespmem:$0xCB30];
	vm13 =	vlt.s32 v4, v2;
	v40 =	vsel vm0, $0x1, v19  }
0x5e: {  	v54 =	vld [tilespmem:$0xCAB0];
	vm14 =	vlt.s32 v37, v1;
	v53 =	vsel vm13, $0x1, v19;
	(xrf0) =	vadd.scan.msk.s32 $0xffff, v40  }
0x5f: {  	v56 =	vld [tilespmem:$0xCB40];
	vm15 =	vlt.s32 v38, v2;
	v55 =	vsel vm14, $0x1, v19;
	(xrf0) =	vadd.scan.msk.s32 $0xffff, v53  }
0x60: {  	v58 =	vld [tilespmem:$0xCAC0];
	vm4 =	vlt.s32 v39, v1;
	v57 =	vsel vm15, $0x1, v19;
	(xrf0) =	vadd.scan.msk.s32 $0xffff, v55  }
0x61: {  	v59 =	vsel vm4, $0x1, v19;
	(xrf0) =	vadd.scan.msk.s32 $0xffff, v57;
	vm5 =	vlt.s32 v3, v2;
	v3 =	vld [tilespmem:$0xCB50]  }
0x62: {  	v61 =	vld [tilespmem:$0xCAD0];
	vm6 =	vlt.s32 v52, v1;
	(xrf0) =	vadd.scan.msk.s32 $0xffff, v59;
	v60 =	vsel vm5, $0x1, v19  }
0x63: {  	v63 =	vld [tilespmem:$0xCB60];
	vm7 =	vlt.s32 v54, v2;
	v62 =	vsel vm6, $0x1, v19;
	(xrf0) =	vadd.scan.msk.s32 $0xffff, v60  }
0x64: {  	v45 =	vld [tilespmem:$0xCAE0];
	vm8 =	vlt.s32 v56, v1;
	v44 =	vsel vm7, $0x1, v19;
	v41, _, _ =	vpop (xrf0);
	(xrf0) =	vadd.scan.msk.s32 $0xffff, v62  }
0x65: {  	v48 =	vld [tilespmem:$0xCB70];
	vm9 =	vlt.s32 v58, v2;
	v47 =	vsel vm8, $0x1, v19;
	(v2sf) =	vpush v41, $0xF;
	v46, _, _ =	vpop (xrf0);
	(xrf0) =	vadd.scan.msk.s32 $0xffff, v44  }
0x66: {  	v50 =	vsel vm9, $0x1, v19;
	(v2sf) =	vpush v46, $0xF;
	v49, _, _ =	vpop (xrf0);
	(xrf0) =	vadd.scan.msk.s32 $0xffff, v47;
	vm10 =	vlt.s32 v3, v1;
	v3 =	vld [tilespmem:$0xCAF0]  }
0x67: {  	vm11 =	vlt.s32 v61, v2;
	(v2sf) =	vpush v49, $0xF;
	v51, _, _ =	vpop (xrf0);
	(xrf0) =	vadd.scan.msk.s32 $0xffff, v50;
	v52 =	vsel vm10, $0x1, v19  }
0x68: {  	vm12 =	vlt.s32 v63, v1;
	v54 =	vsel vm11, $0x1, v19;
	(v2sf) =	vpush v51, $0xF;
	v53, _, _ =	vpop (xrf0);
	(xrf0) =	vadd.scan.msk.s32 $0xffff, v52  }
0x69: {  	v37 =	vsel vm12, $0x1, v19;
	vm13 =	vlt.s32 v45, v2;
	(v2sf) =	vpush v53, $0xF;
	v55, _, _ =	vpop (xrf0);
	(xrf0) =	vadd.scan.msk.s32 $0xffff, v54  }
0x6a: {  	vm14 =	vlt.s32 v48, v1;
	v57 =	vsel vm13, $0x1, v19;
	(v2sf) =	vpush v55, $0xF;
	v56, _, _ =	vpop (xrf0);
	(xrf0) =	vadd.scan.msk.s32 $0xffff, v37  }
0x6b: {  	v59 =	vsel vm14, $0x1, v19;
	(v2sf) =	vpush v56, $0xF;
	v58, _, _ =	vpop (xrf0);
	(xrf0) =	vadd.scan.msk.s32 $0xffff, v57;
	vm15 =	vlt.s32 v3, v2  }
0x6c: {  	(v2sf) =	vpush v58, $0xF;
	v3, _, _ =	vpop (xrf0);
	(xrf0) =	vadd.scan.msk.s32 $0xffff, v59;
	v60 =	vsel vm15, $0x1, v19  }
0x6d: {  	(v2sf) =	vpush v3, $0xF;
	v3, _, _ =	vpop (xrf0);
	(xrf0) =	vadd.scan.msk.s32 $0xffff, v60  }
0x6e: {  	v61, _, _ =	vpop (xrf0);
	(v2sf) =	vpush v3, $0xF  }
0x6f: {  	v3, _, _ =	vpop (xrf0);
	(v2sf) =	vpush v61, $0xF  }
0x70: {  	v62, _, _ =	vpop (xrf0);
	(v2sf) =	vpush v3, $0xF  }
0x71: {  	v3, _, _ =	vpop (xrf0);
	(v2sf) =	vpush v62, $0xF  }
0x72: {  	v63, _, _ =	vpop (xrf0);
	(v2sf) =	vpush v3, $0xF  }
0x73: {  	(v2sf) =	vpush v63, $0xF;
	v3, _, _ =	vpop (xrf0)  }
0x74: {  	s30 =	spop (v2sf);
	(v2sf) =	vpush v3, $0xF  }
0x75: {  	s2 =	spop (v2sf)  }
0x76: {  	s3 =	spop (v2sf)  }
0x77: {  	s4 =	spop (v2sf)  }
0x78: {  	s9 =	spop (v2sf)  }
0x79: {  	s14 =	spop (v2sf)  }
0x7a: {  	s16 =	spop (v2sf)  }
0x7b: {  	s19 =	spop (v2sf)  }
0x7c: {  	s21 =	spop (v2sf)  }
0x7d: {  	s28 =	spop (v2sf)  }
0x7e: {  	s0 =	sadd.s32 s30, s3;
	s2 =	sadd.s32 s2, s4;
	s4 =	spop (v2sf)  }
0x7f: {  	s0 =	sadd.s32 s9, s0;
	s2 =	sadd.s32 s14, s2;
	s14 =	spop (v2sf)  }
0x80: {  	s0 =	sadd.s32 s16, s0;
	s2 =	sadd.s32 s19, s2;
	s19 =	spop (v2sf)  }
0x81: {  	s0 =	sadd.s32 s21, s0;
	s2 =	sadd.s32 s28, s2;
	s28 =	spop (v2sf)  }
0x82: {  	s0 =	sadd.s32 s4, s0;
	s2 =	sadd.s32 s14, s2;
	s29 =	spop (v2sf)  }
0x83: {  	s0 =	sadd.s32 s19, s0;
	s2 =	sadd.s32 s28, s2;
	s30 =	spop (v2sf)  }
0x84: {  	[tilespmem:$0xC380] =	vst v19;
	s0 =	sadd.s32 s29, s0;
	s2 =	sadd.s32 s30, s2  }
0x85: {  	[tilespmem:$0xC390] =	vst v19;
	s4 =	ssub.s32 s2, s0  }
0x86: {  	[tilespmem:$0xC3A0] =	vst v19;
	p0 =	slt.s32 s4, $0x1  }
.Ltmp1:
0x87: {  	[tilespmem:$0xC3B0] =	vst v19;
	(pc) =	sbr.rel @p0 .LBB2_19-.Ltmp1, $4  }
0x88: {  	[tilespmem:$0xC3C0] =	vst v19  }
0x89: {  	[tilespmem:$0xC3D0] =	vst v19  }
0x8a: {  	[tilespmem:$0xC3E0] =	vst v19  }
0x8b: {  	[tilespmem:$0xC3F0] =	vst v19  }
0x8c: {  	v3 =	vshrl.u32 v36, $0x10;
	v4 =	vshrl.u32 v35, $0x10;
	v47 =	vshrl.u32 v33, $0x10  }
0x8d: {  	v49 =	vshrl.u32 v31, $0x10;
	v52 =	vshrl.u32 v29, $0x10;
	v54 =	vshrl.u32 v26, $0x10  }
0x8e: {  	v56 =	vshrl.u32 v25, $0x10;
	v37 =	vshrl.u32 v27, $0x10;
	v58 =	vshrl.u32 v28, $0x10  }
0x8f: {  	v61 =	vshrl.u32 v32, $0x10;
	v62 =	vshrl.u32 v34, $0x10;
	v3 =	vand.u32 $0x1, v3  }
0x90: {  	v4 =	vand.u32 $0x1, v4;
	v48 =	vand.u32 $0x1, v47;
	v51 =	vand.u32 $0x1, v49  }
0x91: {  	v53 =	vand.u32 $0x1, v52;
	v55 =	vand.u32 $0x1, v54;
	v63 =	vand.u32 $0x1, v62  }
0x92: {  	v3 =	vadd.s32 v3, v36;
	v4 =	vadd.s32 v4, v35;
	v50 =	vadd.s32 v48, v33  }
0x93: {  	v31 =	vadd.s32 v51, v31;
	v29 =	vadd.s32 v53, v29;
	v35 =	vadd.s32 v55, v26  }
0x94: {  	v26 =	vand.u32 $0x1, v56;
	v3 =	vadd.s32 $0x7FFF, v3;
	v4 =	vadd.s32 $0x7FFF, v4  }
0x95: {  	v36 =	vadd.s32 v26, v25;
	v57 =	vadd.s32 $0x7FFF, v50;
	v59 =	vadd.s32 $0x7FFF, v31  }
0x96: {  	v31 =	vand.u32 $0x1, v58;
	v29 =	vadd.s32 $0x7FFF, v29;
	v25 =	vand.u32 $0xFFFF0000, v3  }
0x97: {  	v26 =	vand.u32 $0xFFFF0000, v4;
	v3 =	vand.u32 $0x1, v37;
	v33 =	vadd.s32 v31, v28  }
0x98: {  	v31 =	vshrl.u32 v30, $0x10;
	v28 =	vand.u32 $0xFFFF0000, v59;
	v29 =	vand.u32 $0xFFFF0000, v29  }
0x99: {  	v3 =	vadd.s32 v3, v27;
	v27 =	vand.u32 $0xFFFF0000, v57;
	v60 =	vand.u32 $0x1, v31  }
0x9a: {  	v31 =	vadd.s32 $0x7FFF, v35;
	v35 =	vand.u32 $0x1, v61;
	v33 =	vadd.s32 $0x7FFF, v33  }
.Ltmp2:
0x9b: {  	v4 =	vadd.s32 v60, v30;
	v30 =	vand.u32 $0xFFFF0000, v31;
	v31 =	vadd.s32 $0x7FFF, v36;
	(pc) =	sbr.rel .LBB2_5-.Ltmp2, $4  }
0x9c: {  	v35 =	vadd.s32 v35, v32;
	v3 =	vadd.s32 $0x7FFF, v3;
	v33 =	vand.u32 $0xFFFF0000, v33  }
0x9d: {  	v31 =	vand.u32 $0xFFFF0000, v31;
	v32 =	vand.u32 $0xFFFF0000, v3;
	v3 =	vadd.s32 v63, v34  }
0x9e: {  	v4 =	vadd.s32 $0x7FFF, v4;
	v35 =	vadd.s32 $0x7FFF, v35;
	v3 =	vadd.s32 $0x7FFF, v3  }
0x9f: {  	s2 =	simm.s32 $0x0;
	s3 =	simm.s32 $0x0;
	v34 =	vand.u32 $0xFFFF0000, v4;
	v35 =	vand.u32 $0xFFFF0000, v35;
	v36 =	vand.u32 $0xFFFF0000, v3  }
.LBB2_18:
0xa0: {  	s3 =	sadd.s32 $0x1, s3  }
0xa1: {  	p0 =	sgt.s32 s4, s3  }
.Ltmp3:
0xa2: {  	_ = 	snop;
	(pc) =	sbr.rel @!p0 .LBB2_19-.Ltmp3, $1  }
0xa3: {  	_ =	sdelay $0x3  }
.LBB2_5:
0xa4: {  	s9 =	sadd.s32 s0, s3  }
0xa5: {  	s9 =	sshll.u32 s9, $0x9  }
0xa6: {  	s9 =	sand.u32 $0x1FFFFE00, s9  }
0xa7: {  	s14 =	sadd.s32 s6, s9  }
0xa8: {  	[tilespmem:s2], [sflag:$0x2] =	stream.linear.gather [hbm4b:s14+s2], $0x1000, $0x38;
	[tilespmem:$0xCC00] =	vst v63  }
0xa9: {  	_ =	swait.ge [sflag:s15], $0x1000  }
0xaa: {  	[sflag:s15] =	ssyncset.done $0x0  }
0xab: {  	s29 =	sadd.s32 s7, s9;
	[sflag:s15] =	ssyncadd.s32 $0xFFFFF000  }
0xac: {  	[tilespmem:s23], [sflag:$0x2] =	stream.linear.gather [hbm4b:s29+s2], $0x1000, $0x38;
	[tilespmem:$0xCC00] =	vst v63  }
0xad: {  	_ =	swait.ge [sflag:s15], $0x1000  }
0xae: {  	[sflag:s15] =	ssyncset.done $0x0  }
0xaf: {  	s30 =	sadd.s32 s8, s9;
	[sflag:s15] =	ssyncadd.s32 $0xFFFFF000  }
0xb0: {  	[tilespmem:s24], [sflag:$0x2] =	stream.linear.gather [hbm4b:s30+s2], $0x1000, $0x38;
	[tilespmem:$0xCC00] =	vst v63  }
0xb1: {  	_ =	swait.ge [sflag:s15], $0x1000  }
0xb2: {  	[sflag:s15] =	ssyncset.done $0x0  }
0xb3: {  	s9 =	sadd.s32 s1, s9;
	[sflag:s15] =	ssyncadd.s32 $0xFFFFF000  }
0xb4: {  	[tilespmem:s25], [sflag:$0x2] =	stream.linear.gather [hbm4b:s9+s2], $0x1000, $0x38;
	[tilespmem:$0xCC00] =	vst v63  }
0xb5: {  	_ =	swait.ge [sflag:s15], $0x1000  }
0xb6: {  	[sflag:s15] =	ssyncset.done $0x0  }
0xb7: {  	[sflag:s15] =	ssyncadd.s32 $0xFFFFF000  }
0xb8: {  	[tilespmem:$0x4180] =	vst v19  }
0xb9: {  	[tilespmem:$0x4190] =	vst v19  }
0xba: {  	[tilespmem:$0x41A0] =	vst v19  }
0xbb: {  	[tilespmem:$0x41B0] =	vst v19  }
0xbc: {  	[tilespmem:$0x41C0] =	vst v19  }
0xbd: {  	[tilespmem:$0x41D0] =	vst v19  }
0xbe: {  	[tilespmem:$0x41E0] =	vst v19  }
0xbf: {  	[tilespmem:$0x41F0] =	vst v19  }
0xc0: {  	s14 =	simm.s32 $0x40;
	s9 =	simm.s32 $0x0;
	[tilespmem:$0x4200] =	vst v19  }
.LBB2_6:
0xc1: {  	p0 =	sne.s32 s14, $0x3FC0;
	v3 =	vld [tilespmem:s9+$0x3180];
	_ =	sdelay $0x4  }
0xc2: {  	v3 =	vsub.s32 v3, v1  }
0xc3: {  	v4 =	vshra.s32 v3, $0x1F  }
0xc4: {  	v3 =	vor.u32 v4, v3  }
0xc5: {  	vm0 =	vlt.s32 v3, $0x80  }
0xc6: {  	v3 =	vnsel vm0, $0x80, v3  }
0xc7: {  	v3 =	vadd.s32 $0x1, v3  }
.Ltmp4:
0xc8: {  	(pc) =	sbr.rel @p0 .LBB2_6-.Ltmp4, $2  }
0xc9: {  	_ =	sdelay $0x2  }
0xca: {  	s9 =	sshra.s32 s14, $0x2;
	s14 =	sadd.s32 $0x40, s14;
	[tilespmem:v3+s26+$0x0] =	vst.idx.add.s32.msk $0xffff, v20  }
0xcb: {  	v3 =	vld [tilespmem:s9+$0x3180];
	_ =	sdelay $0x4  }
0xcc: {  	v3 =	vsub.s32 v3, v1  }
0xcd: {  	v4 =	vshra.s32 v3, $0x1F  }
0xce: {  	v3 =	vor.u32 v4, v3  }
0xcf: {  	vm0 =	vlt.s32 v3, $0x80  }
0xd0: {  	v3 =	vnsel vm0, $0x80, v3  }
0xd1: {  	v3 =	vadd.s32 $0x1, v3;
	_ =	sdelay $0x4  }
0xd2: {  	[tilespmem:v3+s26+$0x0] =	vst.idx.add.s32.msk $0xffff, v20  }
0xd3: {  	v3 =	vld [tilespmem:$0x4180];
	_ =	sdelay $0x1  }
0xd4: {  	v52 =	vld [tilespmem:$0x4190];
	_ =	sdelay $0x2  }
0xd5: {  	(xrf0) =	vadd.scan.msk.s32 $0xffff, v3;
	v3 =	vld [tilespmem:$0x41A0];
	_ =	sdelay $0x1  }
0xd6: {  	(xrf0) =	vadd.scan.msk.s32 $0xffff, v52  }
0xd7: {  	v53 =	vld [tilespmem:$0x41B0];
	_ =	sdelay $0x1  }
0xd8: {  	(xrf0) =	vadd.scan.msk.s32 $0xffff, v3  }
0xd9: {  	v37 =	vld [tilespmem:$0x41C0];
	v3, _, _ =	vpop (xrf0)  }
0xda: {  	v38 =	vbroadcast v3, $0xF  }
0xdb: {  	(xrf0) =	vadd.scan.msk.s32 $0xffff, v53;
	v39, _, _ =	vpop (xrf0)  }
0xdc: {  	v55 =	vld [tilespmem:$0x41D0];
	v54 =	vadd.s32 v38, v39  }
0xdd: {  	v39 =	vbroadcast v54, $0xF  }
0xde: {  	(xrf0) =	vadd.scan.msk.s32 $0xffff, v37;
	v40, _, _ =	vpop (xrf0)  }
0xdf: {  	v57 =	vld [tilespmem:$0x41E0];
	v56 =	vadd.s32 v39, v40  }
0xe0: {  	v40 =	vbroadcast v56, $0xF  }
0xe1: {  	v41, _, _ =	vpop (xrf0);
	(xrf0) =	vadd.scan.msk.s32 $0xffff, v55  }
0xe2: {  	v59 =	vld [tilespmem:$0x41F0];
	v58 =	vadd.s32 v40, v41  }
0xe3: {  	v41 =	vbroadcast v58, $0xF  }
0xe4: {  	v60 =	vld [tilespmem:$0x4200];
	v42, _, _ =	vpop (xrf0);
	(xrf0) =	vadd.scan.msk.s32 $0xffff, v57  }
0xe5: {  	v61 =	vld [tilespmem:$0xC380];
	v41 =	vadd.s32 v41, v42  }
0xe6: {  	v44 =	vld [tilespmem:$0x4181];
	v43 =	vbroadcast v41, $0xF  }
0xe7: {  	v62 =	vld [tilespmem:$0xC390];
	v45, _, _ =	vpop (xrf0);
	(xrf0) =	vadd.scan.msk.s32 $0xffff, v59  }
0xe8: {  	v63 =	vld [tilespmem:$0x4191];
	v43 =	vadd.s32 v43, v45  }
0xe9: {  	v47 =	vld [tilespmem:$0xC3A0];
	v46 =	vbroadcast v43, $0xF  }
0xea: {  	v49 =	vld [tilespmem:$0x41D1];
	[tilespmem:$0x4280] =	vst v3;
	v3, _, _ =	vpop (xrf0);
	(xrf0) =	vadd.scan.msk.s32 $0xffff, v60  }
0xeb: {  	v52 =	vld [tilespmem:$0x41A1];
	[tilespmem:$0x4290] =	vst v54;
	v3 =	vadd.s32 v46, v3  }
0xec: {  	v53 =	vld [tilespmem:$0xC3B0];
	[tilespmem:$0x42A0] =	vst v56;
	v54 =	vbroadcast v3, $0xF  }
0xed: {  	v55 =	vld [tilespmem:$0x41B1];
	[tilespmem:$0x42B0] =	vst v58;
	v48, _, _ =	vpop (xrf0)  }
0xee: {  	v56 =	vld [tilespmem:$0xC3C0];
	[tilespmem:$0x42C0] =	vst v41;
	v37 =	vadd.s32 v54, v48  }
0xef: {  	v57 =	vld [tilespmem:$0x41C1];
	[tilespmem:$0x42D0] =	vst v43;
	v58 =	vbroadcast v37, $0xF  }
0xf0: {  	v59 =	vld [tilespmem:$0xC3D0];
	[tilespmem:$0x42E0] =	vst v3;
	v3, _, _ =	vpop (xrf0)  }
0xf1: {  	v60 =	vld [tilespmem:$0xC3E0];
	[tilespmem:$0x42F0] =	vst v37;
	v3 =	vadd.s32 v58, v3  }
0xf2: {  	[tilespmem:$0x4300] =	vst v3;
	v3 =	vadd.s32 v61, v44;
	v61 =	vld [tilespmem:$0x41E1]  }
0xf3: {  	[tilespmem:$0xC380] =	vst v3;
	v3 =	vadd.s32 v62, v63;
	v62 =	vld [tilespmem:$0xC3F0]  }
0xf4: {  	v63 =	vld [tilespmem:$0x41F1];
	[tilespmem:$0xC390] =	vst v3;
	v3 =	vadd.s32 v47, v52  }
0xf5: {  	[tilespmem:$0xC3A0] =	vst v3;
	v3 =	vadd.s32 v53, v55  }
.Ltmp5:
0xf6: {  	[tilespmem:$0xC3B0] =	vst v3;
	v3 =	vadd.s32 v56, v57;
	(pc) =	sbr.rel .LBB2_8-.Ltmp5, $4  }
0xf7: {  	[tilespmem:$0xC3C0] =	vst v3;
	v3 =	vadd.s32 v59, v49  }
0xf8: {  	[tilespmem:$0xC3D0] =	vst v3;
	v3 =	vadd.s32 v60, v61  }
0xf9: {  	[tilespmem:$0xC3E0] =	vst v3;
	v3 =	vadd.s32 v62, v63  }
0xfa: {  	s14 =	simm.s32 $0x0;
	[tilespmem:$0xC3F0] =	vst v3  }
.LBB2_10:
0xfb: {  	v57 =	vmov v41;
	v56 =	vmov v40;
	v58 =	vmov v39  }
0xfc: {  	v48 =	vmovc v38;
	v50 =	vmovc v37;
	v51 =	vmov v43;
	v52 =	vmov v44;
	v53 =	vmov v42  }
.LBB2_16:
0xfd: {  	_ =	sdelay $0x1  }
0xfe: {  	v5 =	vadd.f32 @p0 v63, v62;
	v6 =	vmul.f32 @p0 v61, v36  }
0xff: {  	v7 =	vmul.f32 @p0 v59, v26;
	v3 =	vadd.f32 @p0 v4, v3;
	v4 =	vmul.f32 @p0 v60, v30  }
0x100: {  	v59 =	vmul.f32 @p0 v59, v27;
	v60 =	vmul.f32 @p0 v60, v31;
	v62 =	vld.idx.msk [tilespmem:v49+s5+$0x0], $0xffff;
	v5 =	vadd.f32 @p0 v6, v5  }
0x101: {  	v6 =	vmul.f32 @p0 v61, v33;
	v4 =	vadd.f32 @p0 v4, v7;
	v7 =	vmul.f32 @p0 v61, v34  }
0x102: {  	v61 =	vmul.f32 @p0 v61, v35;
	v59 =	vadd.f32 @p0 v60, v59;
	v5 =	vadd.f32 @p0 v5, v24  }
0x103: {  	v60 =	vld.idx.msk [tilespmem:v49+s23+$0x0], $0xffff;
	v3 =	vadd.f32 @p0 v6, v3;
	v4 =	vadd.f32 @p0 v7, v4  }
0x104: {  	v6 =	vmax.f32 @p1 v57, v55;
	v7 =	vld.idx.msk [tilespmem:v49+s24+$0x0], $0xffff;
	v49 =	vadd.f32 @p0 v61, v59;
	v55 =	vadd.f32 @p1 v54, v58  }
0x105: {  	v54 =	vmax.f32 @p1 v56, v54;
	v46 =	vsub.f32 v62, v46;
	v6 =	vpsel p1, v6, v41  }
0x106: {  	v54 =	vpsel p1, v54, v40;
	v5 =	vmax.f32 @p0 v5, $0.0e+00;
	v3 =	vadd.f32 @p0 v3, v21  }
0x107: {  	v4 =	vadd.f32 @p0 v4, v22;
	v49 =	vadd.f32 @p0 v49, v23;
	v55 =	vpsel p1, v55, v39  }
0x108: {  	v47 =	vsub.f32 v60, v47;
	v62 =	vshrl.u32 v46, $0x10;
	v3 =	vmax.f32 @p0 v3, $0.0e+00  }
0x109: {  	v4 =	vmax.f32 @p0 v4, $0.0e+00;
	v49 =	vmax.f32 @p0 v49, $0.0e+00;
	v51 =	vadd.f32 @p0 v3, v51  }
0x10a: {  	v57 =	vand.u32 $0x1, v62;
	v52 =	vadd.f32 @p0 v4, v52;
	v7 =	vsub.f32 v7, v45  }
0x10b: {  	v3 =	vmax.f32 @p0 v53, v3;
	v63 =	vshrl.u32 v47, $0x10;
	v46 =	vadd.s32 v57, v46  }
0x10c: {  	v4 =	vpsel p0, v4, v0;
	v49 =	vpsel p0, v49, v0;
	v46 =	vadd.s32 $0x7FFF, v46  }
0x10d: {  	v45 =	vand.u32 $0x1, v63;
	v58 =	vshrl.u32 v7, $0x10;
	v46 =	vand.u32 $0xFFFF0000, v46  }
0x10e: {  	v45 =	vadd.s32 v45, v47;
	v59 =	vand.u32 $0x1, v58;
	v47 =	vmul.f32 v46, v28  }
0x10f: {  	v45 =	vadd.s32 $0x7FFF, v45;
	v60 =	vmul.f32 v46, v25;
	v62 =	vmul.f32 v46, v26  }
0x110: {  	v46 =	vmul.f32 v46, v27;
	v7 =	vadd.s32 v59, v7;
	v45 =	vand.u32 $0xFFFF0000, v45  }
0x111: {  	v7 =	vadd.s32 $0x7FFF, v7;
	v61 =	vmul.f32 v45, v29;
	v63 =	vmul.f32 v45, v30  }
0x112: {  	v53 =	vmul.f32 v45, v32;
	v45 =	vmul.f32 v45, v31;
	v7 =	vand.u32 $0xFFFF0000, v7  }
0x113: {  	v56 =	vadd.f32 v61, v60;
	v60 =	vmul.f32 v7, v33;
	v57 =	vadd.f32 v63, v62  }
0x114: {  	v61 =	vmul.f32 v7, v34;
	v47 =	vadd.f32 v53, v47;
	v62 =	vmul.f32 v7, v36  }
0x115: {  	v45 =	vadd.f32 v45, v46;
	v7 =	vmul.f32 v7, v35;
	v56 =	vadd.f32 v60, v56  }
0x116: {  	v3 =	vpsel p0, v3, v42;
	v63 =	vadd.f32 v61, v57;
	v47 =	vadd.f32 v62, v47  }
0x117: {  	v43 =	vpsel p0, v51, v43;
	v7 =	vadd.f32 v7, v45;
	v56 =	vadd.f32 v56, v21  }
0x118: {  	v44 =	vpsel p0, v52, v44;
	v58 =	vadd.f32 v63, v22;
	v60 =	vadd.f32 v47, v24  }
0x119: {  	v47 =	vadd.f32 @p0 v49, v55;
	v7 =	vadd.f32 v7, v23;
	v59 =	vmax.f32 v56, $0.0e+00  }
0x11a: {  	v45 =	vmax.f32 v58, $0.0e+00;
	v43 =	vadd.f32 v59, v43;
	v3 =	vmax.f32 v3, v59  }
0x11b: {  	v50 =	vadd.f32 @p0 v5, v50;
	v4 =	vmax.f32 @p0 v6, v4;
	v6 =	vadd.f32 v45, v44;
	[tilespmem:s28+$0x8380] =	vst v3  }
0x11c: {  	v4 =	vpsel p0, v4, v41;
	v7 =	vmax.f32 v7, $0.0e+00;
	v61 =	vpsel p0, v47, v39;
	[tilespmem:s28+$0x4380] =	vst v43  }
0x11d: {  	v4 =	vmax.f32 v4, v45;
	v39 =	vadd.f32 v7, v61;
	v3 =	vmax.f32 @p0 v54, v49;
	[tilespmem:s21+$0x4380] =	vst v6  }
0x11e: {  	v62 =	vmax.f32 v60, $0.0e+00;
	v3 =	vpsel p0, v3, v40;
	v6 =	vpsel p0, v50, v37;
	[tilespmem:s21+$0x8380] =	vst v4  }
0x11f: {  	v4 =	vmax.f32 @p0 v48, v5;
	v3 =	vmax.f32 v3, v7;
	v63 =	vadd.f32 v62, v6;
	[tilespmem:s19+$0x4380] =	vst v39  }
0x120: {  	v4 =	vpsel p0, v4, v38;
	[tilespmem:s19+$0x8380] =	vst v3  }
0x121: {  	v3 =	vmax.f32 v4, v62;
	[tilespmem:s16+$0x4380] =	vst v63  }
0x122: {  	[tilespmem:s16+$0x8380] =	vst v3  }
.LBB2_17:
0x123: {  	s14 =	sadd.s32 $0x1, s14  }
0x124: {  	p0 =	sne.s32 s14, $0x80  }
.Ltmp6:
0x125: {  	_ = 	snop;
	(pc) =	sbr.rel @!p0 .LBB2_18-.Ltmp6, $1  }
0x126: {  	_ =	sdelay $0x3  }
.LBB2_8:
0x127: {  	v3 =	vld [tilespmem:s14+$0x4180];
	_ =	sdelay $0x4  }
0x128: {  	(v2sf) =	vpush v3, $0x1;
	_ =	sdelay $0xe  }
0x129: {  	s29 =	spop (v2sf)  }
0x12a: {  	p0 =	slt.s32 s29, $0x1  }
.Ltmp7:
0x12b: {  	_ = 	snop;
	(pc) =	sbr.rel @p0 .LBB2_17-.Ltmp7, $1  }
0x12c: {  	_ =	sdelay $0x3  }
0x12d: {  	v3 =	vld [tilespmem:s14+$0x4280];
	_ =	sdelay $0x4  }
0x12e: {  	(v2sf) =	vpush v3, $0x0;
	_ =	sdelay $0x3  }
0x12f: {  	s9 =	smul.u32 $0x6, s14;
	s28 =	sshll.u32 s14, $0x7  }
0x130: {  	v43 =	vld [tilespmem:s28+$0x4380]  }
0x131: {  	v44 =	vld [tilespmem:s28+$0x4390];
	v3 =	vmov s9  }
0x132: {  	v39 =	vld [tilespmem:s28+$0x43A0];
	v37 =	vadd.s32 $0x2, v3  }
0x133: {  	v42 =	vld [tilespmem:s28+$0x8380]  }
0x134: {  	v41 =	vld [tilespmem:s28+$0x8390]  }
0x135: {  	v40 =	vld [tilespmem:s28+$0x83A0]  }
0x136: {  	p2 =	sne.s32 s29, $0x1;
	v38 =	vld [tilespmem:s28+$0x83B0];
	v4 =	vor.u32 $0x1, v3  }
.Ltmp8:
0x137: {  	v45 =	vld.idx.msk [tilespmem:v37+s22+$0x0], $0xffff;
	(pc) =	sbr.rel @!p2 .LBB2_10-.Ltmp8, $4  }
0x138: {  	v37 =	vld [tilespmem:s28+$0x43B0]  }
0x139: {  	s30 =	sadd.s32 $0xFFFFFFFF, s29  }
0x13a: {  	p0 =	por $0x0, $0x0;
	p1 =	por $0x0, $0x0;
	v46 =	vld.idx.msk [tilespmem:v3+s22+$0x0], $0xffff;
	s9 =	spop (v2sf)  }
0x13b: {  	s21 =	sor.u32 $0x10, s28;
	s19 =	sor.u32 $0x20, s28;
	s16 =	sor.u32 $0x30, s28;
	v47 =	vld.idx.msk [tilespmem:v4+s22+$0x0], $0xffff;
	v49 =	vmov s9  }
0x13c: {  	_ =	sdelay $0x3  }
0x13d: {  	v3 =	vld.idx.msk [tilespmem:v49+s5+$0x0], $0xffff  }
0x13e: {  	v4 =	vld.idx.msk [tilespmem:v49+s23+$0x0], $0xffff;
	_ =	sdelay $0x1  }
0x13f: {  	v48 =	vld.idx.msk [tilespmem:v49+s24+$0x0], $0xffff;
	_ =	sdelay $0x2  }
0x140: {  	v3 =	vsub.f32 v3, v46;
	v4 =	vsub.f32 v4, v47;
	_ =	sdelay $0x1  }
0x141: {  	s29 =	sadd.s32 $0x1, s9;
	v48 =	vsub.f32 v48, v45;
	v50 =	vshrl.u32 v3, $0x10;
	v51 =	vshrl.u32 v4, $0x10  }
0x142: {  	p2 =	sne.s32 s30, $0x1;
	v49 =	vmov s29;
	v50 =	vand.u32 $0x1, v50;
	v51 =	vand.u32 $0x1, v51  }
.Ltmp9:
0x143: {  	v63 =	vshrl.u32 v48, $0x10;
	v3 =	vadd.s32 v50, v3;
	v4 =	vadd.s32 v51, v4;
	(pc) =	sbr.rel @!p2 .LBB2_12-.Ltmp9, $4  }
0x144: {  	v50 =	vand.u32 $0x1, v63;
	v3 =	vadd.s32 $0x7FFF, v3;
	v4 =	vadd.s32 $0x7FFF, v4  }
0x145: {  	v59 =	vand.u32 $0xFFFF0000, v3;
	v60 =	vand.u32 $0xFFFF0000, v4;
	v3 =	vadd.s32 v50, v48  }
0x146: {  	v3 =	vadd.s32 $0x7FFF, v3;
	v62 =	vmul.f32 v59, v28;
	v63 =	vmul.f32 v60, v32  }
0x147: {  	s30 =	sadd.s32 $0xFFFFFFFF, s30;
	p0 =	por $0x1, $0x1;
	v4 =	vmul.f32 v60, v29;
	v61 =	vand.u32 $0xFFFF0000, v3;
	v3 =	vmul.f32 v59, v25  }
0x148: {  	_ = 	snop  }
0x149: {  	v50 =	vmul.f32 v61, v36  }
0x14a: {  	v48 =	vadd.f32 v63, v62;
	v51 =	vmul.f32 v59, v26;
	v52 =	vmul.f32 v59, v27  }
0x14b: {  	v53 =	vmul.f32 v60, v31;
	v3 =	vadd.f32 v4, v3;
	v4 =	vmul.f32 v60, v30  }
0x14c: {  	v57 =	vmul.f32 v61, v33;
	v58 =	vmul.f32 v61, v34;
	v59 =	vld.idx.msk [tilespmem:v49+s23+$0x0], $0xffff  }
0x14d: {  	v55 =	vmul.f32 v61, v35;
	v61 =	vld.idx.msk [tilespmem:v49+s24+$0x0], $0xffff;
	v48 =	vadd.f32 v50, v48;
	v4 =	vadd.f32 v4, v51  }
0x14e: {  	v54 =	vld.idx.msk [tilespmem:v49+s5+$0x0], $0xffff;
	v52 =	vadd.f32 v53, v52;
	v3 =	vadd.f32 v57, v3  }
0x14f: {  	s29 =	sadd.s32 $0x1, s29;
	v48 =	vadd.f32 v48, v24;
	v4 =	vadd.f32 v58, v4  }
0x150: {  	v49 =	vmov s29;
	v60 =	vadd.f32 v55, v52;
	v3 =	vadd.f32 v3, v21  }
0x151: {  	v56 =	vsub.f32 v59, v47;
	v62 =	vmax.f32 v48, $0.0e+00;
	v4 =	vadd.f32 v4, v22  }
0x152: {  	v58 =	vsub.f32 v61, v45;
	v52 =	vadd.f32 v60, v23;
	v48 =	vmax.f32 v38, v62  }
0x153: {  	v50 =	vadd.f32 v62, v37;
	v55 =	vmax.f32 v4, $0.0e+00;
	v4 =	vsub.f32 v54, v46  }
0x154: {  	v3 =	vmax.f32 v3, $0.0e+00;
	v57 =	vshrl.u32 v56, $0x10;
	v63 =	vshrl.u32 v58, $0x10  }
0x155: {  	v51 =	vadd.f32 v3, v43;
	v53 =	vmax.f32 v42, v3;
	v3 =	vshrl.u32 v4, $0x10  }
0x156: {  	p2 =	sne.s32 s30, $0x1;
	v57 =	vand.u32 $0x1, v57;
	v54 =	vmax.f32 v52, $0.0e+00;
	v3 =	vand.u32 $0x1, v3  }
.Ltmp10:
0x157: {  	v52 =	vadd.f32 v55, v44;
	v3 =	vadd.s32 v3, v4;
	v4 =	vadd.s32 v57, v56;
	(pc) =	sbr.rel @!p2 .LBB2_14-.Ltmp10, $4  }
0x158: {  	v56 =	vand.u32 $0x1, v63;
	v3 =	vadd.s32 $0x7FFF, v3;
	v4 =	vadd.s32 $0x7FFF, v4  }
0x159: {  	v59 =	vand.u32 $0xFFFF0000, v3;
	v60 =	vand.u32 $0xFFFF0000, v4;
	v3 =	vadd.s32 v56, v58  }
0x15a: {  	v57 =	vmovc v41;
	v3 =	vadd.s32 $0x7FFF, v3;
	v62 =	vmul.f32 v59, v28;
	v63 =	vmul.f32 v60, v32  }
0x15b: {  	s30 =	sadd.s32 $0xFFFFFFFF, s30;
	p1 =	por $0x1, $0x1;
	v58 =	vmovc v39;
	v4 =	vmul.f32 v60, v29;
	v56 =	vmovc v40;
	v61 =	vand.u32 $0xFFFF0000, v3;
	v3 =	vmul.f32 v59, v25  }
.LBB2_15:
0x15c: {  	p2 =	sne.s32 s30, $0x1;
	v5 =	vmul.f32 v59, v26;
	v62 =	vadd.f32 v63, v62;
	v63 =	vmul.f32 v61, v36  }
0x15d: {  	v3 =	vadd.f32 v4, v3;
	v4 =	vmul.f32 v60, v30;
	v59 =	vmul.f32 v59, v27  }
0x15e: {  	v6 =	vmul.f32 v61, v33;
	v60 =	vmul.f32 v60, v31;
	v62 =	vadd.f32 v63, v62  }
0x15f: {  	v4 =	vadd.f32 v4, v5;
	v5 =	vmul.f32 v61, v34;
	v61 =	vmul.f32 v61, v35;
	v63 =	vld.idx.msk [tilespmem:v49+s5+$0x0], $0xffff  }
0x160: {  	v57 =	vmax.f32 v57, v55;
	v59 =	vadd.f32 v60, v59;
	v7 =	vld.idx.msk [tilespmem:v49+s23+$0x0], $0xffff;
	v60 =	vadd.f32 v62, v24  }
0x161: {  	v56 =	vmax.f32 v56, v54;
	v3 =	vadd.f32 v6, v3;
	v4 =	vadd.f32 v5, v4  }
0x162: {  	v58 =	vadd.f32 v54, v58;
	v6 =	vadd.f32 v61, v59;
	v5 =	vld.idx.msk [tilespmem:v49+s24+$0x0], $0xffff;
	v49 =	vmax.f32 v60, $0.0e+00  }
0x163: {  	v3 =	vadd.f32 v3, v21;
	v4 =	vadd.f32 v4, v22;
	v48 =	vmax.f32 v48, v49  }
0x164: {  	v6 =	vadd.f32 v6, v23;
	v50 =	vadd.f32 v49, v50  }
0x165: {  	v3 =	vmax.f32 v3, $0.0e+00;
	v55 =	vmax.f32 v4, $0.0e+00  }
0x166: {  	v4 =	vsub.f32 v63, v46;
	v54 =	vmax.f32 v6, $0.0e+00;
	v7 =	vsub.f32 v7, v47  }
0x167: {  	v51 =	vadd.f32 v3, v51;
	v53 =	vmax.f32 v53, v3;
	v52 =	vadd.f32 v55, v52  }
0x168: {  	s29 =	sadd.s32 $0x1, s29;
	v3 =	vshrl.u32 v4, $0x10;
	v6 =	vshrl.u32 v7, $0x10;
	v5 =	vsub.f32 v5, v45  }
0x169: {  	v49 =	vmov s29;
	v3 =	vand.u32 $0x1, v3;
	v6 =	vand.u32 $0x1, v6  }
.Ltmp11:
0x16a: {  	v3 =	vadd.s32 v3, v4;
	v4 =	vadd.s32 v6, v7;
	v6 =	vshrl.u32 v5, $0x10;
	(pc) =	sbr.rel @p2 .LBB2_15-.Ltmp11, $4  }
0x16b: {  	v3 =	vadd.s32 $0x7FFF, v3;
	v4 =	vadd.s32 $0x7FFF, v4;
	v6 =	vand.u32 $0x1, v6  }
0x16c: {  	v59 =	vand.u32 $0xFFFF0000, v3;
	v60 =	vand.u32 $0xFFFF0000, v4;
	v3 =	vadd.s32 v6, v5  }
0x16d: {  	v62 =	vmul.f32 v59, v28;
	v3 =	vadd.s32 $0x7FFF, v3;
	v63 =	vmul.f32 v60, v32  }
0x16e: {  	s30 =	sadd.s32 $0xFFFFFFFF, s30;
	v4 =	vmul.f32 v60, v29;
	v61 =	vand.u32 $0xFFFF0000, v3;
	v3 =	vmul.f32 v59, v25  }
.Ltmp12:
0x16f: {  	_ = 	snop;
	(pc) =	sbr.rel .LBB2_16-.Ltmp12, $1  }
0x170: {  	_ =	sdelay $0x3  }
.LBB2_12:
.Ltmp13:
0x171: {  	(pc) =	sbr.rel .LBB2_16-.Ltmp13, $3  }
0x172: {  	_ =	sdelay $0x1  }
0x173: {  	v57 =	vmov v41;
	v56 =	vmov v40;
	v58 =	vmov v39  }
0x174: {  	v48 =	vmovc v38;
	v50 =	vmovc v37;
	v51 =	vmov v43;
	v52 =	vmov v44;
	v53 =	vmov v42  }
.LBB2_14:
.Ltmp14:
0x175: {  	(pc) =	sbr.rel .LBB2_16-.Ltmp14, $2  }
0x176: {  	_ =	sdelay $0x2  }
0x177: {  	v57 =	vmov v41;
	v56 =	vmov v40;
	v58 =	vmov v39  }
.LBB2_19:
0x178: {  	v3 =	vld [tilespmem:$0xC380]  }
0x179: {  	v4 =	vld [tilespmem:$0xC390]  }
0x17a: {  	v5 =	vld [tilespmem:$0xC3A0]  }
0x17b: {  	v6 =	vld [tilespmem:$0xC3B0];
	_ =	sdelay $0x1  }
0x17c: {  	v3 =	vcvt.s32.f32 v3  }
0x17d: {  	v4 =	vcvt.s32.f32 v4  }
0x17e: {  	v5 =	vcvt.s32.f32 v5;
	v7 =	vmax.f32 v3, $1.000000000e+00  }
0x17f: {  	v6 =	vcvt.s32.f32 v6;
	v21 =	vmax.f32 v4, $1.000000000e+00;
	(erf) = vrcp.f32 v7;
	v7 =	vld [tilespmem:$0xC3C0]  }
0x180: {  	v22 =	vmax.f32 v5, $1.000000000e+00;
	(erf) = vrcp.f32 v21;
	v21 =	vld [tilespmem:$0xC3D0]  }
0x181: {  	v23 =	vmax.f32 v6, $1.000000000e+00;
	(erf) = vrcp.f32 v22;
	v22 =	vld [tilespmem:$0xC3E0]  }
0x182: {  	(erf) = vrcp.f32 v23;
	v23 =	vld [tilespmem:$0xC3F0];
	_ =	sdelay $0x1  }
0x183: {  	v7 =	vcvt.s32.f32 v7  }
0x184: {  	[tilespmem:$0xC500] =	vst v3;
	v21 =	vcvt.s32.f32 v21  }
0x185: {  	[tilespmem:$0xC510] =	vst v4;
	v24 =	vmax.f32 v7, $1.000000000e+00;
	v22 =	vcvt.s32.f32 v22  }
0x186: {  	[tilespmem:$0xC520] =	vst v5;
	(erf) = vrcp.f32 v24;
	v63 =	vmax.f32 v21, $1.000000000e+00;
	v23 =	vcvt.s32.f32 v23  }
0x187: {  	[tilespmem:$0xC530] =	vst v6;
	v3 =	vpop (erf);
	(erf) = vrcp.f32 v63;
	v4 =	vmax.f32 v22, $1.000000000e+00  }
0x188: {  	[tilespmem:$0xC400] =	vst v3;
	v3 =	vpop (erf);
	(erf) = vrcp.f32 v4;
	v4 =	vmax.f32 v23, $1.000000000e+00  }
0x189: {  	[tilespmem:$0xC410] =	vst v3;
	v3 =	vpop (erf);
	(erf) = vrcp.f32 v4  }
0x18a: {  	[tilespmem:$0xC540] =	vst v7  }
0x18b: {  	[tilespmem:$0xC550] =	vst v21  }
0x18c: {  	[tilespmem:$0xC560] =	vst v22  }
0x18d: {  	[tilespmem:$0xC570] =	vst v23  }
0x18e: {  	[tilespmem:$0xC420] =	vst v3;
	v3 =	vpop (erf)  }
0x18f: {  	[tilespmem:$0xC430] =	vst v3;
	v3 =	vpop (erf)  }
0x190: {  	[tilespmem:$0xC440] =	vst v3;
	v3 =	vpop (erf)  }
0x191: {  	[tilespmem:$0xC450] =	vst v3;
	v3 =	vpop (erf)  }
0x192: {  	[tilespmem:$0xC460] =	vst v3;
	v3 =	vpop (erf)  }
0x193: {  	s0 =	simm.s32 $0x43A0;
	[tilespmem:$0xC470] =	vst v3  }
0x194: {  	v3 =	vld [tilespmem:s0+$0xFFFFFFF0]  }
0x195: {  	s2 =	simm.s32 $0x0;
	v5 =	vld [tilespmem:s0+$0x10]  }
0x196: {  	v6 =	vld.msk [tilespmem:s2+$0xC400 ss:$0x0], $0xffff  }
0x197: {  	v4 =	vld [tilespmem:s0+$0xFFFFFFE0]  }
0x198: {  	v7 =	vld [tilespmem:s0+$0x0];
	_ =	sdelay $0x3  }
0x199: {  	v4 =	vmul.f32 v6, v4;
	v22 =	vmul.f32 v5, v6  }
0x19a: {  	s3 =	simm.s32 $0x43A0;
	s2 =	simm.s32 $0x4;
	v21 =	vmul.f32 v3, v6;
	v3 =	vmul.f32 v7, v6  }
.LBB2_20:
0x19b: {  	p0 =	sne.s32 s2, $0x1FC  }
0x19c: {  	[tilespmem:s0+$0x10] =	vst v22;
	s3 =	sadd.s32 $0x80, s3;
	s4 =	smov.u32 s2;
	s2 =	sadd.s32 $0x4, s2  }
0x19d: {  	[tilespmem:s0+$0xFFFFFFE0] =	vst v4  }
0x19e: {  	v5 =	vld [tilespmem:s3+$0xFFFFFFF0];
	[tilespmem:s0+$0xFFFFFFF0] =	vst v21  }
0x19f: {  	s4 =	sshra.s32 s4, $0x2;
	v6 =	vld [tilespmem:s3+$0x10];
	[tilespmem:s0+$0x0] =	vst v3;
	s0 =	smov.u32 s3  }
0x1a0: {  	v3 =	vld.msk [tilespmem:s4+$0xC400 ss:$0x0], $0xffff  }
0x1a1: {  	v4 =	vld [tilespmem:s3+$0xFFFFFFE0]  }
0x1a2: {  	v7 =	vld [tilespmem:s3+$0x0]  }
.Ltmp15:
0x1a3: {  	(pc) =	sbr.rel @p0 .LBB2_20-.Ltmp15, $3  }
0x1a4: {  	_ =	sdelay $0x1  }
0x1a5: {  	v22 =	vmul.f32 v6, v3;
	v4 =	vmul.f32 v3, v4  }
0x1a6: {  	v21 =	vmul.f32 v5, v3;
	v3 =	vmul.f32 v7, v3  }
0x1a7: {  	[tilespmem:s0+$0x10] =	vst v22  }
0x1a8: {  	[tilespmem:s0+$0xFFFFFFE0] =	vst v4  }
0x1a9: {  	[tilespmem:s0+$0xFFFFFFF0] =	vst v21  }
0x1aa: {  	s28 =	simm.s32 $0x8380;
	[tilespmem:s0+$0x0] =	vst v3  }
0x1ab: {  	[hbm4b:s10+s5] =	stream.linear.scatter [tilespmem:s28], [sflag:$0x2], $0x4000, $0x38;
	[tilespmem:$0xCC00] =	vst v63  }
0x1ac: {  	_ =	swait.ge [sflag:s15], $0x4000  }
0x1ad: {  	[sflag:s15] =	ssyncset.done $0x0  }
0x1ae: {  	s29 =	simm.s32 $0x4380;
	[sflag:s15] =	ssyncadd.s32 $0xFFFFC000  }
0x1af: {  	[hbm4b:s11+s5] =	stream.linear.scatter [tilespmem:s29], [sflag:$0x2], $0x4000, $0x38;
	[tilespmem:$0xCC00] =	vst v63  }
0x1b0: {  	s31 =	sadd.s32 $0x1, s31;
	_ =	swait.ge [sflag:s15], $0x4000  }
0x1b1: {  	p0 =	sne.s32 s31, s13;
	[sflag:s15] =	ssyncset.done $0x0  }
.Ltmp16:
0x1b2: {  	s30 =	simm.s32 $0xC500;
	[sflag:s15] =	ssyncadd.s32 $0xFFFFC000;
	(pc) =	sbr.rel @p0 .LBB2_1-.Ltmp16, $4  }
0x1b3: {  	[hbm4b:s12+s5] =	stream.linear.scatter [tilespmem:s30], [sflag:$0x2], $0x80, $0x38;
	[tilespmem:$0xCC00] =	vst v63  }
0x1b4: {  	_ =	swait.ge [sflag:s15], $0x80  }
0x1b5: {  	[sflag:s15] =	ssyncset.done $0x0  }
0x1b6: {  	[sflag:s15] =	ssyncadd.s32 $0xFFFFFF80  }
0x1b7: {  	_ =	sfence.sel $0x180000  }
0x1b8: {  	[bflag:$0x0] =	sbarrier.arrive $0xFFFF  }
0x1b9: {  	_ =	strace $0x90000047  }
0x1ba: {  	s0 =	stileid.u32;
	[bflag:$0x2] =	sbarrier.arrive $0xFFFF  }
0x1bb: {  	p0 =	sne.s32 s0, $0x0;
	s0 =	rddreg [dreg:$0x5]  }
0x1bc: {  	s0 =	sadd.s32 @!p0 $0x100000, s0  }
0x1bd: {  	[sflag:s0] =	ssyncadd.tile.s32 @!p0 $0x1;
	_ =	shalt  }
.Lfunc_end2:
_tile_overlayer_lowered:
.L_overlay_start_2:
0x1be: {  	(tag) =	ssettag $0x2  }
0x1bf: {  	s0 =	rddreg [dreg:$0x0];
	s2 =	stileid.u32  }
0x1c0: {  	s1 =	rddreg [dreg:$0x1];
	p0 =	sne.s32 s2, $0x0  }
0x1c1: {  	s3 =	rddreg [dreg:$0x2];
	[bflag:$0x3] =	sbarrier.arrive $0xFFFF;
	s2 =	simm.s32 @!p0 $0x1C02  }
0x1c2: {  	[timem:s3], [sflag:s2] =	dma.local @!p0 [hbm:s0], s1  }
0x1c3: {  	s0 =	simm.s32 @!p0 $0x2  }
0x1c4: {  	_ =	swait.ge @!p0 [sflag:s0], s1  }
0x1c5: {  	s1 =	ssub.s32 @!p0 $0x0, s1;
	[sflag:s0] =	ssyncset.done @!p0 $0x0  }
0x1c6: {  	[sflag:s0] =	ssyncadd.s32 @!p0 s1  }
0x1c7: {  	[bflag:$0x3] =	sbarrier.arrive $0xFFFF  }
0x1c8: {  	_ =	shalt  }

</sc_bundles>
